<compile_context>
chip_gen: v7x
topology: tpu7x:2x2x1
jax: 0.10.2.dev20260603
libtpu: 0.0.44.dev20260713+nightly
codegen_flags: <defaults>
</compile_context>

<pallas_src>
import functools
import jax
import jax.numpy as jnp
from jax import lax
from jax.experimental import pallas as pl
from jax.experimental.pallas import tpu as pltpu
from jax.experimental.pallas import tpu_sc as plsc

BT = 512


def _tri_incl(n):
    r = lax.broadcasted_iota(jnp.int32, (n, n), 0)
    c = lax.broadcasted_iota(jnp.int32, (n, n), 1)
    return (r >= c).astype(jnp.float32)


def _tri_strict_upper(n):
    r = lax.broadcasted_iota(jnp.int32, (n, n), 0)
    c = lax.broadcasted_iota(jnp.int32, (n, n), 1)
    return (r < c).astype(jnp.float32)


def _route_kernel(ti_ref, pos_ref, tile_ref, expert_ref, start_ref, end_ref,
                  num_experts, num_tiles):
    a = ti_ref[...]
    R, C = a.shape
    TK = R * C
    E = num_experts
    NT = num_tiles
    Lr = _tri_incl(R)
    Uc = _tri_strict_upper(C)
    pos = jnp.zeros((R, C), jnp.float32)
    off = 0.0
    offs = []
    for e in range(E):
        o = (a == e).astype(jnp.float32)
        w = jax.lax.dot_general(Lr, o, (((1,), (0,)), ((), ())),
                                preferred_element_type=jnp.float32)
        tot = w[R - 1:R, :]
        pre = jax.lax.dot_general(tot, Uc, (((1,), (0,)), ((), ())),
                                  preferred_element_type=jnp.float32)
        offs.append(off)
        pos = pos + o * (off + pre + w - 1.0)
        off = off + jnp.sum(tot)
    pos_ref[...] = pos.astype(jnp.int32)

    NA, NB = NT - 1, E - 1
    NCUT = NA + NB
    U = NT + E - 1
    av = (lax.broadcasted_iota(jnp.int32, (NA, 1), 0).astype(jnp.float32)
          + 1.0) * BT
    bv = jnp.concatenate(
        [lax.broadcast(offs[e], (1, 1)) for e in range(1, E)], 0)
    ia = lax.broadcasted_iota(jnp.int32, (NA, 1), 0).astype(jnp.float32) + jnp.sum(
        (bv[:, 0][None, :] <= av).astype(jnp.float32), axis=1, keepdims=True)
    ib = lax.broadcasted_iota(jnp.int32, (NB, 1), 0).astype(jnp.float32) + jnp.sum(
        (av[:, 0][None, :] < bv).astype(jnp.float32), axis=1, keepdims=True)
    uu = lax.broadcasted_iota(jnp.int32, (1, NCUT), 1).astype(jnp.float32)
    cuts = (
        jnp.sum(av * (ia == uu).astype(jnp.float32), axis=0, keepdims=True)
        + jnp.sum(bv * (ib == uu).astype(jnp.float32), axis=0, keepdims=True))
    starts = jnp.concatenate([jnp.zeros((1, 1), jnp.float32), cuts], 1)
    ends = jnp.concatenate([cuts, jnp.full((1, 1), TK, jnp.float32)], 1)
    tile = jnp.clip(jnp.floor(starts / BT), 0, NT - 1)
    ex = jnp.zeros((1, U), jnp.float32)
    for e in range(1, E):
        ex = ex + (lax.broadcast(offs[e], (1, U)) <= starts).astype(jnp.float32)
    expert = jnp.clip(ex, 0, E - 1)
    tile_ref[...] = tile.astype(jnp.int32)
    expert_ref[...] = expert.astype(jnp.int32)
    start_ref[...] = starts.astype(jnp.int32)
    end_ref[...] = ends.astype(jnp.int32)


def _route(tiT2d, num_experts, num_tiles):
    R, C = tiT2d.shape
    U = num_tiles + num_experts - 1
    return pl.pallas_call(
        functools.partial(_route_kernel, num_experts=num_experts,
                          num_tiles=num_tiles),
        out_shape=(
            jax.ShapeDtypeStruct((R, C), jnp.int32),
            jax.ShapeDtypeStruct((1, U), jnp.int32),
            jax.ShapeDtypeStruct((1, U), jnp.int32),
            jax.ShapeDtypeStruct((1, U), jnp.int32),
            jax.ShapeDtypeStruct((1, U), jnp.int32),
        ),
    )(tiT2d)


def _gmm_kernel(tile_s, expert_s, start_s, end_s,
                xs_ref, wg_ref, wu_ref, wd_ref, ys_ref,
                wg16_s, wu16_s, wd16_s):
    u = pl.program_id(0)
    st = start_s[u]
    en = end_s[u]
    t = tile_s[u]
    e = expert_s[u]
    eprev = expert_s[jnp.maximum(u - 1, 0)]

    @pl.when((u == 0) | (e != eprev))
    def _cast():
        wg16_s[...] = wg_ref[0].astype(jnp.bfloat16)
        wu16_s[...] = wu_ref[0].astype(jnp.bfloat16)
        wd16_s[...] = wd_ref[0].astype(jnp.bfloat16)

    x = xs_ref[...].astype(jnp.bfloat16)
    gate = jax.lax.dot_general(x, wg16_s[...], (((1,), (1,)), ((), ())),
                               preferred_element_type=jnp.float32)
    up = jax.lax.dot_general(x, wu16_s[...], (((1,), (1,)), ((), ())),
                             preferred_element_type=jnp.float32)
    h = gate * jax.lax.logistic(gate) * up
    y = jax.lax.dot_general(h.astype(jnp.bfloat16), wd16_s[...],
                            (((1,), (1,)), ((), ())),
                            preferred_element_type=jnp.float32)
    rows = t * BT + lax.broadcasted_iota(jnp.int32, (BT, 1), 0)
    y = jnp.where((rows >= st) & (rows < en), y, 0.0)

    @pl.when((st < en) & (st % BT == 0))
    def _init():
        ys_ref[...] = y

    @pl.when((st < en) & (st % BT != 0))
    def _acc():
        ys_ref[...] += y


def _grouped_ffn(xs, gate_proj, up_proj, down_proj,
                 tile_arr, expert_arr, start_arr, end_arr):
    TK, Dm = xs.shape
    E, F, _ = gate_proj.shape
    U = tile_arr.shape[0]
    grid_spec = pltpu.PrefetchScalarGridSpec(
        num_scalar_prefetch=4,
        grid=(U,),
        in_specs=[
            pl.BlockSpec((BT, Dm), lambda u, t, e, s, en_: (t[u], 0)),
            pl.BlockSpec((1, F, Dm), lambda u, t, e, s, en_: (e[u], 0, 0)),
            pl.BlockSpec((1, F, Dm), lambda u, t, e, s, en_: (e[u], 0, 0)),
            pl.BlockSpec((1, Dm, F), lambda u, t, e, s, en_: (e[u], 0, 0)),
        ],
        out_specs=pl.BlockSpec((BT, Dm), lambda u, t, e, s, en_: (t[u], 0)),
        scratch_shapes=[
            pltpu.VMEM((F, Dm), jnp.bfloat16),
            pltpu.VMEM((F, Dm), jnp.bfloat16),
            pltpu.VMEM((Dm, F), jnp.bfloat16),
        ],
    )
    return pl.pallas_call(
        _gmm_kernel,
        grid_spec=grid_spec,
        out_shape=jax.ShapeDtypeStruct((TK, Dm), jnp.float32),
        compiler_params=pltpu.CompilerParams(
            dimension_semantics=("arbitrary",),
        ),
    )(tile_arr, expert_arr, start_arr, end_arr,
      xs, gate_proj, up_proj, down_proj)


def _sc_dispatch(hidden, posT):
    T, Dm = hidden.shape
    K = posT.shape[0]
    info = plsc.get_sparse_core_info()
    NC, NS = info.num_cores, info.num_subcores
    NW = NC * NS
    TPW = T // NW
    mesh = plsc.VectorSubcoreMesh(core_axis_name="c", subcore_axis_name="s")

    @functools.partial(
        pl.kernel, mesh=mesh,
        out_type=jax.ShapeDtypeStruct((T * K, Dm), jnp.float32),
        scratch_types=[
            pltpu.VMEM((TPW, Dm), jnp.float32),
            pltpu.VMEM((TPW,), jnp.int32),
            pltpu.VMEM((TPW,), jnp.int32),
            pltpu.SemaphoreType.DMA,
            pltpu.SemaphoreType.DMA,
        ],
    )
    def dispatch(hidden_hbm, posT_hbm, xs_hbm, rows_v, idx0_v, idx1_v, s0, s1):
        wid = lax.axis_index("s") * NC + lax.axis_index("c")
        base = wid * TPW
        pltpu.sync_copy(hidden_hbm.at[pl.ds(base, TPW)], rows_v)
        pltpu.sync_copy(posT_hbm.at[0, pl.ds(base, TPW)], idx0_v)
        pltpu.sync_copy(posT_hbm.at[1, pl.ds(base, TPW)], idx1_v)
        c0 = pltpu.async_copy(rows_v, xs_hbm.at[idx0_v], s0)
        c1 = pltpu.async_copy(rows_v, xs_hbm.at[idx1_v], s1)
        c0.wait()
        c1.wait()

    return dispatch(hidden, posT)


def _sc_combine(ys, posT, twT, T, Dm):
    info = plsc.get_sparse_core_info()
    NC, NS, L = info.num_cores, info.num_subcores, info.num_lanes
    NW = NC * NS
    TPW = T // NW
    NCH = Dm // L
    mesh = plsc.VectorSubcoreMesh(core_axis_name="c", subcore_axis_name="s")

    @functools.partial(
        pl.kernel, mesh=mesh,
        out_type=jax.ShapeDtypeStruct((T, Dm), jnp.float32),
        scratch_types=[
            pltpu.VMEM((TPW, Dm), jnp.float32),
            pltpu.VMEM((TPW, Dm), jnp.float32),
            pltpu.VMEM((TPW,), jnp.int32),
            pltpu.VMEM((TPW,), jnp.int32),
            pltpu.VMEM((TPW,), jnp.float32),
            pltpu.VMEM((TPW,), jnp.float32),
            pltpu.SemaphoreType.DMA,
            pltpu.SemaphoreType.DMA,
        ],
    )
    def combine(ys_hbm, posT_hbm, twT_hbm, out_hbm,
                r0_v, r1_v, idx0_v, idx1_v, w0_v, w1_v, s0, s1):
        wid = lax.axis_index("s") * NC + lax.axis_index("c")
        base = wid * TPW
        pltpu.sync_copy(posT_hbm.at[0, pl.ds(base, TPW)], idx0_v)
        pltpu.sync_copy(posT_hbm.at[1, pl.ds(base, TPW)], idx1_v)
        pltpu.sync_copy(twT_hbm.at[0, pl.ds(base, TPW)], w0_v)
        pltpu.sync_copy(twT_hbm.at[1, pl.ds(base, TPW)], w1_v)
        c0 = pltpu.async_copy(ys_hbm.at[idx0_v], r0_v, s0)
        c1 = pltpu.async_copy(ys_hbm.at[idx1_v], r1_v, s1)
        c0.wait()
        c1.wait()

        def body(i, _):
            cbase = (i // L) * L
            lane = lax.broadcast(i % L, (L,))
            wb0 = w0_v[pl.ds(cbase, L)].at[lane].get(mode="promise_in_bounds")
            wb1 = w1_v[pl.ds(cbase, L)].at[lane].get(mode="promise_in_bounds")
            for j in range(NCH):
                sl = pl.ds(j * L, L)
                r0_v[i, sl] = r0_v[i, sl] * wb0 + r1_v[i, sl] * wb1
            return 0

        lax.fori_loop(0, TPW, body, 0)
        pltpu.sync_copy(r0_v, out_hbm.at[pl.ds(base, TPW)])

    return combine(ys, posT, twT)


def kernel(hidden_states, top_k_weights, gate_proj, up_proj, down_proj, top_k_index):
    T, Dm = hidden_states.shape
    E, F, _ = gate_proj.shape
    K = top_k_index.shape[1]
    TK = T * K
    NT = TK // BT

    tiT = top_k_index.astype(jnp.int32).T
    twT = top_k_weights.T

    pos2d, tile_arr, expert_arr, start_arr, end_arr = _route(
        tiT.reshape(128, TK // 128), E, NT)
    posT = pos2d.reshape(K, T)

    xs = _sc_dispatch(hidden_states, posT)
    ys = _grouped_ffn(xs, gate_proj, up_proj, down_proj,
                      tile_arr.reshape(-1), expert_arr.reshape(-1),
                      start_arr.reshape(-1), end_arr.reshape(-1))
    out = _sc_combine(ys, posT, twT, T, Dm)
    return out

# --- scband reference (transcript-rebuilt; emitter-appended) ---
"""Pipeline reference for scband-compressed-moe-experts-67954972557526 (READ-ONLY COPY).

The authoritative reference and input builder live on the scoring server;
editing this copy changes nothing except your own understanding.
"""

import jax, jax.numpy as jnp
import numpy as np

T, D, F, E, K = 2048, 768, 1024, 8, 2


def setup_inputs(seed: int = 0) -> dict:
    key = jax.random.key(seed)
    ks = jax.random.split(key, 6)
    hidden_states = jax.random.normal(ks[0], (T, D), dtype=jnp.float32)
    top_k_index = jax.random.randint(ks[1], (T, K), 0, E, dtype=jnp.int64 if jax.config.jax_enable_x64 else jnp.int32)
    top_k_weights = jax.random.uniform(ks[2], (T, K), dtype=jnp.float32)
    gate_proj = jax.random.normal(ks[3], (E, F, D), dtype=jnp.float32) * 0.02
    up_proj = jax.random.normal(ks[4], (E, F, D), dtype=jnp.float32) * 0.02
    down_proj = jax.random.normal(ks[5], (E, D, F), dtype=jnp.float32) * 0.02
    return {
        "hidden_states": hidden_states,
        "top_k_weights": top_k_weights,
        "gate_proj": gate_proj,
        "up_proj": up_proj,
        "down_proj": down_proj,
        "top_k_index": top_k_index,
    }


def reference(hidden_states, top_k_weights, gate_proj, up_proj, down_proj, top_k_index):
    # Faithful MoE experts forward: for each expert, run the gated FFN on the
    # tokens routed to it and scatter-add the weighted result back.
    # Implemented densely with a per-expert routing weight w (zero for tokens
    # not routed to expert e), which is mathematically identical to the
    # torch gather/index_add_ implementation (including the case where a
    # token selects the same expert in multiple top-k slots: weights sum).
    num_experts = gate_proj.shape[0]
    out = jnp.zeros_like(hidden_states)
    for e in range(num_experts):
        mask = (top_k_index == e).astype(hidden_states.dtype)  # [T, K]
        w = jnp.sum(top_k_weights * mask, axis=-1)  # [T]
        gate = hidden_states @ gate_proj[e].T  # [T, F]
        up = hidden_states @ up_proj[e].T  # [T, F]
        h = jax.nn.silu(gate) * up  # act_fn(gate) * up
        h = h @ down_proj[e].T  # [T, D]
        out = out + h * w[:, None]
    return out

if __name__ == "__main__":
    import jax
    _d = setup_inputs()
    print(jax.jit(kernel)(*tuple(_d.values())))

</pallas_src>

<mosaic_0001>
#map = affine_map<(d0, d1) -> (0, 0)>
module attributes {stable_mosaic.version = 14 : i64} {
  func.func @combine(%arg0: i32, %arg1: i32, %arg2: memref<4096x768xf32, #tpu.memory_space<hbm>>, %arg3: memref<2x2048xi32, #tpu.memory_space<hbm>>, %arg4: memref<2x2048xf32, #tpu.memory_space<hbm>>, %arg5: memref<2048x768xf32, #tpu.memory_space<hbm>>, %arg6: memref<64x768xf32, #tpu.memory_space<vmem>>, %arg7: memref<64x768xf32, #tpu.memory_space<vmem>>, %arg8: memref<64xi32, #tpu.memory_space<vmem>>, %arg9: memref<64xi32, #tpu.memory_space<vmem>>, %arg10: memref<64xf32, #tpu.memory_space<vmem>>, %arg11: memref<64xf32, #tpu.memory_space<vmem>>, %arg12: memref<!tpu.dma_semaphore, #tpu.memory_space<semaphore_mem>>, %arg13: memref<!tpu.dma_semaphore, #tpu.memory_space<semaphore_mem>>) attributes {dimension_semantics = [#tpu.dimension_semantics<core_parallel>, #tpu.dimension_semantics<subcore_parallel>], iteration_bounds = array<i64: 2, 16>, scalar_prefetch = 0 : i64, scratch_operands = 8 : i64, tpu.core_type = #tpu.core_type<sc_vector_subcore>, window_params = [{transform_indices = #map}, {transform_indices = #map}, {transform_indices = #map}, {transform_indices = #map}]} {
    %mul3A = arith.constant 2 : i32
    %mul3A_0 = arith.muli %arg1, %mul3A : i32
    %add3A = arith.addi %mul3A_0, %arg0 : i32
    %mul3A_1 = arith.constant 64 : i32
    %mul3A_2 = arith.muli %add3A, %mul3A_1 : i32
    %run_scoped3A = arith.constant 0 : i32
    "tpu.region"() ({
      %run_scoped3A_22 = tpu.sem_alloc : memref<!tpu.dma_semaphore, #tpu.memory_space<semaphore_mem>>
      %dma_start3A_23 = tpu.memref_slice %arg3[%run_scoped3A, %mul3A_2] : memref<2x2048xi32, #tpu.memory_space<hbm>> -> memref<1x64xi32, #tpu.memory_space<hbm>>
      %dma_start3A_24 = tpu.memref_squeeze %dma_start3A_23 : memref<1x64xi32, #tpu.memory_space<hbm>> -> memref<64xi32, #tpu.memory_space<hbm>>
      %dma_start3A_25 = tpu.memref_slice %arg3[%run_scoped3A, %mul3A_2] : memref<2x2048xi32, #tpu.memory_space<hbm>> -> memref<1x64xi32, #tpu.memory_space<hbm>>
      %dma_start3A_26 = tpu.memref_squeeze %dma_start3A_25 : memref<1x64xi32, #tpu.memory_space<hbm>> -> memref<64xi32, #tpu.memory_space<hbm>>
      tpu.enqueue_dma source(%dma_start3A_26 : memref<64xi32, #tpu.memory_space<hbm>>) target(%arg8 : memref<64xi32, #tpu.memory_space<vmem>>) target_semaphore(%run_scoped3A_22 : memref<!tpu.dma_semaphore, #tpu.memory_space<semaphore_mem>>)
      %dma_wait3A_27 = tpu.memref_slice %arg3[%run_scoped3A, %mul3A_2] : memref<2x2048xi32, #tpu.memory_space<hbm>> -> memref<1x64xi32, #tpu.memory_space<hbm>>
      %dma_wait3A_28 = tpu.memref_squeeze %dma_wait3A_27 : memref<1x64xi32, #tpu.memory_space<hbm>> -> memref<64xi32, #tpu.memory_space<hbm>>
      %dma_wait3A_29 = tpu.memref_slice %arg3[%run_scoped3A, %mul3A_2] : memref<2x2048xi32, #tpu.memory_space<hbm>> -> memref<1x64xi32, #tpu.memory_space<hbm>>
      %dma_wait3A_30 = tpu.memref_squeeze %dma_wait3A_29 : memref<1x64xi32, #tpu.memory_space<hbm>> -> memref<64xi32, #tpu.memory_space<hbm>>
      tpu.wait_dma2 semaphore(%run_scoped3A_22 : memref<!tpu.dma_semaphore, #tpu.memory_space<semaphore_mem>>) src(%dma_wait3A_30 : memref<64xi32, #tpu.memory_space<hbm>>) dst(%arg8 : memref<64xi32, #tpu.memory_space<vmem>>)
      tpu.yield
    }) : () -> ()
    %run_scoped3A_3 = arith.constant 1 : i32
    "tpu.region"() ({
      %run_scoped3A_22 = tpu.sem_alloc : memref<!tpu.dma_semaphore, #tpu.memory_space<semaphore_mem>>
      %dma_start3A_23 = tpu.memref_slice %arg3[%run_scoped3A_3, %mul3A_2] : memref<2x2048xi32, #tpu.memory_space<hbm>> -> memref<1x64xi32, #tpu.memory_space<hbm>>
      %dma_start3A_24 = tpu.memref_squeeze %dma_start3A_23 : memref<1x64xi32, #tpu.memory_space<hbm>> -> memref<64xi32, #tpu.memory_space<hbm>>
      %dma_start3A_25 = tpu.memref_slice %arg3[%run_scoped3A_3, %mul3A_2] : memref<2x2048xi32, #tpu.memory_space<hbm>> -> memref<1x64xi32, #tpu.memory_space<hbm>>
      %dma_start3A_26 = tpu.memref_squeeze %dma_start3A_25 : memref<1x64xi32, #tpu.memory_space<hbm>> -> memref<64xi32, #tpu.memory_space<hbm>>
      tpu.enqueue_dma source(%dma_start3A_26 : memref<64xi32, #tpu.memory_space<hbm>>) target(%arg9 : memref<64xi32, #tpu.memory_space<vmem>>) target_semaphore(%run_scoped3A_22 : memref<!tpu.dma_semaphore, #tpu.memory_space<semaphore_mem>>)
      %dma_wait3A_27 = tpu.memref_slice %arg3[%run_scoped3A_3, %mul3A_2] : memref<2x2048xi32, #tpu.memory_space<hbm>> -> memref<1x64xi32, #tpu.memory_space<hbm>>
      %dma_wait3A_28 = tpu.memref_squeeze %dma_wait3A_27 : memref<1x64xi32, #tpu.memory_space<hbm>> -> memref<64xi32, #tpu.memory_space<hbm>>
      %dma_wait3A_29 = tpu.memref_slice %arg3[%run_scoped3A_3, %mul3A_2] : memref<2x2048xi32, #tpu.memory_space<hbm>> -> memref<1x64xi32, #tpu.memory_space<hbm>>
      %dma_wait3A_30 = tpu.memref_squeeze %dma_wait3A_29 : memref<1x64xi32, #tpu.memory_space<hbm>> -> memref<64xi32, #tpu.memory_space<hbm>>
      tpu.wait_dma2 semaphore(%run_scoped3A_22 : memref<!tpu.dma_semaphore, #tpu.memory_space<semaphore_mem>>) src(%dma_wait3A_30 : memref<64xi32, #tpu.memory_space<hbm>>) dst(%arg9 : memref<64xi32, #tpu.memory_space<vmem>>)
      tpu.yield
    }) : () -> ()
    %run_scoped3A_4 = arith.constant 0 : i32
    "tpu.region"() ({
      %run_scoped3A_22 = tpu.sem_alloc : memref<!tpu.dma_semaphore, #tpu.memory_space<semaphore_mem>>
      %dma_start3A_23 = tpu.memref_slice %arg4[%run_scoped3A_4, %mul3A_2] : memref<2x2048xf32, #tpu.memory_space<hbm>> -> memref<1x64xf32, #tpu.memory_space<hbm>>
      %dma_start3A_24 = tpu.memref_squeeze %dma_start3A_23 : memref<1x64xf32, #tpu.memory_space<hbm>> -> memref<64xf32, #tpu.memory_space<hbm>>
      %dma_start3A_25 = tpu.memref_slice %arg4[%run_scoped3A_4, %mul3A_2] : memref<2x2048xf32, #tpu.memory_space<hbm>> -> memref<1x64xf32, #tpu.memory_space<hbm>>
      %dma_start3A_26 = tpu.memref_squeeze %dma_start3A_25 : memref<1x64xf32, #tpu.memory_space<hbm>> -> memref<64xf32, #tpu.memory_space<hbm>>
      tpu.enqueue_dma source(%dma_start3A_26 : memref<64xf32, #tpu.memory_space<hbm>>) target(%arg10 : memref<64xf32, #tpu.memory_space<vmem>>) target_semaphore(%run_scoped3A_22 : memref<!tpu.dma_semaphore, #tpu.memory_space<semaphore_mem>>)
      %dma_wait3A_27 = tpu.memref_slice %arg4[%run_scoped3A_4, %mul3A_2] : memref<2x2048xf32, #tpu.memory_space<hbm>> -> memref<1x64xf32, #tpu.memory_space<hbm>>
      %dma_wait3A_28 = tpu.memref_squeeze %dma_wait3A_27 : memref<1x64xf32, #tpu.memory_space<hbm>> -> memref<64xf32, #tpu.memory_space<hbm>>
      %dma_wait3A_29 = tpu.memref_slice %arg4[%run_scoped3A_4, %mul3A_2] : memref<2x2048xf32, #tpu.memory_space<hbm>> -> memref<1x64xf32, #tpu.memory_space<hbm>>
      %dma_wait3A_30 = tpu.memref_squeeze %dma_wait3A_29 : memref<1x64xf32, #tpu.memory_space<hbm>> -> memref<64xf32, #tpu.memory_space<hbm>>
      tpu.wait_dma2 semaphore(%run_scoped3A_22 : memref<!tpu.dma_semaphore, #tpu.memory_space<semaphore_mem>>) src(%dma_wait3A_30 : memref<64xf32, #tpu.memory_space<hbm>>) dst(%arg10 : memref<64xf32, #tpu.memory_space<vmem>>)
      tpu.yield
    }) : () -> ()
    %run_scoped3A_5 = arith.constant 1 : i32
    "tpu.region"() ({
      %run_scoped3A_22 = tpu.sem_alloc : memref<!tpu.dma_semaphore, #tpu.memory_space<semaphore_mem>>
      %dma_start3A_23 = tpu.memref_slice %arg4[%run_scoped3A_5, %mul3A_2] : memref<2x2048xf32, #tpu.memory_space<hbm>> -> memref<1x64xf32, #tpu.memory_space<hbm>>
      %dma_start3A_24 = tpu.memref_squeeze %dma_start3A_23 : memref<1x64xf32, #tpu.memory_space<hbm>> -> memref<64xf32, #tpu.memory_space<hbm>>
      %dma_start3A_25 = tpu.memref_slice %arg4[%run_scoped3A_5, %mul3A_2] : memref<2x2048xf32, #tpu.memory_space<hbm>> -> memref<1x64xf32, #tpu.memory_space<hbm>>
      %dma_start3A_26 = tpu.memref_squeeze %dma_start3A_25 : memref<1x64xf32, #tpu.memory_space<hbm>> -> memref<64xf32, #tpu.memory_space<hbm>>
      tpu.enqueue_dma source(%dma_start3A_26 : memref<64xf32, #tpu.memory_space<hbm>>) target(%arg11 : memref<64xf32, #tpu.memory_space<vmem>>) target_semaphore(%run_scoped3A_22 : memref<!tpu.dma_semaphore, #tpu.memory_space<semaphore_mem>>)
      %dma_wait3A_27 = tpu.memref_slice %arg4[%run_scoped3A_5, %mul3A_2] : memref<2x2048xf32, #tpu.memory_space<hbm>> -> memref<1x64xf32, #tpu.memory_space<hbm>>
      %dma_wait3A_28 = tpu.memref_squeeze %dma_wait3A_27 : memref<1x64xf32, #tpu.memory_space<hbm>> -> memref<64xf32, #tpu.memory_space<hbm>>
      %dma_wait3A_29 = tpu.memref_slice %arg4[%run_scoped3A_5, %mul3A_2] : memref<2x2048xf32, #tpu.memory_space<hbm>> -> memref<1x64xf32, #tpu.memory_space<hbm>>
      %dma_wait3A_30 = tpu.memref_squeeze %dma_wait3A_29 : memref<1x64xf32, #tpu.memory_space<hbm>> -> memref<64xf32, #tpu.memory_space<hbm>>
      tpu.wait_dma2 semaphore(%run_scoped3A_22 : memref<!tpu.dma_semaphore, #tpu.memory_space<semaphore_mem>>) src(%dma_wait3A_30 : memref<64xf32, #tpu.memory_space<hbm>>) dst(%arg11 : memref<64xf32, #tpu.memory_space<vmem>>)
      tpu.yield
    }) : () -> ()
    %dma_start3A = arith.constant 0 : i32
    %dma_start3A_6 = arith.constant 0 : i32
    %dma_start3A_7 = tpu.memref_slice %arg2[%dma_start3A, %dma_start3A_6] : memref<4096x768xf32, #tpu.memory_space<hbm>> -> memref<4096x768xf32, #tpu.memory_space<hbm>>
    tpu.enqueue_indirect_dma source(%dma_start3A_7 : memref<4096x768xf32, #tpu.memory_space<hbm>>) target(%arg6 : memref<64x768xf32, #tpu.memory_space<vmem>>) offsets(%arg8 : memref<64xi32, #tpu.memory_space<vmem>>) semaphore(%arg12 : memref<!tpu.dma_semaphore, #tpu.memory_space<semaphore_mem>>)
    %dma_start3A_8 = arith.constant 0 : i32
    %dma_start3A_9 = arith.constant 0 : i32
    %dma_start3A_10 = tpu.memref_slice %arg2[%dma_start3A_8, %dma_start3A_9] : memref<4096x768xf32, #tpu.memory_space<hbm>> -> memref<4096x768xf32, #tpu.memory_space<hbm>>
    tpu.enqueue_indirect_dma source(%dma_start3A_10 : memref<4096x768xf32, #tpu.memory_space<hbm>>) target(%arg7 : memref<64x768xf32, #tpu.memory_space<vmem>>) offsets(%arg9 : memref<64xi32, #tpu.memory_space<vmem>>) semaphore(%arg13 : memref<!tpu.dma_semaphore, #tpu.memory_space<semaphore_mem>>)
    %dma_wait3A = arith.constant 0 : i32
    %dma_wait3A_11 = arith.constant 0 : i32
    %dma_wait3A_12 = tpu.memref_slice %arg2[%dma_wait3A, %dma_wait3A_11] : memref<4096x768xf32, #tpu.memory_space<hbm>> -> memref<4096x768xf32, #tpu.memory_space<hbm>>
    tpu.wait_indirect_dma semaphore(%arg12 : memref<!tpu.dma_semaphore, #tpu.memory_space<semaphore_mem>>) src(%dma_wait3A_12 : memref<4096x768xf32, #tpu.memory_space<hbm>>) dst(%arg6 : memref<64x768xf32, #tpu.memory_space<vmem>>)
    %dma_wait3A_13 = arith.constant 0 : i32
    %dma_wait3A_14 = arith.constant 0 : i32
    %dma_wait3A_15 = tpu.memref_slice %arg2[%dma_wait3A_13, %dma_wait3A_14] : memref<4096x768xf32, #tpu.memory_space<hbm>> -> memref<4096x768xf32, #tpu.memory_space<hbm>>
    tpu.wait_indirect_dma semaphore(%arg13 : memref<!tpu.dma_semaphore, #tpu.memory_space<semaphore_mem>>) src(%dma_wait3A_15 : memref<4096x768xf32, #tpu.memory_space<hbm>>) dst(%arg7 : memref<64x768xf32, #tpu.memory_space<vmem>>)
    %scan3A = arith.constant 0 : i32
    %scan3A_16 = arith.constant 0 : i32
    %scan3A_17 = arith.constant 64 : i32
    %scan3A_18 = arith.addi %scan3A_16, %scan3A_17 : i32
    %scan3A_19 = arith.constant 1 : i32
    %scan3A_20 = scf.for %scan3A_22 = %scan3A_16 to %scan3A_18 step %scan3A_19 iter_args(%scan3A_23 = %scan3A) -> (i32)  : i32 {
      %jit3A = arith.constant 16 : i32
      %div3A = arith.divsi %scan3A_22, %jit3A : i32
      %sign3A = arith.constant 0 : i32
      %sign3A_24 = arith.cmpi sgt, %scan3A_22, %sign3A : i32
      %sign3A_25 = arith.extui %sign3A_24 : i1 to i32
      %sign3A_26 = arith.constant 0 : i32
      %sign3A_27 = arith.cmpi slt, %scan3A_22, %sign3A_26 : i32
      %sign3A_28 = arith.extui %sign3A_27 : i1 to i32
      %sign3A_29 = arith.subi %sign3A_25, %sign3A_28 : i32
      %sign3A_30 = arith.constant 0 : i32
      %sign3A_31 = arith.cmpi sgt, %jit3A, %sign3A_30 : i32
      %sign3A_32 = arith.extui %sign3A_31 : i1 to i32
      %sign3A_33 = arith.constant 0 : i32
      %sign3A_34 = arith.cmpi slt, %jit3A, %sign3A_33 : i32
      %sign3A_35 = arith.extui %sign3A_34 : i1 to i32
      %sign3A_36 = arith.subi %sign3A_32, %sign3A_35 : i32
      %ne3A = arith.cmpi ne, %sign3A_29, %sign3A_36 : i32
      %rem3A = arith.remsi %scan3A_22, %jit3A : i32
      %ne3A_37 = arith.constant 0 : i32
      %ne3A_38 = arith.cmpi ne, %rem3A, %ne3A_37 : i32
      %and3A = arith.andi %ne3A, %ne3A_38 : i1
      %sub3A = arith.constant 1 : i32
      %sub3A_39 = arith.subi %div3A, %sub3A : i32
      %select_n3A = arith.select %and3A, %sub3A_39, %div3A : i32
      %mul3A_40 = arith.constant 16 : i32
      %mul3A_41 = arith.muli %select_n3A, %mul3A_40 : i32
      %jit3A_42 = arith.constant 16 : i32
      %eq3A = arith.constant 0 : i32
      %eq3A_43 = arith.cmpi eq, %jit3A_42, %eq3A : i32
      %jit3A_44 = arith.constant 1 : i32
      %select_n3A_45 = arith.select %eq3A_43, %jit3A_44, %jit3A_42 : i32
      %rem3A_46 = arith.remsi %scan3A_22, %select_n3A_45 : i32
      %ne3A_47 = arith.constant 0 : i32
      %ne3A_48 = arith.cmpi ne, %rem3A_46, %ne3A_47 : i32
      %lt3A = arith.constant 0 : i32
      %lt3A_49 = arith.cmpi slt, %rem3A_46, %lt3A : i32
      %lt3A_50 = arith.constant 0 : i32
      %lt3A_51 = arith.cmpi slt, %select_n3A_45, %lt3A_50 : i32
      %ne3A_52 = arith.xori %lt3A_49, %lt3A_51 : i1
      %and3A_53 = arith.andi %ne3A_52, %ne3A_48 : i1
      %add3A_54 = arith.addi %rem3A_46, %select_n3A_45 : i32
      %select_n3A_55 = arith.select %and3A_53, %add3A_54, %rem3A_46 : i32
      %broadcast_in_dim3A = vector.broadcast %select_n3A_55 : i32 to vector<16xi32>
      %get3A = arith.index_cast %mul3A_41 : i32 to index
      %get3A_56 = tpu.vector_load %arg10[%get3A] {strides = array<i32>} : memref<64xf32, #tpu.memory_space<vmem>>, vector<16xf32>,
      %get3A_57 = vector.shape_cast %get3A_56 : vector<16xf32> to vector<16xf32>
      %lt3A_58 = arith.constant 0 : i32
      %lt3A_59 = vector.broadcast %lt3A_58 : i32 to vector<16xi32>
      %lt3A_60 = arith.cmpi slt, %broadcast_in_dim3A, %lt3A_59 : vector<16xi32>
      %add3A_61 = arith.constant 16 : i32
      %add3A_62 = vector.broadcast %add3A_61 : i32 to vector<16xi32>
      %add3A_63 = arith.addi %broadcast_in_dim3A, %add3A_62 : vector<16xi32>
      %select_n3A_64 = arith.select %lt3A_60, %add3A_63, %broadcast_in_dim3A : vector<16xi1>, vector<16xi32>
      %broadcast_in_dim3A_65 = vector.shape_cast %select_n3A_64 : vector<16xi32> to vector<16x1xi32>
      %gather3A = vector.shape_cast %broadcast_in_dim3A_65 : vector<16x1xi32> to vector<16xi32>
      %gather3A_66 = tpu.dynamic_gather %get3A_57[%gather3A] in [0] : vector<16xf32>, vector<16xi32> -> vector<16xf32>
      %get3A_67 = arith.index_cast %mul3A_41 : i32 to index
      %get3A_68 = tpu.vector_load %arg11[%get3A_67] {strides = array<i32>} : memref<64xf32, #tpu.memory_space<vmem>>, vector<16xf32>,
      %get3A_69 = vector.shape_cast %get3A_68 : vector<16xf32> to vector<16xf32>
      %lt3A_70 = arith.constant 0 : i32
      %lt3A_71 = vector.broadcast %lt3A_70 : i32 to vector<16xi32>
      %lt3A_72 = arith.cmpi slt, %broadcast_in_dim3A, %lt3A_71 : vector<16xi32>
      %add3A_73 = arith.constant 16 : i32
      %add3A_74 = vector.broadcast %add3A_73 : i32 to vector<16xi32>
      %add3A_75 = arith.addi %broadcast_in_dim3A, %add3A_74 : vector<16xi32>
      %select_n3A_76 = arith.select %lt3A_72, %add3A_75, %broadcast_in_dim3A : vector<16xi1>, vector<16xi32>
      %broadcast_in_dim3A_77 = vector.shape_cast %select_n3A_76 : vector<16xi32> to vector<16x1xi32>
      %gather3A_78 = vector.shape_cast %broadcast_in_dim3A_77 : vector<16x1xi32> to vector<16xi32>
      %gather3A_79 = tpu.dynamic_gather %get3A_69[%gather3A_78] in [0] : vector<16xf32>, vector<16xi32> -> vector<16xf32>
      %get3A_80 = arith.index_cast %scan3A_22 : i32 to index
      %get3A_81 = arith.constant 0 : index
      %get3A_82 = tpu.vector_load %arg6[%get3A_80, %get3A_81] {strides = array<i32>} : memref<64x768xf32, #tpu.memory_space<vmem>>, vector<1x16xf32>,
      %get3A_83 = vector.shape_cast %get3A_82 : vector<1x16xf32> to vector<16xf32>
      %mul3A_84 = arith.mulf %get3A_83, %gather3A_66 : vector<16xf32>
      %get3A_85 = arith.index_cast %scan3A_22 : i32 to index
      %get3A_86 = arith.constant 0 : index
      %get3A_87 = tpu.vector_load %arg7[%get3A_85, %get3A_86] {strides = array<i32>} : memref<64x768xf32, #tpu.memory_space<vmem>>, vector<1x16xf32>,
      %get3A_88 = vector.shape_cast %get3A_87 : vector<1x16xf32> to vector<16xf32>
      %mul3A_89 = arith.mulf %get3A_88, %gather3A_79 : vector<16xf32>
      %add3A_90 = arith.addf %mul3A_84, %mul3A_89 : vector<16xf32>
      %swap3A = arith.index_cast %scan3A_22 : i32 to index
      %swap3A_91 = arith.constant 0 : index
      %swap3A_92 = tpu.vector_load %arg6[%swap3A, %swap3A_91] {strides = array<i32>} : memref<64x768xf32, #tpu.memory_space<vmem>>, vector<1x16xf32>,
      %swap3A_93 = vector.shape_cast %swap3A_92 : vector<1x16xf32> to vector<16xf32>
      %swap3A_94 = vector.shape_cast %add3A_90 : vector<16xf32> to vector<1x16xf32>
      tpu.vector_store %arg6[%swap3A, %swap3A_91], %swap3A_94 {strides = array<i32>} : memref<64x768xf32, #tpu.memory_space<vmem>>, vector<1x16xf32>,
      %get3A_95 = arith.index_cast %scan3A_22 : i32 to index
      %get3A_96 = arith.constant 16 : index
      %get3A_97 = tpu.vector_load %arg6[%get3A_95, %get3A_96] {strides = array<i32>} : memref<64x768xf32, #tpu.memory_space<vmem>>, vector<1x16xf32>,
      %get3A_98 = vector.shape_cast %get3A_97 : vector<1x16xf32> to vector<16xf32>
      %mul3A_99 = arith.mulf %get3A_98, %gather3A_66 : vector<16xf32>
      %get3A_100 = arith.index_cast %scan3A_22 : i32 to index
      %get3A_101 = arith.constant 16 : index
      %get3A_102 = tpu.vector_load %arg7[%get3A_100, %get3A_101] {strides = array<i32>} : memref<64x768xf32, #tpu.memory_space<vmem>>, vector<1x16xf32>,
      %get3A_103 = vector.shape_cast %get3A_102 : vector<1x16xf32> to vector<16xf32>
      %mul3A_104 = arith.mulf %get3A_103, %gather3A_79 : vector<16xf32>
      %add3A_105 = arith.addf %mul3A_99, %mul3A_104 : vector<16xf32>
      %swap3A_106 = arith.index_cast %scan3A_22 : i32 to index
      %swap3A_107 = arith.constant 16 : index
      %swap3A_108 = tpu.vector_load %arg6[%swap3A_106, %swap3A_107] {strides = array<i32>} : memref<64x768xf32, #tpu.memory_space<vmem>>, vector<1x16xf32>,
      %swap3A_109 = vector.shape_cast %swap3A_108 : vector<1x16xf32> to vector<16xf32>
      %swap3A_110 = vector.shape_cast %add3A_105 : vector<16xf32> to vector<1x16xf32>
      tpu.vector_store %arg6[%swap3A_106, %swap3A_107], %swap3A_110 {strides = array<i32>} : memref<64x768xf32, #tpu.memory_space<vmem>>, vector<1x16xf32>,
      %get3A_111 = arith.index_cast %scan3A_22 : i32 to index
      %get3A_112 = arith.constant 32 : index
      %get3A_113 = tpu.vector_load %arg6[%get3A_111, %get3A_112] {strides = array<i32>} : memref<64x768xf32, #tpu.memory_space<vmem>>, vector<1x16xf32>,
      %get3A_114 = vector.shape_cast %get3A_113 : vector<1x16xf32> to vector<16xf32>
      %mul3A_115 = arith.mulf %get3A_114, %gather3A_66 : vector<16xf32>
      %get3A_116 = arith.index_cast %scan3A_22 : i32 to index
      %get3A_117 = arith.constant 32 : index
      %get3A_118 = tpu.vector_load %arg7[%get3A_116, %get3A_117] {strides = array<i32>} : memref<64x768xf32, #tpu.memory_space<vmem>>, vector<1x16xf32>,
      %get3A_119 = vector.shape_cast %get3A_118 : vector<1x16xf32> to vector<16xf32>
      %mul3A_120 = arith.mulf %get3A_119, %gather3A_79 : vector<16xf32>
      %add3A_121 = arith.addf %mul3A_115, %mul3A_120 : vector<16xf32>
      %swap3A_122 = arith.index_cast %scan3A_22 : i32 to index
      %swap3A_123 = arith.constant 32 : index
      %swap3A_124 = tpu.vector_load %arg6[%swap3A_122, %swap3A_123] {strides = array<i32>} : memref<64x768xf32, #tpu.memory_space<vmem>>, vector<1x16xf32>,
      %swap3A_125 = vector.shape_cast %swap3A_124 : vector<1x16xf32> to vector<16xf32>
      %swap3A_126 = vector.shape_cast %add3A_121 : vector<16xf32> to vector<1x16xf32>
      tpu.vector_store %arg6[%swap3A_122, %swap3A_123], %swap3A_126 {strides = array<i32>} : memref<64x768xf32, #tpu.memory_space<vmem>>, vector<1x16xf32>,
      %get3A_127 = arith.index_cast %scan3A_22 : i32 to index
      %get3A_128 = arith.constant 48 : index
      %get3A_129 = tpu.vector_load %arg6[%get3A_127, %get3A_128] {strides = array<i32>} : memref<64x768xf32, #tpu.memory_space<vmem>>, vector<1x16xf32>,
      %get3A_130 = vector.shape_cast %get3A_129 : vector<1x16xf32> to vector<16xf32>
      %mul3A_131 = arith.mulf %get3A_130, %gather3A_66 : vector<16xf32>
      %get3A_132 = arith.index_cast %scan3A_22 : i32 to index
      %get3A_133 = arith.constant 48 : index
      %get3A_134 = tpu.vector_load %arg7[%get3A_132, %get3A_133] {strides = array<i32>} : memref<64x768xf32, #tpu.memory_space<vmem>>, vector<1x16xf32>,
      %get3A_135 = vector.shape_cast %get3A_134 : vector<1x16xf32> to vector<16xf32>
      %mul3A_136 = arith.mulf %get3A_135, %gather3A_79 : vector<16xf32>
      %add3A_137 = arith.addf %mul3A_131, %mul3A_136 : vector<16xf32>
      %swap3A_138 = arith.index_cast %scan3A_22 : i32 to index
      %swap3A_139 = arith.constant 48 : index
      %swap3A_140 = tpu.vector_load %arg6[%swap3A_138, %swap3A_139] {strides = array<i32>} : memref<64x768xf32, #tpu.memory_space<vmem>>, vector<1x16xf32>,
      %swap3A_141 = vector.shape_cast %swap3A_140 : vector<1x16xf32> to vector<16xf32>
      %swap3A_142 = vector.shape_cast %add3A_137 : vector<16xf32> to vector<1x16xf32>
      tpu.vector_store %arg6[%swap3A_138, %swap3A_139], %swap3A_142 {strides = array<i32>} : memref<64x768xf32, #tpu.memory_space<vmem>>, vector<1x16xf32>,
      %get3A_143 = arith.index_cast %scan3A_22 : i32 to index
      %get3A_144 = arith.constant 64 : index
      %get3A_145 = tpu.vector_load %arg6[%get3A_143, %get3A_144] {strides = array<i32>} : memref<64x768xf32, #tpu.memory_space<vmem>>, vector<1x16xf32>,
      %get3A_146 = vector.shape_cast %get3A_145 : vector<1x16xf32> to vector<16xf32>
      %mul3A_147 = arith.mulf %get3A_146, %gather3A_66 : vector<16xf32>
      %get3A_148 = arith.index_cast %scan3A_22 : i32 to index
      %get3A_149 = arith.constant 64 : index
      %get3A_150 = tpu.vector_load %arg7[%get3A_148, %get3A_149] {strides = array<i32>} : memref<64x768xf32, #tpu.memory_space<vmem>>, vector<1x16xf32>,
      %get3A_151 = vector.shape_cast %get3A_150 : vector<1x16xf32> to vector<16xf32>
      %mul3A_152 = arith.mulf %get3A_151, %gather3A_79 : vector<16xf32>
      %add3A_153 = arith.addf %mul3A_147, %mul3A_152 : vector<16xf32>
      %swap3A_154 = arith.index_cast %scan3A_22 : i32 to index
      %swap3A_155 = arith.constant 64 : index
      %swap3A_156 = tpu.vector_load %arg6[%swap3A_154, %swap3A_155] {strides = array<i32>} : memref<64x768xf32, #tpu.memory_space<vmem>>, vector<1x16xf32>,
      %swap3A_157 = vector.shape_cast %swap3A_156 : vector<1x16xf32> to vector<16xf32>
      %swap3A_158 = vector.shape_cast %add3A_153 : vector<16xf32> to vector<1x16xf32>
      tpu.vector_store %arg6[%swap3A_154, %swap3A_155], %swap3A_158 {strides = array<i32>} : memref<64x768xf32, #tpu.memory_space<vmem>>, vector<1x16xf32>,
      %get3A_159 = arith.index_cast %scan3A_22 : i32 to index
      %get3A_160 = arith.constant 80 : index
      %get3A_161 = tpu.vector_load %arg6[%get3A_159, %get3A_160] {strides = array<i32>} : memref<64x768xf32, #tpu.memory_space<vmem>>, vector<1x16xf32>,
      %get3A_162 = vector.shape_cast %get3A_161 : vector<1x16xf32> to vector<16xf32>
      %mul3A_163 = arith.mulf %get3A_162, %gather3A_66 : vector<16xf32>
      %get3A_164 = arith.index_cast %scan3A_22 : i32 to index
      %get3A_165 = arith.constant 80 : index
      %get3A_166 = tpu.vector_load %arg7[%get3A_164, %get3A_165] {strides = array<i32>} : memref<64x768xf32, #tpu.memory_space<vmem>>, vector<1x16xf32>,
      %get3A_167 = vector.shape_cast %get3A_166 : vector<1x16xf32> to vector<16xf32>
      %mul3A_168 = arith.mulf %get3A_167, %gather3A_79 : vector<16xf32>
      %add3A_169 = arith.addf %mul3A_163, %mul3A_168 : vector<16xf32>
      %swap3A_170 = arith.index_cast %scan3A_22 : i32 to index
      %swap3A_171 = arith.constant 80 : index
      %swap3A_172 = tpu.vector_load %arg6[%swap3A_170, %swap3A_171] {strides = array<i32>} : memref<64x768xf32, #tpu.memory_space<vmem>>, vector<1x16xf32>,
      %swap3A_173 = vector.shape_cast %swap3A_172 : vector<1x16xf32> to vector<16xf32>
      %swap3A_174 = vector.shape_cast %add3A_169 : vector<16xf32> to vector<1x16xf32>
      tpu.vector_store %arg6[%swap3A_170, %swap3A_171], %swap3A_174 {strides = array<i32>} : memref<64x768xf32, #tpu.memory_space<vmem>>, vector<1x16xf32>,
      %get3A_175 = arith.index_cast %scan3A_22 : i32 to index
      %get3A_176 = arith.constant 96 : index
      %get3A_177 = tpu.vector_load %arg6[%get3A_175, %get3A_176] {strides = array<i32>} : memref<64x768xf32, #tpu.memory_space<vmem>>, vector<1x16xf32>,
      %get3A_178 = vector.shape_cast %get3A_177 : vector<1x16xf32> to vector<16xf32>
      %mul3A_179 = arith.mulf %get3A_178, %gather3A_66 : vector<16xf32>
      %get3A_180 = arith.index_cast %scan3A_22 : i32 to index
      %get3A_181 = arith.constant 96 : index
      %get3A_182 = tpu.vector_load %arg7[%get3A_180, %get3A_181] {strides = array<i32>} : memref<64x768xf32, #tpu.memory_space<vmem>>, vector<1x16xf32>,
      %get3A_183 = vector.shape_cast %get3A_182 : vector<1x16xf32> to vector<16xf32>
      %mul3A_184 = arith.mulf %get3A_183, %gather3A_79 : vector<16xf32>
      %add3A_185 = arith.addf %mul3A_179, %mul3A_184 : vector<16xf32>
      %swap3A_186 = arith.index_cast %scan3A_22 : i32 to index
      %swap3A_187 = arith.constant 96 : index
      %swap3A_188 = tpu.vector_load %arg6[%swap3A_186, %swap3A_187] {strides = array<i32>} : memref<64x768xf32, #tpu.memory_space<vmem>>, vector<1x16xf32>,
      %swap3A_189 = vector.shape_cast %swap3A_188 : vector<1x16xf32> to vector<16xf32>
      %swap3A_190 = vector.shape_cast %add3A_185 : vector<16xf32> to vector<1x16xf32>
      tpu.vector_store %arg6[%swap3A_186, %swap3A_187], %swap3A_190 {strides = array<i32>} : memref<64x768xf32, #tpu.memory_space<vmem>>, vector<1x16xf32>,
      %get3A_191 = arith.index_cast %scan3A_22 : i32 to index
      %get3A_192 = arith.constant 112 : index
      %get3A_193 = tpu.vector_load %arg6[%get3A_191, %get3A_192] {strides = array<i32>} : memref<64x768xf32, #tpu.memory_space<vmem>>, vector<1x16xf32>,
      %get3A_194 = vector.shape_cast %get3A_193 : vector<1x16xf32> to vector<16xf32>
      %mul3A_195 = arith.mulf %get3A_194, %gather3A_66 : vector<16xf32>
      %get3A_196 = arith.index_cast %scan3A_22 : i32 to index
      %get3A_197 = arith.constant 112 : index
      %get3A_198 = tpu.vector_load %arg7[%get3A_196, %get3A_197] {strides = array<i32>} : memref<64x768xf32, #tpu.memory_space<vmem>>, vector<1x16xf32>,
      %get3A_199 = vector.shape_cast %get3A_198 : vector<1x16xf32> to vector<16xf32>
      %mul3A_200 = arith.mulf %get3A_199, %gather3A_79 : vector<16xf32>
      %add3A_201 = arith.addf %mul3A_195, %mul3A_200 : vector<16xf32>
      %swap3A_202 = arith.index_cast %scan3A_22 : i32 to index
      %swap3A_203 = arith.constant 112 : index
      %swap3A_204 = tpu.vector_load %arg6[%swap3A_202, %swap3A_203] {strides = array<i32>} : memref<64x768xf32, #tpu.memory_space<vmem>>, vector<1x16xf32>,
      %swap3A_205 = vector.shape_cast %swap3A_204 : vector<1x16xf32> to vector<16xf32>
      %swap3A_206 = vector.shape_cast %add3A_201 : vector<16xf32> to vector<1x16xf32>
      tpu.vector_store %arg6[%swap3A_202, %swap3A_203], %swap3A_206 {strides = array<i32>} : memref<64x768xf32, #tpu.memory_space<vmem>>, vector<1x16xf32>,
      %get3A_207 = arith.index_cast %scan3A_22 : i32 to index
      %get3A_208 = arith.constant 128 : index
      %get3A_209 = tpu.vector_load %arg6[%get3A_207, %get3A_208] {strides = array<i32>} : memref<64x768xf32, #tpu.memory_space<vmem>>, vector<1x16xf32>,
      %get3A_210 = vector.shape_cast %get3A_209 : vector<1x16xf32> to vector<16xf32>
      %mul3A_211 = arith.mulf %get3A_210, %gather3A_66 : vector<16xf32>
      %get3A_212 = arith.index_cast %scan3A_22 : i32 to index
      %get3A_213 = arith.constant 128 : index
      %get3A_214 = tpu.vector_load %arg7[%get3A_212, %get3A_213] {strides = array<i32>} : memref<64x768xf32, #tpu.memory_space<vmem>>, vector<1x16xf32>,
      %get3A_215 = vector.shape_cast %get3A_214 : vector<1x16xf32> to vector<16xf32>
      %mul3A_216 = arith.mulf %get3A_215, %gather3A_79 : vector<16xf32>
      %add3A_217 = arith.addf %mul3A_211, %mul3A_216 : vector<16xf32>
      %swap3A_218 = arith.index_cast %scan3A_22 : i32 to index
      %swap3A_219 = arith.constant 128 : index
      %swap3A_220 = tpu.vector_load %arg6[%swap3A_218, %swap3A_219] {strides = array<i32>} : memref<64x768xf32, #tpu.memory_space<vmem>>, vector<1x16xf32>,
      %swap3A_221 = vector.shape_cast %swap3A_220 : vector<1x16xf32> to vector<16xf32>
      %swap3A_222 = vector.shape_cast %add3A_217 : vector<16xf32> to vector<1x16xf32>
      tpu.vector_store %arg6[%swap3A_218, %swap3A_219], %swap3A_222 {strides = array<i32>} : memref<64x768xf32, #tpu.memory_space<vmem>>, vector<1x16xf32>,
      %get3A_223 = arith.index_cast %scan3A_22 : i32 to index
      %get3A_224 = arith.constant 144 : index
      %get3A_225 = tpu.vector_load %arg6[%get3A_223, %get3A_224] {strides = array<i32>} : memref<64x768xf32, #tpu.memory_space<vmem>>, vector<1x16xf32>,
      %get3A_226 = vector.shape_cast %get3A_225 : vector<1x16xf32> to vector<16xf32>
      %mul3A_227 = arith.mulf %get3A_226, %gather3A_66 : vector<16xf32>
      %get3A_228 = arith.index_cast %scan3A_22 : i32 to index
      %get3A_229 = arith.constant 144 : index
      %get3A_230 = tpu.vector_load %arg7[%get3A_228, %get3A_229] {strides = array<i32>} : memref<64x768xf32, #tpu.memory_space<vmem>>, vector<1x16xf32>,
      %get3A_231 = vector.shape_cast %get3A_230 : vector<1x16xf32> to vector<16xf32>
      %mul3A_232 = arith.mulf %get3A_231, %gather3A_79 : vector<16xf32>
      %add3A_233 = arith.addf %mul3A_227, %mul3A_232 : vector<16xf32>
      %swap3A_234 = arith.index_cast %scan3A_22 : i32 to index
      %swap3A_235 = arith.constant 144 : index
      %swap3A_236 = tpu.vector_load %arg6[%swap3A_234, %swap3A_235] {strides = array<i32>} : memref<64x768xf32, #tpu.memory_space<vmem>>, vector<1x16xf32>,
      %swap3A_237 = vector.shape_cast %swap3A_236 : vector<1x16xf32> to vector<16xf32>
      %swap3A_238 = vector.shape_cast %add3A_233 : vector<16xf32> to vector<1x16xf32>
      tpu.vector_store %arg6[%swap3A_234, %swap3A_235], %swap3A_238 {strides = array<i32>} : memref<64x768xf32, #tpu.memory_space<vmem>>, vector<1x16xf32>,
      %get3A_239 = arith.index_cast %scan3A_22 : i32 to index
      %get3A_240 = arith.constant 160 : index
      %get3A_241 = tpu.vector_load %arg6[%get3A_239, %get3A_240] {strides = array<i32>} : memref<64x768xf32, #tpu.memory_space<vmem>>, vector<1x16xf32>,
      %get3A_242 = vector.shape_cast %get3A_241 : vector<1x16xf32> to vector<16xf32>
      %mul3A_243 = arith.mulf %get3A_242, %gather3A_66 : vector<16xf32>
      %get3A_244 = arith.index_cast %scan3A_22 : i32 to index
      %get3A_245 = arith.constant 160 : index
      %get3A_246 = tpu.vector_load %arg7[%get3A_244, %get3A_245] {strides = array<i32>} : memref<64x768xf32, #tpu.memory_space<vmem>>, vector<1x16xf32>,
      %get3A_247 = vector.shape_cast %get3A_246 : vector<1x16xf32> to vector<16xf32>
      %mul3A_248 = arith.mulf %get3A_247, %gather3A_79 : vector<16xf32>
      %add3A_249 = arith.addf %mul3A_243, %mul3A_248 : vector<16xf32>
      %swap3A_250 = arith.index_cast %scan3A_22 : i32 to index
      %swap3A_251 = arith.constant 160 : index
      %swap3A_252 = tpu.vector_load %arg6[%swap3A_250, %swap3A_251] {strides = array<i32>} : memref<64x768xf32, #tpu.memory_space<vmem>>, vector<1x16xf32>,
      %swap3A_253 = vector.shape_cast %swap3A_252 : vector<1x16xf32> to vector<16xf32>
      %swap3A_254 = vector.shape_cast %add3A_249 : vector<16xf32> to vector<1x16xf32>
      tpu.vector_store %arg6[%swap3A_250, %swap3A_251], %swap3A_254 {strides = array<i32>} : memref<64x768xf32, #tpu.memory_space<vmem>>, vector<1x16xf32>,
      %get3A_255 = arith.index_cast %scan3A_22 : i32 to index
      %get3A_256 = arith.constant 176 : index
      %get3A_257 = tpu.vector_load %arg6[%get3A_255, %get3A_256] {strides = array<i32>} : memref<64x768xf32, #tpu.memory_space<vmem>>, vector<1x16xf32>,
      %get3A_258 = vector.shape_cast %get3A_257 : vector<1x16xf32> to vector<16xf32>
      %mul3A_259 = arith.mulf %get3A_258, %gather3A_66 : vector<16xf32>
      %get3A_260 = arith.index_cast %scan3A_22 : i32 to index
      %get3A_261 = arith.constant 176 : index
      %get3A_262 = tpu.vector_load %arg7[%get3A_260, %get3A_261] {strides = array<i32>} : memref<64x768xf32, #tpu.memory_space<vmem>>, vector<1x16xf32>,
      %get3A_263 = vector.shape_cast %get3A_262 : vector<1x16xf32> to vector<16xf32>
      %mul3A_264 = arith.mulf %get3A_263, %gather3A_79 : vector<16xf32>
      %add3A_265 = arith.addf %mul3A_259, %mul3A_264 : vector<16xf32>
      %swap3A_266 = arith.index_cast %scan3A_22 : i32 to index
      %swap3A_267 = arith.constant 176 : index
      %swap3A_268 = tpu.vector_load %arg6[%swap3A_266, %swap3A_267] {strides = array<i32>} : memref<64x768xf32, #tpu.memory_space<vmem>>, vector<1x16xf32>,
      %swap3A_269 = vector.shape_cast %swap3A_268 : vector<1x16xf32> to vector<16xf32>
      %swap3A_270 = vector.shape_cast %add3A_265 : vector<16xf32> to vector<1x16xf32>
      tpu.vector_store %arg6[%swap3A_266, %swap3A_267], %swap3A_270 {strides = array<i32>} : memref<64x768xf32, #tpu.memory_space<vmem>>, vector<1x16xf32>,
      %get3A_271 = arith.index_cast %scan3A_22 : i32 to index
      %get3A_272 = arith.constant 192 : index
      %get3A_273 = tpu.vector_load %arg6[%get3A_271, %get3A_272] {strides = array<i32>} : memref<64x768xf32, #tpu.memory_space<vmem>>, vector<1x16xf32>,
      %get3A_274 = vector.shape_cast %get3A_273 : vector<1x16xf32> to vector<16xf32>
      %mul3A_275 = arith.mulf %get3A_274, %gather3A_66 : vector<16xf32>
      %get3A_276 = arith.index_cast %scan3A_22 : i32 to index
      %get3A_277 = arith.constant 192 : index
      %get3A_278 = tpu.vector_load %arg7[%get3A_276, %get3A_277] {strides = array<i32>} : memref<64x768xf32, #tpu.memory_space<vmem>>, vector<1x16xf32>,
      %get3A_279 = vector.shape_cast %get3A_278 : vector<1x16xf32> to vector<16xf32>
      %mul3A_280 = arith.mulf %get3A_279, %gather3A_79 : vector<16xf32>
      %add3A_281 = arith.addf %mul3A_275, %mul3A_280 : vector<16xf32>
      %swap3A_282 = arith.index_cast %scan3A_22 : i32 to index
      %swap3A_283 = arith.constant 192 : index
      %swap3A_284 = tpu.vector_load %arg6[%swap3A_282, %swap3A_283] {strides = array<i32>} : memref<64x768xf32, #tpu.memory_space<vmem>>, vector<1x16xf32>,
      %swap3A_285 = vector.shape_cast %swap3A_284 : vector<1x16xf32> to vector<16xf32>
      %swap3A_286 = vector.shape_cast %add3A_281 : vector<16xf32> to vector<1x16xf32>
      tpu.vector_store %arg6[%swap3A_282, %swap3A_283], %swap3A_286 {strides = array<i32>} : memref<64x768xf32, #tpu.memory_space<vmem>>, vector<1x16xf32>,
      %get3A_287 = arith.index_cast %scan3A_22 : i32 to index
      %get3A_288 = arith.constant 208 : index
      %get3A_289 = tpu.vector_load %arg6[%get3A_287, %get3A_288] {strides = array<i32>} : memref<64x768xf32, #tpu.memory_space<vmem>>, vector<1x16xf32>,
      %get3A_290 = vector.shape_cast %get3A_289 : vector<1x16xf32> to vector<16xf32>
      %mul3A_291 = arith.mulf %get3A_290, %gather3A_66 : vector<16xf32>
      %get3A_292 = arith.index_cast %scan3A_22 : i32 to index
      %get3A_293 = arith.constant 208 : index
      %get3A_294 = tpu.vector_load %arg7[%get3A_292, %get3A_293] {strides = array<i32>} : memref<64x768xf32, #tpu.memory_space<vmem>>, vector<1x16xf32>,
      %get3A_295 = vector.shape_cast %get3A_294 : vector<1x16xf32> to vector<16xf32>
      %mul3A_296 = arith.mulf %get3A_295, %gather3A_79 : vector<16xf32>
      %add3A_297 = arith.addf %mul3A_291, %mul3A_296 : vector<16xf32>
      %swap3A_298 = arith.index_cast %scan3A_22 : i32 to index
      %swap3A_299 = arith.constant 208 : index
      %swap3A_300 = tpu.vector_load %arg6[%swap3A_298, %swap3A_299] {strides = array<i32>} : memref<64x768xf32, #tpu.memory_space<vmem>>, vector<1x16xf32>,
      %swap3A_301 = vector.shape_cast %swap3A_300 : vector<1x16xf32> to vector<16xf32>
      %swap3A_302 = vector.shape_cast %add3A_297 : vector<16xf32> to vector<1x16xf32>
      tpu.vector_store %arg6[%swap3A_298, %swap3A_299], %swap3A_302 {strides = array<i32>} : memref<64x768xf32, #tpu.memory_space<vmem>>, vector<1x16xf32>,
      %get3A_303 = arith.index_cast %scan3A_22 : i32 to index
      %get3A_304 = arith.constant 224 : index
      %get3A_305 = tpu.vector_load %arg6[%get3A_303, %get3A_304] {strides = array<i32>} : memref<64x768xf32, #tpu.memory_space<vmem>>, vector<1x16xf32>,
      %get3A_306 = vector.shape_cast %get3A_305 : vector<1x16xf32> to vector<16xf32>
      %mul3A_307 = arith.mulf %get3A_306, %gather3A_66 : vector<16xf32>
      %get3A_308 = arith.index_cast %scan3A_22 : i32 to index
      %get3A_309 = arith.constant 224 : index
      %get3A_310 = tpu.vector_load %arg7[%get3A_308, %get3A_309] {strides = array<i32>} : memref<64x768xf32, #tpu.memory_space<vmem>>, vector<1x16xf32>,
      %get3A_311 = vector.shape_cast %get3A_310 : vector<1x16xf32> to vector<16xf32>
      %mul3A_312 = arith.mulf %get3A_311, %gather3A_79 : vector<16xf32>
      %add3A_313 = arith.addf %mul3A_307, %mul3A_312 : vector<16xf32>
      %swap3A_314 = arith.index_cast %scan3A_22 : i32 to index
      %swap3A_315 = arith.constant 224 : index
      %swap3A_316 = tpu.vector_load %arg6[%swap3A_314, %swap3A_315] {strides = array<i32>} : memref<64x768xf32, #tpu.memory_space<vmem>>, vector<1x16xf32>,
      %swap3A_317 = vector.shape_cast %swap3A_316 : vector<1x16xf32> to vector<16xf32>
      %swap3A_318 = vector.shape_cast %add3A_313 : vector<16xf32> to vector<1x16xf32>
      tpu.vector_store %arg6[%swap3A_314, %swap3A_315], %swap3A_318 {strides = array<i32>} : memref<64x768xf32, #tpu.memory_space<vmem>>, vector<1x16xf32>,
      %get3A_319 = arith.index_cast %scan3A_22 : i32 to index
      %get3A_320 = arith.constant 240 : index
      %get3A_321 = tpu.vector_load %arg6[%get3A_319, %get3A_320] {strides = array<i32>} : memref<64x768xf32, #tpu.memory_space<vmem>>, vector<1x16xf32>,
      %get3A_322 = vector.shape_cast %get3A_321 : vector<1x16xf32> to vector<16xf32>
      %mul3A_323 = arith.mulf %get3A_322, %gather3A_66 : vector<16xf32>
      %get3A_324 = arith.index_cast %scan3A_22 : i32 to index
      %get3A_325 = arith.constant 240 : index
      %get3A_326 = tpu.vector_load %arg7[%get3A_324, %get3A_325] {strides = array<i32>} : memref<64x768xf32, #tpu.memory_space<vmem>>, vector<1x16xf32>,
      %get3A_327 = vector.shape_cast %get3A_326 : vector<1x16xf32> to vector<16xf32>
      %mul3A_328 = arith.mulf %get3A_327, %gather3A_79 : vector<16xf32>
      %add3A_329 = arith.addf %mul3A_323, %mul3A_328 : vector<16xf32>
      %swap3A_330 = arith.index_cast %scan3A_22 : i32 to index
      %swap3A_331 = arith.constant 240 : index
      %swap3A_332 = tpu.vector_load %arg6[%swap3A_330, %swap3A_331] {strides = array<i32>} : memref<64x768xf32, #tpu.memory_space<vmem>>, vector<1x16xf32>,
      %swap3A_333 = vector.shape_cast %swap3A_332 : vector<1x16xf32> to vector<16xf32>
      %swap3A_334 = vector.shape_cast %add3A_329 : vector<16xf32> to vector<1x16xf32>
      tpu.vector_store %arg6[%swap3A_330, %swap3A_331], %swap3A_334 {strides = array<i32>} : memref<64x768xf32, #tpu.memory_space<vmem>>, vector<1x16xf32>,
      %get3A_335 = arith.index_cast %scan3A_22 : i32 to index
      %get3A_336 = arith.constant 256 : index
      %get3A_337 = tpu.vector_load %arg6[%get3A_335, %get3A_336] {strides = array<i32>} : memref<64x768xf32, #tpu.memory_space<vmem>>, vector<1x16xf32>,
      %get3A_338 = vector.shape_cast %get3A_337 : vector<1x16xf32> to vector<16xf32>
      %mul3A_339 = arith.mulf %get3A_338, %gather3A_66 : vector<16xf32>
      %get3A_340 = arith.index_cast %scan3A_22 : i32 to index
      %get3A_341 = arith.constant 256 : index
      %get3A_342 = tpu.vector_load %arg7[%get3A_340, %get3A_341] {strides = array<i32>} : memref<64x768xf32, #tpu.memory_space<vmem>>, vector<1x16xf32>,
      %get3A_343 = vector.shape_cast %get3A_342 : vector<1x16xf32> to vector<16xf32>
      %mul3A_344 = arith.mulf %get3A_343, %gather3A_79 : vector<16xf32>
      %add3A_345 = arith.addf %mul3A_339, %mul3A_344 : vector<16xf32>
      %swap3A_346 = arith.index_cast %scan3A_22 : i32 to index
      %swap3A_347 = arith.constant 256 : index
      %swap3A_348 = tpu.vector_load %arg6[%swap3A_346, %swap3A_347] {strides = array<i32>} : memref<64x768xf32, #tpu.memory_space<vmem>>, vector<1x16xf32>,
      %swap3A_349 = vector.shape_cast %swap3A_348 : vector<1x16xf32> to vector<16xf32>
      %swap3A_350 = vector.shape_cast %add3A_345 : vector<16xf32> to vector<1x16xf32>
      tpu.vector_store %arg6[%swap3A_346, %swap3A_347], %swap3A_350 {strides = array<i32>} : memref<64x768xf32, #tpu.memory_space<vmem>>, vector<1x16xf32>,
      %get3A_351 = arith.index_cast %scan3A_22 : i32 to index
      %get3A_352 = arith.constant 272 : index
      %get3A_353 = tpu.vector_load %arg6[%get3A_351, %get3A_352] {strides = array<i32>} : memref<64x768xf32, #tpu.memory_space<vmem>>, vector<1x16xf32>,
      %get3A_354 = vector.shape_cast %get3A_353 : vector<1x16xf32> to vector<16xf32>
      %mul3A_355 = arith.mulf %get3A_354, %gather3A_66 : vector<16xf32>
      %get3A_356 = arith.index_cast %scan3A_22 : i32 to index
      %get3A_357 = arith.constant 272 : index
      %get3A_358 = tpu.vector_load %arg7[%get3A_356, %get3A_357] {strides = array<i32>} : memref<64x768xf32, #tpu.memory_space<vmem>>, vector<1x16xf32>,
      %get3A_359 = vector.shape_cast %get3A_358 : vector<1x16xf32> to vector<16xf32>
      %mul3A_360 = arith.mulf %get3A_359, %gather3A_79 : vector<16xf32>
      %add3A_361 = arith.addf %mul3A_355, %mul3A_360 : vector<16xf32>
      %swap3A_362 = arith.index_cast %scan3A_22 : i32 to index
      %swap3A_363 = arith.constant 272 : index
      %swap3A_364 = tpu.vector_load %arg6[%swap3A_362, %swap3A_363] {strides = array<i32>} : memref<64x768xf32, #tpu.memory_space<vmem>>, vector<1x16xf32>,
      %swap3A_365 = vector.shape_cast %swap3A_364 : vector<1x16xf32> to vector<16xf32>
      %swap3A_366 = vector.shape_cast %add3A_361 : vector<16xf32> to vector<1x16xf32>
      tpu.vector_store %arg6[%swap3A_362, %swap3A_363], %swap3A_366 {strides = array<i32>} : memref<64x768xf32, #tpu.memory_space<vmem>>, vector<1x16xf32>,
      %get3A_367 = arith.index_cast %scan3A_22 : i32 to index
      %get3A_368 = arith.constant 288 : index
      %get3A_369 = tpu.vector_load %arg6[%get3A_367, %get3A_368] {strides = array<i32>} : memref<64x768xf32, #tpu.memory_space<vmem>>, vector<1x16xf32>,
      %get3A_370 = vector.shape_cast %get3A_369 : vector<1x16xf32> to vector<16xf32>
      %mul3A_371 = arith.mulf %get3A_370, %gather3A_66 : vector<16xf32>
      %get3A_372 = arith.index_cast %scan3A_22 : i32 to index
      %get3A_373 = arith.constant 288 : index
      %get3A_374 = tpu.vector_load %arg7[%get3A_372, %get3A_373] {strides = array<i32>} : memref<64x768xf32, #tpu.memory_space<vmem>>, vector<1x16xf32>,
      %get3A_375 = vector.shape_cast %get3A_374 : vector<1x16xf32> to vector<16xf32>
      %mul3A_376 = arith.mulf %get3A_375, %gather3A_79 : vector<16xf32>
      %add3A_377 = arith.addf %mul3A_371, %mul3A_376 : vector<16xf32>
      %swap3A_378 = arith.index_cast %scan3A_22 : i32 to index
      %swap3A_379 = arith.constant 288 : index
      %swap3A_380 = tpu.vector_load %arg6[%swap3A_378, %swap3A_379] {strides = array<i32>} : memref<64x768xf32, #tpu.memory_space<vmem>>, vector<1x16xf32>,
      %swap3A_381 = vector.shape_cast %swap3A_380 : vector<1x16xf32> to vector<16xf32>
      %swap3A_382 = vector.shape_cast %add3A_377 : vector<16xf32> to vector<1x16xf32>
      tpu.vector_store %arg6[%swap3A_378, %swap3A_379], %swap3A_382 {strides = array<i32>} : memref<64x768xf32, #tpu.memory_space<vmem>>, vector<1x16xf32>,
      %get3A_383 = arith.index_cast %scan3A_22 : i32 to index
      %get3A_384 = arith.constant 304 : index
      %get3A_385 = tpu.vector_load %arg6[%get3A_383, %get3A_384] {strides = array<i32>} : memref<64x768xf32, #tpu.memory_space<vmem>>, vector<1x16xf32>,
      %get3A_386 = vector.shape_cast %get3A_385 : vector<1x16xf32> to vector<16xf32>
      %mul3A_387 = arith.mulf %get3A_386, %gather3A_66 : vector<16xf32>
      %get3A_388 = arith.index_cast %scan3A_22 : i32 to index
      %get3A_389 = arith.constant 304 : index
      %get3A_390 = tpu.vector_load %arg7[%get3A_388, %get3A_389] {strides = array<i32>} : memref<64x768xf32, #tpu.memory_space<vmem>>, vector<1x16xf32>,
      %get3A_391 = vector.shape_cast %get3A_390 : vector<1x16xf32> to vector<16xf32>
      %mul3A_392 = arith.mulf %get3A_391, %gather3A_79 : vector<16xf32>
      %add3A_393 = arith.addf %mul3A_387, %mul3A_392 : vector<16xf32>
      %swap3A_394 = arith.index_cast %scan3A_22 : i32 to index
      %swap3A_395 = arith.constant 304 : index
      %swap3A_396 = tpu.vector_load %arg6[%swap3A_394, %swap3A_395] {strides = array<i32>} : memref<64x768xf32, #tpu.memory_space<vmem>>, vector<1x16xf32>,
      %swap3A_397 = vector.shape_cast %swap3A_396 : vector<1x16xf32> to vector<16xf32>
      %swap3A_398 = vector.shape_cast %add3A_393 : vector<16xf32> to vector<1x16xf32>
      tpu.vector_store %arg6[%swap3A_394, %swap3A_395], %swap3A_398 {strides = array<i32>} : memref<64x768xf32, #tpu.memory_space<vmem>>, vector<1x16xf32>,
      %get3A_399 = arith.index_cast %scan3A_22 : i32 to index
      %get3A_400 = arith.constant 320 : index
      %get3A_401 = tpu.vector_load %arg6[%get3A_399, %get3A_400] {strides = array<i32>} : memref<64x768xf32, #tpu.memory_space<vmem>>, vector<1x16xf32>,
      %get3A_402 = vector.shape_cast %get3A_401 : vector<1x16xf32> to vector<16xf32>
      %mul3A_403 = arith.mulf %get3A_402, %gather3A_66 : vector<16xf32>
      %get3A_404 = arith.index_cast %scan3A_22 : i32 to index
      %get3A_405 = arith.constant 320 : index
      %get3A_406 = tpu.vector_load %arg7[%get3A_404, %get3A_405] {strides = array<i32>} : memref<64x768xf32, #tpu.memory_space<vmem>>, vector<1x16xf32>,
      %get3A_407 = vector.shape_cast %get3A_406 : vector<1x16xf32> to vector<16xf32>
      %mul3A_408 = arith.mulf %get3A_407, %gather3A_79 : vector<16xf32>
      %add3A_409 = arith.addf %mul3A_403, %mul3A_408 : vector<16xf32>
      %swap3A_410 = arith.index_cast %scan3A_22 : i32 to index
      %swap3A_411 = arith.constant 320 : index
      %swap3A_412 = tpu.vector_load %arg6[%swap3A_410, %swap3A_411] {strides = array<i32>} : memref<64x768xf32, #tpu.memory_space<vmem>>, vector<1x16xf32>,
      %swap3A_413 = vector.shape_cast %swap3A_412 : vector<1x16xf32> to vector<16xf32>
      %swap3A_414 = vector.shape_cast %add3A_409 : vector<16xf32> to vector<1x16xf32>
      tpu.vector_store %arg6[%swap3A_410, %swap3A_411], %swap3A_414 {strides = array<i32>} : memref<64x768xf32, #tpu.memory_space<vmem>>, vector<1x16xf32>,
      %get3A_415 = arith.index_cast %scan3A_22 : i32 to index
      %get3A_416 = arith.constant 336 : index
      %get3A_417 = tpu.vector_load %arg6[%get3A_415, %get3A_416] {strides = array<i32>} : memref<64x768xf32, #tpu.memory_space<vmem>>, vector<1x16xf32>,
      %get3A_418 = vector.shape_cast %get3A_417 : vector<1x16xf32> to vector<16xf32>
      %mul3A_419 = arith.mulf %get3A_418, %gather3A_66 : vector<16xf32>
      %get3A_420 = arith.index_cast %scan3A_22 : i32 to index
      %get3A_421 = arith.constant 336 : index
      %get3A_422 = tpu.vector_load %arg7[%get3A_420, %get3A_421] {strides = array<i32>} : memref<64x768xf32, #tpu.memory_space<vmem>>, vector<1x16xf32>,
      %get3A_423 = vector.shape_cast %get3A_422 : vector<1x16xf32> to vector<16xf32>
      %mul3A_424 = arith.mulf %get3A_423, %gather3A_79 : vector<16xf32>
      %add3A_425 = arith.addf %mul3A_419, %mul3A_424 : vector<16xf32>
      %swap3A_426 = arith.index_cast %scan3A_22 : i32 to index
      %swap3A_427 = arith.constant 336 : index
      %swap3A_428 = tpu.vector_load %arg6[%swap3A_426, %swap3A_427] {strides = array<i32>} : memref<64x768xf32, #tpu.memory_space<vmem>>, vector<1x16xf32>,
      %swap3A_429 = vector.shape_cast %swap3A_428 : vector<1x16xf32> to vector<16xf32>
      %swap3A_430 = vector.shape_cast %add3A_425 : vector<16xf32> to vector<1x16xf32>
      tpu.vector_store %arg6[%swap3A_426, %swap3A_427], %swap3A_430 {strides = array<i32>} : memref<64x768xf32, #tpu.memory_space<vmem>>, vector<1x16xf32>,
      %get3A_431 = arith.index_cast %scan3A_22 : i32 to index
      %get3A_432 = arith.constant 352 : index
      %get3A_433 = tpu.vector_load %arg6[%get3A_431, %get3A_432] {strides = array<i32>} : memref<64x768xf32, #tpu.memory_space<vmem>>, vector<1x16xf32>,
      %get3A_434 = vector.shape_cast %get3A_433 : vector<1x16xf32> to vector<16xf32>
      %mul3A_435 = arith.mulf %get3A_434, %gather3A_66 : vector<16xf32>
      %get3A_436 = arith.index_cast %scan3A_22 : i32 to index
      %get3A_437 = arith.constant 352 : index
      %get3A_438 = tpu.vector_load %arg7[%get3A_436, %get3A_437] {strides = array<i32>} : memref<64x768xf32, #tpu.memory_space<vmem>>, vector<1x16xf32>,
      %get3A_439 = vector.shape_cast %get3A_438 : vector<1x16xf32> to vector<16xf32>
      %mul3A_440 = arith.mulf %get3A_439, %gather3A_79 : vector<16xf32>
      %add3A_441 = arith.addf %mul3A_435, %mul3A_440 : vector<16xf32>
      %swap3A_442 = arith.index_cast %scan3A_22 : i32 to index
      %swap3A_443 = arith.constant 352 : index
      %swap3A_444 = tpu.vector_load %arg6[%swap3A_442, %swap3A_443] {strides = array<i32>} : memref<64x768xf32, #tpu.memory_space<vmem>>, vector<1x16xf32>,
      %swap3A_445 = vector.shape_cast %swap3A_444 : vector<1x16xf32> to vector<16xf32>
      %swap3A_446 = vector.shape_cast %add3A_441 : vector<16xf32> to vector<1x16xf32>
      tpu.vector_store %arg6[%swap3A_442, %swap3A_443], %swap3A_446 {strides = array<i32>} : memref<64x768xf32, #tpu.memory_space<vmem>>, vector<1x16xf32>,
      %get3A_447 = arith.index_cast %scan3A_22 : i32 to index
      %get3A_448 = arith.constant 368 : index
      %get3A_449 = tpu.vector_load %arg6[%get3A_447, %get3A_448] {strides = array<i32>} : memref<64x768xf32, #tpu.memory_space<vmem>>, vector<1x16xf32>,
      %get3A_450 = vector.shape_cast %get3A_449 : vector<1x16xf32> to vector<16xf32>
      %mul3A_451 = arith.mulf %get3A_450, %gather3A_66 : vector<16xf32>
      %get3A_452 = arith.index_cast %scan3A_22 : i32 to index
      %get3A_453 = arith.constant 368 : index
      %get3A_454 = tpu.vector_load %arg7[%get3A_452, %get3A_453] {strides = array<i32>} : memref<64x768xf32, #tpu.memory_space<vmem>>, vector<1x16xf32>,
      %get3A_455 = vector.shape_cast %get3A_454 : vector<1x16xf32> to vector<16xf32>
      %mul3A_456 = arith.mulf %get3A_455, %gather3A_79 : vector<16xf32>
      %add3A_457 = arith.addf %mul3A_451, %mul3A_456 : vector<16xf32>
      %swap3A_458 = arith.index_cast %scan3A_22 : i32 to index
      %swap3A_459 = arith.constant 368 : index
      %swap3A_460 = tpu.vector_load %arg6[%swap3A_458, %swap3A_459] {strides = array<i32>} : memref<64x768xf32, #tpu.memory_space<vmem>>, vector<1x16xf32>,
      %swap3A_461 = vector.shape_cast %swap3A_460 : vector<1x16xf32> to vector<16xf32>
      %swap3A_462 = vector.shape_cast %add3A_457 : vector<16xf32> to vector<1x16xf32>
      tpu.vector_store %arg6[%swap3A_458, %swap3A_459], %swap3A_462 {strides = array<i32>} : memref<64x768xf32, #tpu.memory_space<vmem>>, vector<1x16xf32>,
      %get3A_463 = arith.index_cast %scan3A_22 : i32 to index
      %get3A_464 = arith.constant 384 : index
      %get3A_465 = tpu.vector_load %arg6[%get3A_463, %get3A_464] {strides = array<i32>} : memref<64x768xf32, #tpu.memory_space<vmem>>, vector<1x16xf32>,
      %get3A_466 = vector.shape_cast %get3A_465 : vector<1x16xf32> to vector<16xf32>
      %mul3A_467 = arith.mulf %get3A_466, %gather3A_66 : vector<16xf32>
      %get3A_468 = arith.index_cast %scan3A_22 : i32 to index
      %get3A_469 = arith.constant 384 : index
      %get3A_470 = tpu.vector_load %arg7[%get3A_468, %get3A_469] {strides = array<i32>} : memref<64x768xf32, #tpu.memory_space<vmem>>, vector<1x16xf32>,
      %get3A_471 = vector.shape_cast %get3A_470 : vector<1x16xf32> to vector<16xf32>
      %mul3A_472 = arith.mulf %get3A_471, %gather3A_79 : vector<16xf32>
      %add3A_473 = arith.addf %mul3A_467, %mul3A_472 : vector<16xf32>
      %swap3A_474 = arith.index_cast %scan3A_22 : i32 to index
      %swap3A_475 = arith.constant 384 : index
      %swap3A_476 = tpu.vector_load %arg6[%swap3A_474, %swap3A_475] {strides = array<i32>} : memref<64x768xf32, #tpu.memory_space<vmem>>, vector<1x16xf32>,
      %swap3A_477 = vector.shape_cast %swap3A_476 : vector<1x16xf32> to vector<16xf32>
      %swap3A_478 = vector.shape_cast %add3A_473 : vector<16xf32> to vector<1x16xf32>
      tpu.vector_store %arg6[%swap3A_474, %swap3A_475], %swap3A_478 {strides = array<i32>} : memref<64x768xf32, #tpu.memory_space<vmem>>, vector<1x16xf32>,
      %get3A_479 = arith.index_cast %scan3A_22 : i32 to index
      %get3A_480 = arith.constant 400 : index
      %get3A_481 = tpu.vector_load %arg6[%get3A_479, %get3A_480] {strides = array<i32>} : memref<64x768xf32, #tpu.memory_space<vmem>>, vector<1x16xf32>,
      %get3A_482 = vector.shape_cast %get3A_481 : vector<1x16xf32> to vector<16xf32>
      %mul3A_483 = arith.mulf %get3A_482, %gather3A_66 : vector<16xf32>
      %get3A_484 = arith.index_cast %scan3A_22 : i32 to index
      %get3A_485 = arith.constant 400 : index
      %get3A_486 = tpu.vector_load %arg7[%get3A_484, %get3A_485] {strides = array<i32>} : memref<64x768xf32, #tpu.memory_space<vmem>>, vector<1x16xf32>,
      %get3A_487 = vector.shape_cast %get3A_486 : vector<1x16xf32> to vector<16xf32>
      %mul3A_488 = arith.mulf %get3A_487, %gather3A_79 : vector<16xf32>
      %add3A_489 = arith.addf %mul3A_483, %mul3A_488 : vector<16xf32>
      %swap3A_490 = arith.index_cast %scan3A_22 : i32 to index
      %swap3A_491 = arith.constant 400 : index
      %swap3A_492 = tpu.vector_load %arg6[%swap3A_490, %swap3A_491] {strides = array<i32>} : memref<64x768xf32, #tpu.memory_space<vmem>>, vector<1x16xf32>,
      %swap3A_493 = vector.shape_cast %swap3A_492 : vector<1x16xf32> to vector<16xf32>
      %swap3A_494 = vector.shape_cast %add3A_489 : vector<16xf32> to vector<1x16xf32>
      tpu.vector_store %arg6[%swap3A_490, %swap3A_491], %swap3A_494 {strides = array<i32>} : memref<64x768xf32, #tpu.memory_space<vmem>>, vector<1x16xf32>,
      %get3A_495 = arith.index_cast %scan3A_22 : i32 to index
      %get3A_496 = arith.constant 416 : index
      %get3A_497 = tpu.vector_load %arg6[%get3A_495, %get3A_496] {strides = array<i32>} : memref<64x768xf32, #tpu.memory_space<vmem>>, vector<1x16xf32>,
      %get3A_498 = vector.shape_cast %get3A_497 : vector<1x16xf32> to vector<16xf32>
      %mul3A_499 = arith.mulf %get3A_498, %gather3A_66 : vector<16xf32>
      %get3A_500 = arith.index_cast %scan3A_22 : i32 to index
      %get3A_501 = arith.constant 416 : index
      %get3A_502 = tpu.vector_load %arg7[%get3A_500, %get3A_501] {strides = array<i32>} : memref<64x768xf32, #tpu.memory_space<vmem>>, vector<1x16xf32>,
      %get3A_503 = vector.shape_cast %get3A_502 : vector<1x16xf32> to vector<16xf32>
      %mul3A_504 = arith.mulf %get3A_503, %gather3A_79 : vector<16xf32>
      %add3A_505 = arith.addf %mul3A_499, %mul3A_504 : vector<16xf32>
      %swap3A_506 = arith.index_cast %scan3A_22 : i32 to index
      %swap3A_507 = arith.constant 416 : index
      %swap3A_508 = tpu.vector_load %arg6[%swap3A_506, %swap3A_507] {strides = array<i32>} : memref<64x768xf32, #tpu.memory_space<vmem>>, vector<1x16xf32>,
      %swap3A_509 = vector.shape_cast %swap3A_508 : vector<1x16xf32> to vector<16xf32>
      %swap3A_510 = vector.shape_cast %add3A_505 : vector<16xf32> to vector<1x16xf32>
      tpu.vector_store %arg6[%swap3A_506, %swap3A_507], %swap3A_510 {strides = array<i32>} : memref<64x768xf32, #tpu.memory_space<vmem>>, vector<1x16xf32>,
      %get3A_511 = arith.index_cast %scan3A_22 : i32 to index
      %get3A_512 = arith.constant 432 : index
      %get3A_513 = tpu.vector_load %arg6[%get3A_511, %get3A_512] {strides = array<i32>} : memref<64x768xf32, #tpu.memory_space<vmem>>, vector<1x16xf32>,
      %get3A_514 = vector.shape_cast %get3A_513 : vector<1x16xf32> to vector<16xf32>
      %mul3A_515 = arith.mulf %get3A_514, %gather3A_66 : vector<16xf32>
      %get3A_516 = arith.index_cast %scan3A_22 : i32 to index
      %get3A_517 = arith.constant 432 : index
      %get3A_518 = tpu.vector_load %arg7[%get3A_516, %get3A_517] {strides = array<i32>} : memref<64x768xf32, #tpu.memory_space<vmem>>, vector<1x16xf32>,
      %get3A_519 = vector.shape_cast %get3A_518 : vector<1x16xf32> to vector<16xf32>
      %mul3A_520 = arith.mulf %get3A_519, %gather3A_79 : vector<16xf32>
      %add3A_521 = arith.addf %mul3A_515, %mul3A_520 : vector<16xf32>
      %swap3A_522 = arith.index_cast %scan3A_22 : i32 to index
      %swap3A_523 = arith.constant 432 : index
      %swap3A_524 = tpu.vector_load %arg6[%swap3A_522, %swap3A_523] {strides = array<i32>} : memref<64x768xf32, #tpu.memory_space<vmem>>, vector<1x16xf32>,
      %swap3A_525 = vector.shape_cast %swap3A_524 : vector<1x16xf32> to vector<16xf32>
      %swap3A_526 = vector.shape_cast %add3A_521 : vector<16xf32> to vector<1x16xf32>
      tpu.vector_store %arg6[%swap3A_522, %swap3A_523], %swap3A_526 {strides = array<i32>} : memref<64x768xf32, #tpu.memory_space<vmem>>, vector<1x16xf32>,
      %get3A_527 = arith.index_cast %scan3A_22 : i32 to index
      %get3A_528 = arith.constant 448 : index
      %get3A_529 = tpu.vector_load %arg6[%get3A_527, %get3A_528] {strides = array<i32>} : memref<64x768xf32, #tpu.memory_space<vmem>>, vector<1x16xf32>,
      %get3A_530 = vector.shape_cast %get3A_529 : vector<1x16xf32> to vector<16xf32>
      %mul3A_531 = arith.mulf %get3A_530, %gather3A_66 : vector<16xf32>
      %get3A_532 = arith.index_cast %scan3A_22 : i32 to index
      %get3A_533 = arith.constant 448 : index
      %get3A_534 = tpu.vector_load %arg7[%get3A_532, %get3A_533] {strides = array<i32>} : memref<64x768xf32, #tpu.memory_space<vmem>>, vector<1x16xf32>,
      %get3A_535 = vector.shape_cast %get3A_534 : vector<1x16xf32> to vector<16xf32>
      %mul3A_536 = arith.mulf %get3A_535, %gather3A_79 : vector<16xf32>
      %add3A_537 = arith.addf %mul3A_531, %mul3A_536 : vector<16xf32>
      %swap3A_538 = arith.index_cast %scan3A_22 : i32 to index
      %swap3A_539 = arith.constant 448 : index
      %swap3A_540 = tpu.vector_load %arg6[%swap3A_538, %swap3A_539] {strides = array<i32>} : memref<64x768xf32, #tpu.memory_space<vmem>>, vector<1x16xf32>,
      %swap3A_541 = vector.shape_cast %swap3A_540 : vector<1x16xf32> to vector<16xf32>
      %swap3A_542 = vector.shape_cast %add3A_537 : vector<16xf32> to vector<1x16xf32>
      tpu.vector_store %arg6[%swap3A_538, %swap3A_539], %swap3A_542 {strides = array<i32>} : memref<64x768xf32, #tpu.memory_space<vmem>>, vector<1x16xf32>,
      %get3A_543 = arith.index_cast %scan3A_22 : i32 to index
      %get3A_544 = arith.constant 464 : index
      %get3A_545 = tpu.vector_load %arg6[%get3A_543, %get3A_544] {strides = array<i32>} : memref<64x768xf32, #tpu.memory_space<vmem>>, vector<1x16xf32>,
      %get3A_546 = vector.shape_cast %get3A_545 : vector<1x16xf32> to vector<16xf32>
      %mul3A_547 = arith.mulf %get3A_546, %gather3A_66 : vector<16xf32>
      %get3A_548 = arith.index_cast %scan3A_22 : i32 to index
      %get3A_549 = arith.constant 464 : index
      %get3A_550 = tpu.vector_load %arg7[%get3A_548, %get3A_549] {strides = array<i32>} : memref<64x768xf32, #tpu.memory_space<vmem>>, vector<1x16xf32>,
      %get3A_551 = vector.shape_cast %get3A_550 : vector<1x16xf32> to vector<16xf32>
      %mul3A_552 = arith.mulf %get3A_551, %gather3A_79 : vector<16xf32>
      %add3A_553 = arith.addf %mul3A_547, %mul3A_552 : vector<16xf32>
      %swap3A_554 = arith.index_cast %scan3A_22 : i32 to index
      %swap3A_555 = arith.constant 464 : index
      %swap3A_556 = tpu.vector_load %arg6[%swap3A_554, %swap3A_555] {strides = array<i32>} : memref<64x768xf32, #tpu.memory_space<vmem>>, vector<1x16xf32>,
      %swap3A_557 = vector.shape_cast %swap3A_556 : vector<1x16xf32> to vector<16xf32>
      %swap3A_558 = vector.shape_cast %add3A_553 : vector<16xf32> to vector<1x16xf32>
      tpu.vector_store %arg6[%swap3A_554, %swap3A_555], %swap3A_558 {strides = array<i32>} : memref<64x768xf32, #tpu.memory_space<vmem>>, vector<1x16xf32>,
      %get3A_559 = arith.index_cast %scan3A_22 : i32 to index
      %get3A_560 = arith.constant 480 : index
      %get3A_561 = tpu.vector_load %arg6[%get3A_559, %get3A_560] {strides = array<i32>} : memref<64x768xf32, #tpu.memory_space<vmem>>, vector<1x16xf32>,
      %get3A_562 = vector.shape_cast %get3A_561 : vector<1x16xf32> to vector<16xf32>
      %mul3A_563 = arith.mulf %get3A_562, %gather3A_66 : vector<16xf32>
      %get3A_564 = arith.index_cast %scan3A_22 : i32 to index
      %get3A_565 = arith.constant 480 : index
      %get3A_566 = tpu.vector_load %arg7[%get3A_564, %get3A_565] {strides = array<i32>} : memref<64x768xf32, #tpu.memory_space<vmem>>, vector<1x16xf32>,
      %get3A_567 = vector.shape_cast %get3A_566 : vector<1x16xf32> to vector<16xf32>
      %mul3A_568 = arith.mulf %get3A_567, %gather3A_79 : vector<16xf32>
      %add3A_569 = arith.addf %mul3A_563, %mul3A_568 : vector<16xf32>
      %swap3A_570 = arith.index_cast %scan3A_22 : i32 to index
      %swap3A_571 = arith.constant 480 : index
      %swap3A_572 = tpu.vector_load %arg6[%swap3A_570, %swap3A_571] {strides = array<i32>} : memref<64x768xf32, #tpu.memory_space<vmem>>, vector<1x16xf32>,
      %swap3A_573 = vector.shape_cast %swap3A_572 : vector<1x16xf32> to vector<16xf32>
      %swap3A_574 = vector.shape_cast %add3A_569 : vector<16xf32> to vector<1x16xf32>
      tpu.vector_store %arg6[%swap3A_570, %swap3A_571], %swap3A_574 {strides = array<i32>} : memref<64x768xf32, #tpu.memory_space<vmem>>, vector<1x16xf32>,
      %get3A_575 = arith.index_cast %scan3A_22 : i32 to index
      %get3A_576 = arith.constant 496 : index
      %get3A_577 = tpu.vector_load %arg6[%get3A_575, %get3A_576] {strides = array<i32>} : memref<64x768xf32, #tpu.memory_space<vmem>>, vector<1x16xf32>,
      %get3A_578 = vector.shape_cast %get3A_577 : vector<1x16xf32> to vector<16xf32>
      %mul3A_579 = arith.mulf %get3A_578, %gather3A_66 : vector<16xf32>
      %get3A_580 = arith.index_cast %scan3A_22 : i32 to index
      %get3A_581 = arith.constant 496 : index
      %get3A_582 = tpu.vector_load %arg7[%get3A_580, %get3A_581] {strides = array<i32>} : memref<64x768xf32, #tpu.memory_space<vmem>>, vector<1x16xf32>,
      %get3A_583 = vector.shape_cast %get3A_582 : vector<1x16xf32> to vector<16xf32>
      %mul3A_584 = arith.mulf %get3A_583, %gather3A_79 : vector<16xf32>
      %add3A_585 = arith.addf %mul3A_579, %mul3A_584 : vector<16xf32>
      %swap3A_586 = arith.index_cast %scan3A_22 : i32 to index
      %swap3A_587 = arith.constant 496 : index
      %swap3A_588 = tpu.vector_load %arg6[%swap3A_586, %swap3A_587] {strides = array<i32>} : memref<64x768xf32, #tpu.memory_space<vmem>>, vector<1x16xf32>,
      %swap3A_589 = vector.shape_cast %swap3A_588 : vector<1x16xf32> to vector<16xf32>
      %swap3A_590 = vector.shape_cast %add3A_585 : vector<16xf32> to vector<1x16xf32>
      tpu.vector_store %arg6[%swap3A_586, %swap3A_587], %swap3A_590 {strides = array<i32>} : memref<64x768xf32, #tpu.memory_space<vmem>>, vector<1x16xf32>,
      %get3A_591 = arith.index_cast %scan3A_22 : i32 to index
      %get3A_592 = arith.constant 512 : index
      %get3A_593 = tpu.vector_load %arg6[%get3A_591, %get3A_592] {strides = array<i32>} : memref<64x768xf32, #tpu.memory_space<vmem>>, vector<1x16xf32>,
      %get3A_594 = vector.shape_cast %get3A_593 : vector<1x16xf32> to vector<16xf32>
      %mul3A_595 = arith.mulf %get3A_594, %gather3A_66 : vector<16xf32>
      %get3A_596 = arith.index_cast %scan3A_22 : i32 to index
      %get3A_597 = arith.constant 512 : index
      %get3A_598 = tpu.vector_load %arg7[%get3A_596, %get3A_597] {strides = array<i32>} : memref<64x768xf32, #tpu.memory_space<vmem>>, vector<1x16xf32>,
      %get3A_599 = vector.shape_cast %get3A_598 : vector<1x16xf32> to vector<16xf32>
      %mul3A_600 = arith.mulf %get3A_599, %gather3A_79 : vector<16xf32>
      %add3A_601 = arith.addf %mul3A_595, %mul3A_600 : vector<16xf32>
      %swap3A_602 = arith.index_cast %scan3A_22 : i32 to index
      %swap3A_603 = arith.constant 512 : index
      %swap3A_604 = tpu.vector_load %arg6[%swap3A_602, %swap3A_603] {strides = array<i32>} : memref<64x768xf32, #tpu.memory_space<vmem>>, vector<1x16xf32>,
      %swap3A_605 = vector.shape_cast %swap3A_604 : vector<1x16xf32> to vector<16xf32>
      %swap3A_606 = vector.shape_cast %add3A_601 : vector<16xf32> to vector<1x16xf32>
      tpu.vector_store %arg6[%swap3A_602, %swap3A_603], %swap3A_606 {strides = array<i32>} : memref<64x768xf32, #tpu.memory_space<vmem>>, vector<1x16xf32>,
      %get3A_607 = arith.index_cast %scan3A_22 : i32 to index
      %get3A_608 = arith.constant 528 : index
      %get3A_609 = tpu.vector_load %arg6[%get3A_607, %get3A_608] {strides = array<i32>} : memref<64x768xf32, #tpu.memory_space<vmem>>, vector<1x16xf32>,
      %get3A_610 = vector.shape_cast %get3A_609 : vector<1x16xf32> to vector<16xf32>
      %mul3A_611 = arith.mulf %get3A_610, %gather3A_66 : vector<16xf32>
      %get3A_612 = arith.index_cast %scan3A_22 : i32 to index
      %get3A_613 = arith.constant 528 : index
      %get3A_614 = tpu.vector_load %arg7[%get3A_612, %get3A_613] {strides = array<i32>} : memref<64x768xf32, #tpu.memory_space<vmem>>, vector<1x16xf32>,
      %get3A_615 = vector.shape_cast %get3A_614 : vector<1x16xf32> to vector<16xf32>
      %mul3A_616 = arith.mulf %get3A_615, %gather3A_79 : vector<16xf32>
      %add3A_617 = arith.addf %mul3A_611, %mul3A_616 : vector<16xf32>
      %swap3A_618 = arith.index_cast %scan3A_22 : i32 to index
      %swap3A_619 = arith.constant 528 : index
      %swap3A_620 = tpu.vector_load %arg6[%swap3A_618, %swap3A_619] {strides = array<i32>} : memref<64x768xf32, #tpu.memory_space<vmem>>, vector<1x16xf32>,
      %swap3A_621 = vector.shape_cast %swap3A_620 : vector<1x16xf32> to vector<16xf32>
      %swap3A_622 = vector.shape_cast %add3A_617 : vector<16xf32> to vector<1x16xf32>
      tpu.vector_store %arg6[%swap3A_618, %swap3A_619], %swap3A_622 {strides = array<i32>} : memref<64x768xf32, #tpu.memory_space<vmem>>, vector<1x16xf32>,
      %get3A_623 = arith.index_cast %scan3A_22 : i32 to index
      %get3A_624 = arith.constant 544 : index
      %get3A_625 = tpu.vector_load %arg6[%get3A_623, %get3A_624] {strides = array<i32>} : memref<64x768xf32, #tpu.memory_space<vmem>>, vector<1x16xf32>,
      %get3A_626 = vector.shape_cast %get3A_625 : vector<1x16xf32> to vector<16xf32>
      %mul3A_627 = arith.mulf %get3A_626, %gather3A_66 : vector<16xf32>
      %get3A_628 = arith.index_cast %scan3A_22 : i32 to index
      %get3A_629 = arith.constant 544 : index
      %get3A_630 = tpu.vector_load %arg7[%get3A_628, %get3A_629] {strides = array<i32>} : memref<64x768xf32, #tpu.memory_space<vmem>>, vector<1x16xf32>,
      %get3A_631 = vector.shape_cast %get3A_630 : vector<1x16xf32> to vector<16xf32>
      %mul3A_632 = arith.mulf %get3A_631, %gather3A_79 : vector<16xf32>
      %add3A_633 = arith.addf %mul3A_627, %mul3A_632 : vector<16xf32>
      %swap3A_634 = arith.index_cast %scan3A_22 : i32 to index
      %swap3A_635 = arith.constant 544 : index
      %swap3A_636 = tpu.vector_load %arg6[%swap3A_634, %swap3A_635] {strides = array<i32>} : memref<64x768xf32, #tpu.memory_space<vmem>>, vector<1x16xf32>,
      %swap3A_637 = vector.shape_cast %swap3A_636 : vector<1x16xf32> to vector<16xf32>
      %swap3A_638 = vector.shape_cast %add3A_633 : vector<16xf32> to vector<1x16xf32>
      tpu.vector_store %arg6[%swap3A_634, %swap3A_635], %swap3A_638 {strides = array<i32>} : memref<64x768xf32, #tpu.memory_space<vmem>>, vector<1x16xf32>,
      %get3A_639 = arith.index_cast %scan3A_22 : i32 to index
      %get3A_640 = arith.constant 560 : index
      %get3A_641 = tpu.vector_load %arg6[%get3A_639, %get3A_640] {strides = array<i32>} : memref<64x768xf32, #tpu.memory_space<vmem>>, vector<1x16xf32>,
      %get3A_642 = vector.shape_cast %get3A_641 : vector<1x16xf32> to vector<16xf32>
      %mul3A_643 = arith.mulf %get3A_642, %gather3A_66 : vector<16xf32>
      %get3A_644 = arith.index_cast %scan3A_22 : i32 to index
      %get3A_645 = arith.constant 560 : index
      %get3A_646 = tpu.vector_load %arg7[%get3A_644, %get3A_645] {strides = array<i32>} : memref<64x768xf32, #tpu.memory_space<vmem>>, vector<1x16xf32>,
      %get3A_647 = vector.shape_cast %get3A_646 : vector<1x16xf32> to vector<16xf32>
      %mul3A_648 = arith.mulf %get3A_647, %gather3A_79 : vector<16xf32>
      %add3A_649 = arith.addf %mul3A_643, %mul3A_648 : vector<16xf32>
      %swap3A_650 = arith.index_cast %scan3A_22 : i32 to index
      %swap3A_651 = arith.constant 560 : index
      %swap3A_652 = tpu.vector_load %arg6[%swap3A_650, %swap3A_651] {strides = array<i32>} : memref<64x768xf32, #tpu.memory_space<vmem>>, vector<1x16xf32>,
      %swap3A_653 = vector.shape_cast %swap3A_652 : vector<1x16xf32> to vector<16xf32>
      %swap3A_654 = vector.shape_cast %add3A_649 : vector<16xf32> to vector<1x16xf32>
      tpu.vector_store %arg6[%swap3A_650, %swap3A_651], %swap3A_654 {strides = array<i32>} : memref<64x768xf32, #tpu.memory_space<vmem>>, vector<1x16xf32>,
      %get3A_655 = arith.index_cast %scan3A_22 : i32 to index
      %get3A_656 = arith.constant 576 : index
      %get3A_657 = tpu.vector_load %arg6[%get3A_655, %get3A_656] {strides = array<i32>} : memref<64x768xf32, #tpu.memory_space<vmem>>, vector<1x16xf32>,
      %get3A_658 = vector.shape_cast %get3A_657 : vector<1x16xf32> to vector<16xf32>
      %mul3A_659 = arith.mulf %get3A_658, %gather3A_66 : vector<16xf32>
      %get3A_660 = arith.index_cast %scan3A_22 : i32 to index
      %get3A_661 = arith.constant 576 : index
      %get3A_662 = tpu.vector_load %arg7[%get3A_660, %get3A_661] {strides = array<i32>} : memref<64x768xf32, #tpu.memory_space<vmem>>, vector<1x16xf32>,
      %get3A_663 = vector.shape_cast %get3A_662 : vector<1x16xf32> to vector<16xf32>
      %mul3A_664 = arith.mulf %get3A_663, %gather3A_79 : vector<16xf32>
      %add3A_665 = arith.addf %mul3A_659, %mul3A_664 : vector<16xf32>
      %swap3A_666 = arith.index_cast %scan3A_22 : i32 to index
      %swap3A_667 = arith.constant 576 : index
      %swap3A_668 = tpu.vector_load %arg6[%swap3A_666, %swap3A_667] {strides = array<i32>} : memref<64x768xf32, #tpu.memory_space<vmem>>, vector<1x16xf32>,
      %swap3A_669 = vector.shape_cast %swap3A_668 : vector<1x16xf32> to vector<16xf32>
      %swap3A_670 = vector.shape_cast %add3A_665 : vector<16xf32> to vector<1x16xf32>
      tpu.vector_store %arg6[%swap3A_666, %swap3A_667], %swap3A_670 {strides = array<i32>} : memref<64x768xf32, #tpu.memory_space<vmem>>, vector<1x16xf32>,
      %get3A_671 = arith.index_cast %scan3A_22 : i32 to index
      %get3A_672 = arith.constant 592 : index
      %get3A_673 = tpu.vector_load %arg6[%get3A_671, %get3A_672] {strides = array<i32>} : memref<64x768xf32, #tpu.memory_space<vmem>>, vector<1x16xf32>,
      %get3A_674 = vector.shape_cast %get3A_673 : vector<1x16xf32> to vector<16xf32>
      %mul3A_675 = arith.mulf %get3A_674, %gather3A_66 : vector<16xf32>
      %get3A_676 = arith.index_cast %scan3A_22 : i32 to index
      %get3A_677 = arith.constant 592 : index
      %get3A_678 = tpu.vector_load %arg7[%get3A_676, %get3A_677] {strides = array<i32>} : memref<64x768xf32, #tpu.memory_space<vmem>>, vector<1x16xf32>,
      %get3A_679 = vector.shape_cast %get3A_678 : vector<1x16xf32> to vector<16xf32>
      %mul3A_680 = arith.mulf %get3A_679, %gather3A_79 : vector<16xf32>
      %add3A_681 = arith.addf %mul3A_675, %mul3A_680 : vector<16xf32>
      %swap3A_682 = arith.index_cast %scan3A_22 : i32 to index
      %swap3A_683 = arith.constant 592 : index
      %swap3A_684 = tpu.vector_load %arg6[%swap3A_682, %swap3A_683] {strides = array<i32>} : memref<64x768xf32, #tpu.memory_space<vmem>>, vector<1x16xf32>,
      %swap3A_685 = vector.shape_cast %swap3A_684 : vector<1x16xf32> to vector<16xf32>
      %swap3A_686 = vector.shape_cast %add3A_681 : vector<16xf32> to vector<1x16xf32>
      tpu.vector_store %arg6[%swap3A_682, %swap3A_683], %swap3A_686 {strides = array<i32>} : memref<64x768xf32, #tpu.memory_space<vmem>>, vector<1x16xf32>,
      %get3A_687 = arith.index_cast %scan3A_22 : i32 to index
      %get3A_688 = arith.constant 608 : index
      %get3A_689 = tpu.vector_load %arg6[%get3A_687, %get3A_688] {strides = array<i32>} : memref<64x768xf32, #tpu.memory_space<vmem>>, vector<1x16xf32>,
      %get3A_690 = vector.shape_cast %get3A_689 : vector<1x16xf32> to vector<16xf32>
      %mul3A_691 = arith.mulf %get3A_690, %gather3A_66 : vector<16xf32>
      %get3A_692 = arith.index_cast %scan3A_22 : i32 to index
      %get3A_693 = arith.constant 608 : index
      %get3A_694 = tpu.vector_load %arg7[%get3A_692, %get3A_693] {strides = array<i32>} : memref<64x768xf32, #tpu.memory_space<vmem>>, vector<1x16xf32>,
      %get3A_695 = vector.shape_cast %get3A_694 : vector<1x16xf32> to vector<16xf32>
      %mul3A_696 = arith.mulf %get3A_695, %gather3A_79 : vector<16xf32>
      %add3A_697 = arith.addf %mul3A_691, %mul3A_696 : vector<16xf32>
      %swap3A_698 = arith.index_cast %scan3A_22 : i32 to index
      %swap3A_699 = arith.constant 608 : index
      %swap3A_700 = tpu.vector_load %arg6[%swap3A_698, %swap3A_699] {strides = array<i32>} : memref<64x768xf32, #tpu.memory_space<vmem>>, vector<1x16xf32>,
      %swap3A_701 = vector.shape_cast %swap3A_700 : vector<1x16xf32> to vector<16xf32>
      %swap3A_702 = vector.shape_cast %add3A_697 : vector<16xf32> to vector<1x16xf32>
      tpu.vector_store %arg6[%swap3A_698, %swap3A_699], %swap3A_702 {strides = array<i32>} : memref<64x768xf32, #tpu.memory_space<vmem>>, vector<1x16xf32>,
      %get3A_703 = arith.index_cast %scan3A_22 : i32 to index
      %get3A_704 = arith.constant 624 : index
      %get3A_705 = tpu.vector_load %arg6[%get3A_703, %get3A_704] {strides = array<i32>} : memref<64x768xf32, #tpu.memory_space<vmem>>, vector<1x16xf32>,
      %get3A_706 = vector.shape_cast %get3A_705 : vector<1x16xf32> to vector<16xf32>
      %mul3A_707 = arith.mulf %get3A_706, %gather3A_66 : vector<16xf32>
      %get3A_708 = arith.index_cast %scan3A_22 : i32 to index
      %get3A_709 = arith.constant 624 : index
      %get3A_710 = tpu.vector_load %arg7[%get3A_708, %get3A_709] {strides = array<i32>} : memref<64x768xf32, #tpu.memory_space<vmem>>, vector<1x16xf32>,
      %get3A_711 = vector.shape_cast %get3A_710 : vector<1x16xf32> to vector<16xf32>
      %mul3A_712 = arith.mulf %get3A_711, %gather3A_79 : vector<16xf32>
      %add3A_713 = arith.addf %mul3A_707, %mul3A_712 : vector<16xf32>
      %swap3A_714 = arith.index_cast %scan3A_22 : i32 to index
      %swap3A_715 = arith.constant 624 : index
      %swap3A_716 = tpu.vector_load %arg6[%swap3A_714, %swap3A_715] {strides = array<i32>} : memref<64x768xf32, #tpu.memory_space<vmem>>, vector<1x16xf32>,
      %swap3A_717 = vector.shape_cast %swap3A_716 : vector<1x16xf32> to vector<16xf32>
      %swap3A_718 = vector.shape_cast %add3A_713 : vector<16xf32> to vector<1x16xf32>
      tpu.vector_store %arg6[%swap3A_714, %swap3A_715], %swap3A_718 {strides = array<i32>} : memref<64x768xf32, #tpu.memory_space<vmem>>, vector<1x16xf32>,
      %get3A_719 = arith.index_cast %scan3A_22 : i32 to index
      %get3A_720 = arith.constant 640 : index
      %get3A_721 = tpu.vector_load %arg6[%get3A_719, %get3A_720] {strides = array<i32>} : memref<64x768xf32, #tpu.memory_space<vmem>>, vector<1x16xf32>,
      %get3A_722 = vector.shape_cast %get3A_721 : vector<1x16xf32> to vector<16xf32>
      %mul3A_723 = arith.mulf %get3A_722, %gather3A_66 : vector<16xf32>
      %get3A_724 = arith.index_cast %scan3A_22 : i32 to index
      %get3A_725 = arith.constant 640 : index
      %get3A_726 = tpu.vector_load %arg7[%get3A_724, %get3A_725] {strides = array<i32>} : memref<64x768xf32, #tpu.memory_space<vmem>>, vector<1x16xf32>,
      %get3A_727 = vector.shape_cast %get3A_726 : vector<1x16xf32> to vector<16xf32>
      %mul3A_728 = arith.mulf %get3A_727, %gather3A_79 : vector<16xf32>
      %add3A_729 = arith.addf %mul3A_723, %mul3A_728 : vector<16xf32>
      %swap3A_730 = arith.index_cast %scan3A_22 : i32 to index
      %swap3A_731 = arith.constant 640 : index
      %swap3A_732 = tpu.vector_load %arg6[%swap3A_730, %swap3A_731] {strides = array<i32>} : memref<64x768xf32, #tpu.memory_space<vmem>>, vector<1x16xf32>,
      %swap3A_733 = vector.shape_cast %swap3A_732 : vector<1x16xf32> to vector<16xf32>
      %swap3A_734 = vector.shape_cast %add3A_729 : vector<16xf32> to vector<1x16xf32>
      tpu.vector_store %arg6[%swap3A_730, %swap3A_731], %swap3A_734 {strides = array<i32>} : memref<64x768xf32, #tpu.memory_space<vmem>>, vector<1x16xf32>,
      %get3A_735 = arith.index_cast %scan3A_22 : i32 to index
      %get3A_736 = arith.constant 656 : index
      %get3A_737 = tpu.vector_load %arg6[%get3A_735, %get3A_736] {strides = array<i32>} : memref<64x768xf32, #tpu.memory_space<vmem>>, vector<1x16xf32>,
      %get3A_738 = vector.shape_cast %get3A_737 : vector<1x16xf32> to vector<16xf32>
      %mul3A_739 = arith.mulf %get3A_738, %gather3A_66 : vector<16xf32>
      %get3A_740 = arith.index_cast %scan3A_22 : i32 to index
      %get3A_741 = arith.constant 656 : index
      %get3A_742 = tpu.vector_load %arg7[%get3A_740, %get3A_741] {strides = array<i32>} : memref<64x768xf32, #tpu.memory_space<vmem>>, vector<1x16xf32>,
      %get3A_743 = vector.shape_cast %get3A_742 : vector<1x16xf32> to vector<16xf32>
      %mul3A_744 = arith.mulf %get3A_743, %gather3A_79 : vector<16xf32>
      %add3A_745 = arith.addf %mul3A_739, %mul3A_744 : vector<16xf32>
      %swap3A_746 = arith.index_cast %scan3A_22 : i32 to index
      %swap3A_747 = arith.constant 656 : index
      %swap3A_748 = tpu.vector_load %arg6[%swap3A_746, %swap3A_747] {strides = array<i32>} : memref<64x768xf32, #tpu.memory_space<vmem>>, vector<1x16xf32>,
      %swap3A_749 = vector.shape_cast %swap3A_748 : vector<1x16xf32> to vector<16xf32>
      %swap3A_750 = vector.shape_cast %add3A_745 : vector<16xf32> to vector<1x16xf32>
      tpu.vector_store %arg6[%swap3A_746, %swap3A_747], %swap3A_750 {strides = array<i32>} : memref<64x768xf32, #tpu.memory_space<vmem>>, vector<1x16xf32>,
      %get3A_751 = arith.index_cast %scan3A_22 : i32 to index
      %get3A_752 = arith.constant 672 : index
      %get3A_753 = tpu.vector_load %arg6[%get3A_751, %get3A_752] {strides = array<i32>} : memref<64x768xf32, #tpu.memory_space<vmem>>, vector<1x16xf32>,
      %get3A_754 = vector.shape_cast %get3A_753 : vector<1x16xf32> to vector<16xf32>
      %mul3A_755 = arith.mulf %get3A_754, %gather3A_66 : vector<16xf32>
      %get3A_756 = arith.index_cast %scan3A_22 : i32 to index
      %get3A_757 = arith.constant 672 : index
      %get3A_758 = tpu.vector_load %arg7[%get3A_756, %get3A_757] {strides = array<i32>} : memref<64x768xf32, #tpu.memory_space<vmem>>, vector<1x16xf32>,
      %get3A_759 = vector.shape_cast %get3A_758 : vector<1x16xf32> to vector<16xf32>
      %mul3A_760 = arith.mulf %get3A_759, %gather3A_79 : vector<16xf32>
      %add3A_761 = arith.addf %mul3A_755, %mul3A_760 : vector<16xf32>
      %swap3A_762 = arith.index_cast %scan3A_22 : i32 to index
      %swap3A_763 = arith.constant 672 : index
      %swap3A_764 = tpu.vector_load %arg6[%swap3A_762, %swap3A_763] {strides = array<i32>} : memref<64x768xf32, #tpu.memory_space<vmem>>, vector<1x16xf32>,
      %swap3A_765 = vector.shape_cast %swap3A_764 : vector<1x16xf32> to vector<16xf32>
      %swap3A_766 = vector.shape_cast %add3A_761 : vector<16xf32> to vector<1x16xf32>
      tpu.vector_store %arg6[%swap3A_762, %swap3A_763], %swap3A_766 {strides = array<i32>} : memref<64x768xf32, #tpu.memory_space<vmem>>, vector<1x16xf32>,
      %get3A_767 = arith.index_cast %scan3A_22 : i32 to index
      %get3A_768 = arith.constant 688 : index
      %get3A_769 = tpu.vector_load %arg6[%get3A_767, %get3A_768] {strides = array<i32>} : memref<64x768xf32, #tpu.memory_space<vmem>>, vector<1x16xf32>,
      %get3A_770 = vector.shape_cast %get3A_769 : vector<1x16xf32> to vector<16xf32>
      %mul3A_771 = arith.mulf %get3A_770, %gather3A_66 : vector<16xf32>
      %get3A_772 = arith.index_cast %scan3A_22 : i32 to index
      %get3A_773 = arith.constant 688 : index
      %get3A_774 = tpu.vector_load %arg7[%get3A_772, %get3A_773] {strides = array<i32>} : memref<64x768xf32, #tpu.memory_space<vmem>>, vector<1x16xf32>,
      %get3A_775 = vector.shape_cast %get3A_774 : vector<1x16xf32> to vector<16xf32>
      %mul3A_776 = arith.mulf %get3A_775, %gather3A_79 : vector<16xf32>
      %add3A_777 = arith.addf %mul3A_771, %mul3A_776 : vector<16xf32>
      %swap3A_778 = arith.index_cast %scan3A_22 : i32 to index
      %swap3A_779 = arith.constant 688 : index
      %swap3A_780 = tpu.vector_load %arg6[%swap3A_778, %swap3A_779] {strides = array<i32>} : memref<64x768xf32, #tpu.memory_space<vmem>>, vector<1x16xf32>,
      %swap3A_781 = vector.shape_cast %swap3A_780 : vector<1x16xf32> to vector<16xf32>
      %swap3A_782 = vector.shape_cast %add3A_777 : vector<16xf32> to vector<1x16xf32>
      tpu.vector_store %arg6[%swap3A_778, %swap3A_779], %swap3A_782 {strides = array<i32>} : memref<64x768xf32, #tpu.memory_space<vmem>>, vector<1x16xf32>,
      %get3A_783 = arith.index_cast %scan3A_22 : i32 to index
      %get3A_784 = arith.constant 704 : index
      %get3A_785 = tpu.vector_load %arg6[%get3A_783, %get3A_784] {strides = array<i32>} : memref<64x768xf32, #tpu.memory_space<vmem>>, vector<1x16xf32>,
      %get3A_786 = vector.shape_cast %get3A_785 : vector<1x16xf32> to vector<16xf32>
      %mul3A_787 = arith.mulf %get3A_786, %gather3A_66 : vector<16xf32>
      %get3A_788 = arith.index_cast %scan3A_22 : i32 to index
      %get3A_789 = arith.constant 704 : index
      %get3A_790 = tpu.vector_load %arg7[%get3A_788, %get3A_789] {strides = array<i32>} : memref<64x768xf32, #tpu.memory_space<vmem>>, vector<1x16xf32>,
      %get3A_791 = vector.shape_cast %get3A_790 : vector<1x16xf32> to vector<16xf32>
      %mul3A_792 = arith.mulf %get3A_791, %gather3A_79 : vector<16xf32>
      %add3A_793 = arith.addf %mul3A_787, %mul3A_792 : vector<16xf32>
      %swap3A_794 = arith.index_cast %scan3A_22 : i32 to index
      %swap3A_795 = arith.constant 704 : index
      %swap3A_796 = tpu.vector_load %arg6[%swap3A_794, %swap3A_795] {strides = array<i32>} : memref<64x768xf32, #tpu.memory_space<vmem>>, vector<1x16xf32>,
      %swap3A_797 = vector.shape_cast %swap3A_796 : vector<1x16xf32> to vector<16xf32>
      %swap3A_798 = vector.shape_cast %add3A_793 : vector<16xf32> to vector<1x16xf32>
      tpu.vector_store %arg6[%swap3A_794, %swap3A_795], %swap3A_798 {strides = array<i32>} : memref<64x768xf32, #tpu.memory_space<vmem>>, vector<1x16xf32>,
      %get3A_799 = arith.index_cast %scan3A_22 : i32 to index
      %get3A_800 = arith.constant 720 : index
      %get3A_801 = tpu.vector_load %arg6[%get3A_799, %get3A_800] {strides = array<i32>} : memref<64x768xf32, #tpu.memory_space<vmem>>, vector<1x16xf32>,
      %get3A_802 = vector.shape_cast %get3A_801 : vector<1x16xf32> to vector<16xf32>
      %mul3A_803 = arith.mulf %get3A_802, %gather3A_66 : vector<16xf32>
      %get3A_804 = arith.index_cast %scan3A_22 : i32 to index
      %get3A_805 = arith.constant 720 : index
      %get3A_806 = tpu.vector_load %arg7[%get3A_804, %get3A_805] {strides = array<i32>} : memref<64x768xf32, #tpu.memory_space<vmem>>, vector<1x16xf32>,
      %get3A_807 = vector.shape_cast %get3A_806 : vector<1x16xf32> to vector<16xf32>
      %mul3A_808 = arith.mulf %get3A_807, %gather3A_79 : vector<16xf32>
      %add3A_809 = arith.addf %mul3A_803, %mul3A_808 : vector<16xf32>
      %swap3A_810 = arith.index_cast %scan3A_22 : i32 to index
      %swap3A_811 = arith.constant 720 : index
      %swap3A_812 = tpu.vector_load %arg6[%swap3A_810, %swap3A_811] {strides = array<i32>} : memref<64x768xf32, #tpu.memory_space<vmem>>, vector<1x16xf32>,
      %swap3A_813 = vector.shape_cast %swap3A_812 : vector<1x16xf32> to vector<16xf32>
      %swap3A_814 = vector.shape_cast %add3A_809 : vector<16xf32> to vector<1x16xf32>
      tpu.vector_store %arg6[%swap3A_810, %swap3A_811], %swap3A_814 {strides = array<i32>} : memref<64x768xf32, #tpu.memory_space<vmem>>, vector<1x16xf32>,
      %get3A_815 = arith.index_cast %scan3A_22 : i32 to index
      %get3A_816 = arith.constant 736 : index
      %get3A_817 = tpu.vector_load %arg6[%get3A_815, %get3A_816] {strides = array<i32>} : memref<64x768xf32, #tpu.memory_space<vmem>>, vector<1x16xf32>,
      %get3A_818 = vector.shape_cast %get3A_817 : vector<1x16xf32> to vector<16xf32>
      %mul3A_819 = arith.mulf %get3A_818, %gather3A_66 : vector<16xf32>
      %get3A_820 = arith.index_cast %scan3A_22 : i32 to index
      %get3A_821 = arith.constant 736 : index
      %get3A_822 = tpu.vector_load %arg7[%get3A_820, %get3A_821] {strides = array<i32>} : memref<64x768xf32, #tpu.memory_space<vmem>>, vector<1x16xf32>,
      %get3A_823 = vector.shape_cast %get3A_822 : vector<1x16xf32> to vector<16xf32>
      %mul3A_824 = arith.mulf %get3A_823, %gather3A_79 : vector<16xf32>
      %add3A_825 = arith.addf %mul3A_819, %mul3A_824 : vector<16xf32>
      %swap3A_826 = arith.index_cast %scan3A_22 : i32 to index
      %swap3A_827 = arith.constant 736 : index
      %swap3A_828 = tpu.vector_load %arg6[%swap3A_826, %swap3A_827] {strides = array<i32>} : memref<64x768xf32, #tpu.memory_space<vmem>>, vector<1x16xf32>,
      %swap3A_829 = vector.shape_cast %swap3A_828 : vector<1x16xf32> to vector<16xf32>
      %swap3A_830 = vector.shape_cast %add3A_825 : vector<16xf32> to vector<1x16xf32>
      tpu.vector_store %arg6[%swap3A_826, %swap3A_827], %swap3A_830 {strides = array<i32>} : memref<64x768xf32, #tpu.memory_space<vmem>>, vector<1x16xf32>,
      %get3A_831 = arith.index_cast %scan3A_22 : i32 to index
      %get3A_832 = arith.constant 752 : index
      %get3A_833 = tpu.vector_load %arg6[%get3A_831, %get3A_832] {strides = array<i32>} : memref<64x768xf32, #tpu.memory_space<vmem>>, vector<1x16xf32>,
      %get3A_834 = vector.shape_cast %get3A_833 : vector<1x16xf32> to vector<16xf32>
      %mul3A_835 = arith.mulf %get3A_834, %gather3A_66 : vector<16xf32>
      %get3A_836 = arith.index_cast %scan3A_22 : i32 to index
      %get3A_837 = arith.constant 752 : index
      %get3A_838 = tpu.vector_load %arg7[%get3A_836, %get3A_837] {strides = array<i32>} : memref<64x768xf32, #tpu.memory_space<vmem>>, vector<1x16xf32>,
      %get3A_839 = vector.shape_cast %get3A_838 : vector<1x16xf32> to vector<16xf32>
      %mul3A_840 = arith.mulf %get3A_839, %gather3A_79 : vector<16xf32>
      %add3A_841 = arith.addf %mul3A_835, %mul3A_840 : vector<16xf32>
      %swap3A_842 = arith.index_cast %scan3A_22 : i32 to index
      %swap3A_843 = arith.constant 752 : index
      %swap3A_844 = tpu.vector_load %arg6[%swap3A_842, %swap3A_843] {strides = array<i32>} : memref<64x768xf32, #tpu.memory_space<vmem>>, vector<1x16xf32>,
      %swap3A_845 = vector.shape_cast %swap3A_844 : vector<1x16xf32> to vector<16xf32>
      %swap3A_846 = vector.shape_cast %add3A_841 : vector<16xf32> to vector<1x16xf32>
      tpu.vector_store %arg6[%swap3A_842, %swap3A_843], %swap3A_846 {strides = array<i32>} : memref<64x768xf32, #tpu.memory_space<vmem>>, vector<1x16xf32>,
      %scan3A_847 = arith.constant 0 : i32
      scf.yield %scan3A_847 : i32
    }
    %scan3A_21 = arith.constant 64 : i32
    "tpu.region"() ({
      %run_scoped3A_22 = tpu.sem_alloc : memref<!tpu.dma_semaphore, #tpu.memory_space<semaphore_mem>>
      %dma_start3A_23 = arith.constant 0 : i32
      %dma_start3A_24 = tpu.memref_slice %arg5[%mul3A_2, %dma_start3A_23] : memref<2048x768xf32, #tpu.memory_space<hbm>> -> memref<64x768xf32, #tpu.memory_space<hbm>>
      %dma_start3A_25 = arith.constant 0 : i32
      %dma_start3A_26 = tpu.memref_slice %arg5[%mul3A_2, %dma_start3A_25] : memref<2048x768xf32, #tpu.memory_space<hbm>> -> memref<64x768xf32, #tpu.memory_space<hbm>>
      tpu.enqueue_dma source(%arg6 : memref<64x768xf32, #tpu.memory_space<vmem>>) target(%dma_start3A_26 : memref<64x768xf32, #tpu.memory_space<hbm>>) target_semaphore(%run_scoped3A_22 : memref<!tpu.dma_semaphore, #tpu.memory_space<semaphore_mem>>)
      %dma_wait3A_27 = arith.constant 0 : i32
      %dma_wait3A_28 = tpu.memref_slice %arg5[%mul3A_2, %dma_wait3A_27] : memref<2048x768xf32, #tpu.memory_space<hbm>> -> memref<64x768xf32, #tpu.memory_space<hbm>>
      %dma_wait3A_29 = arith.constant 0 : i32
      %dma_wait3A_30 = tpu.memref_slice %arg5[%mul3A_2, %dma_wait3A_29] : memref<2048x768xf32, #tpu.memory_space<hbm>> -> memref<64x768xf32, #tpu.memory_space<hbm>>
      tpu.wait_dma2 semaphore(%run_scoped3A_22 : memref<!tpu.dma_semaphore, #tpu.memory_space<semaphore_mem>>) src(%arg6 : memref<64x768xf32, #tpu.memory_space<vmem>>) dst(%dma_wait3A_30 : memref<64x768xf32, #tpu.memory_space<hbm>>)
      tpu.yield
    }) : () -> ()
    return
  }
}

#map = affine_map<(d0, d1) -> (0, 0)>
module attributes {stable_mosaic.version = 14 : i64} {
  func.func @dispatch(%arg0: i32, %arg1: i32, %arg2: memref<2048x768xf32, #tpu.memory_space<hbm>>, %arg3: memref<2x2048xi32, #tpu.memory_space<hbm>>, %arg4: memref<4096x768xf32, #tpu.memory_space<hbm>>, %arg5: memref<64x768xf32, #tpu.memory_space<vmem>>, %arg6: memref<64xi32, #tpu.memory_space<vmem>>, %arg7: memref<64xi32, #tpu.memory_space<vmem>>, %arg8: memref<!tpu.dma_semaphore, #tpu.memory_space<semaphore_mem>>, %arg9: memref<!tpu.dma_semaphore, #tpu.memory_space<semaphore_mem>>) attributes {dimension_semantics = [#tpu.dimension_semantics<core_parallel>, #tpu.dimension_semantics<subcore_parallel>], iteration_bounds = array<i64: 2, 16>, scalar_prefetch = 0 : i64, scratch_operands = 5 : i64, tpu.core_type = #tpu.core_type<sc_vector_subcore>, window_params = [{transform_indices = #map}, {transform_indices = #map}, {transform_indices = #map}]} {
    %mul3A = arith.constant 2 : i32
    %mul3A_0 = arith.muli %arg1, %mul3A : i32
    %add3A = arith.addi %mul3A_0, %arg0 : i32
    %mul3A_1 = arith.constant 64 : i32
    %mul3A_2 = arith.muli %add3A, %mul3A_1 : i32
    "tpu.region"() ({
      %run_scoped3A_14 = tpu.sem_alloc : memref<!tpu.dma_semaphore, #tpu.memory_space<semaphore_mem>>
      %dma_start3A_15 = arith.constant 0 : i32
      %dma_start3A_16 = tpu.memref_slice %arg2[%mul3A_2, %dma_start3A_15] : memref<2048x768xf32, #tpu.memory_space<hbm>> -> memref<64x768xf32, #tpu.memory_space<hbm>>
      %dma_start3A_17 = arith.constant 0 : i32
      %dma_start3A_18 = tpu.memref_slice %arg2[%mul3A_2, %dma_start3A_17] : memref<2048x768xf32, #tpu.memory_space<hbm>> -> memref<64x768xf32, #tpu.memory_space<hbm>>
      tpu.enqueue_dma source(%dma_start3A_18 : memref<64x768xf32, #tpu.memory_space<hbm>>) target(%arg5 : memref<64x768xf32, #tpu.memory_space<vmem>>) target_semaphore(%run_scoped3A_14 : memref<!tpu.dma_semaphore, #tpu.memory_space<semaphore_mem>>)
      %dma_wait3A_19 = arith.constant 0 : i32
      %dma_wait3A_20 = tpu.memref_slice %arg2[%mul3A_2, %dma_wait3A_19] : memref<2048x768xf32, #tpu.memory_space<hbm>> -> memref<64x768xf32, #tpu.memory_space<hbm>>
      %dma_wait3A_21 = arith.constant 0 : i32
      %dma_wait3A_22 = tpu.memref_slice %arg2[%mul3A_2, %dma_wait3A_21] : memref<2048x768xf32, #tpu.memory_space<hbm>> -> memref<64x768xf32, #tpu.memory_space<hbm>>
      tpu.wait_dma2 semaphore(%run_scoped3A_14 : memref<!tpu.dma_semaphore, #tpu.memory_space<semaphore_mem>>) src(%dma_wait3A_22 : memref<64x768xf32, #tpu.memory_space<hbm>>) dst(%arg5 : memref<64x768xf32, #tpu.memory_space<vmem>>)
      tpu.yield
    }) : () -> ()
    %run_scoped3A = arith.constant 0 : i32
    "tpu.region"() ({
      %run_scoped3A_14 = tpu.sem_alloc : memref<!tpu.dma_semaphore, #tpu.memory_space<semaphore_mem>>
      %dma_start3A_15 = tpu.memref_slice %arg3[%run_scoped3A, %mul3A_2] : memref<2x2048xi32, #tpu.memory_space<hbm>> -> memref<1x64xi32, #tpu.memory_space<hbm>>
      %dma_start3A_16 = tpu.memref_squeeze %dma_start3A_15 : memref<1x64xi32, #tpu.memory_space<hbm>> -> memref<64xi32, #tpu.memory_space<hbm>>
      %dma_start3A_17 = tpu.memref_slice %arg3[%run_scoped3A, %mul3A_2] : memref<2x2048xi32, #tpu.memory_space<hbm>> -> memref<1x64xi32, #tpu.memory_space<hbm>>
      %dma_start3A_18 = tpu.memref_squeeze %dma_start3A_17 : memref<1x64xi32, #tpu.memory_space<hbm>> -> memref<64xi32, #tpu.memory_space<hbm>>
      tpu.enqueue_dma source(%dma_start3A_18 : memref<64xi32, #tpu.memory_space<hbm>>) target(%arg6 : memref<64xi32, #tpu.memory_space<vmem>>) target_semaphore(%run_scoped3A_14 : memref<!tpu.dma_semaphore, #tpu.memory_space<semaphore_mem>>)
      %dma_wait3A_19 = tpu.memref_slice %arg3[%run_scoped3A, %mul3A_2] : memref<2x2048xi32, #tpu.memory_space<hbm>> -> memref<1x64xi32, #tpu.memory_space<hbm>>
      %dma_wait3A_20 = tpu.memref_squeeze %dma_wait3A_19 : memref<1x64xi32, #tpu.memory_space<hbm>> -> memref<64xi32, #tpu.memory_space<hbm>>
      %dma_wait3A_21 = tpu.memref_slice %arg3[%run_scoped3A, %mul3A_2] : memref<2x2048xi32, #tpu.memory_space<hbm>> -> memref<1x64xi32, #tpu.memory_space<hbm>>
      %dma_wait3A_22 = tpu.memref_squeeze %dma_wait3A_21 : memref<1x64xi32, #tpu.memory_space<hbm>> -> memref<64xi32, #tpu.memory_space<hbm>>
      tpu.wait_dma2 semaphore(%run_scoped3A_14 : memref<!tpu.dma_semaphore, #tpu.memory_space<semaphore_mem>>) src(%dma_wait3A_22 : memref<64xi32, #tpu.memory_space<hbm>>) dst(%arg6 : memref<64xi32, #tpu.memory_space<vmem>>)
      tpu.yield
    }) : () -> ()
    %run_scoped3A_3 = arith.constant 1 : i32
    "tpu.region"() ({
      %run_scoped3A_14 = tpu.sem_alloc : memref<!tpu.dma_semaphore, #tpu.memory_space<semaphore_mem>>
      %dma_start3A_15 = tpu.memref_slice %arg3[%run_scoped3A_3, %mul3A_2] : memref<2x2048xi32, #tpu.memory_space<hbm>> -> memref<1x64xi32, #tpu.memory_space<hbm>>
      %dma_start3A_16 = tpu.memref_squeeze %dma_start3A_15 : memref<1x64xi32, #tpu.memory_space<hbm>> -> memref<64xi32, #tpu.memory_space<hbm>>
      %dma_start3A_17 = tpu.memref_slice %arg3[%run_scoped3A_3, %mul3A_2] : memref<2x2048xi32, #tpu.memory_space<hbm>> -> memref<1x64xi32, #tpu.memory_space<hbm>>
      %dma_start3A_18 = tpu.memref_squeeze %dma_start3A_17 : memref<1x64xi32, #tpu.memory_space<hbm>> -> memref<64xi32, #tpu.memory_space<hbm>>
      tpu.enqueue_dma source(%dma_start3A_18 : memref<64xi32, #tpu.memory_space<hbm>>) target(%arg7 : memref<64xi32, #tpu.memory_space<vmem>>) target_semaphore(%run_scoped3A_14 : memref<!tpu.dma_semaphore, #tpu.memory_space<semaphore_mem>>)
      %dma_wait3A_19 = tpu.memref_slice %arg3[%run_scoped3A_3, %mul3A_2] : memref<2x2048xi32, #tpu.memory_space<hbm>> -> memref<1x64xi32, #tpu.memory_space<hbm>>
      %dma_wait3A_20 = tpu.memref_squeeze %dma_wait3A_19 : memref<1x64xi32, #tpu.memory_space<hbm>> -> memref<64xi32, #tpu.memory_space<hbm>>
      %dma_wait3A_21 = tpu.memref_slice %arg3[%run_scoped3A_3, %mul3A_2] : memref<2x2048xi32, #tpu.memory_space<hbm>> -> memref<1x64xi32, #tpu.memory_space<hbm>>
      %dma_wait3A_22 = tpu.memref_squeeze %dma_wait3A_21 : memref<1x64xi32, #tpu.memory_space<hbm>> -> memref<64xi32, #tpu.memory_space<hbm>>
      tpu.wait_dma2 semaphore(%run_scoped3A_14 : memref<!tpu.dma_semaphore, #tpu.memory_space<semaphore_mem>>) src(%dma_wait3A_22 : memref<64xi32, #tpu.memory_space<hbm>>) dst(%arg7 : memref<64xi32, #tpu.memory_space<vmem>>)
      tpu.yield
    }) : () -> ()
    %dma_start3A = arith.constant 0 : i32
    %dma_start3A_4 = arith.constant 0 : i32
    %dma_start3A_5 = tpu.memref_slice %arg4[%dma_start3A, %dma_start3A_4] : memref<4096x768xf32, #tpu.memory_space<hbm>> -> memref<4096x768xf32, #tpu.memory_space<hbm>>
    tpu.enqueue_indirect_dma source(%arg5 : memref<64x768xf32, #tpu.memory_space<vmem>>) target(%dma_start3A_5 : memref<4096x768xf32, #tpu.memory_space<hbm>>) offsets(%arg6 : memref<64xi32, #tpu.memory_space<vmem>>) semaphore(%arg8 : memref<!tpu.dma_semaphore, #tpu.memory_space<semaphore_mem>>)
    %dma_start3A_6 = arith.constant 0 : i32
    %dma_start3A_7 = arith.constant 0 : i32
    %dma_start3A_8 = tpu.memref_slice %arg4[%dma_start3A_6, %dma_start3A_7] : memref<4096x768xf32, #tpu.memory_space<hbm>> -> memref<4096x768xf32, #tpu.memory_space<hbm>>
    tpu.enqueue_indirect_dma source(%arg5 : memref<64x768xf32, #tpu.memory_space<vmem>>) target(%dma_start3A_8 : memref<4096x768xf32, #tpu.memory_space<hbm>>) offsets(%arg7 : memref<64xi32, #tpu.memory_space<vmem>>) semaphore(%arg9 : memref<!tpu.dma_semaphore, #tpu.memory_space<semaphore_mem>>)
    %dma_wait3A = arith.constant 0 : i32
    %dma_wait3A_9 = arith.constant 0 : i32
    %dma_wait3A_10 = tpu.memref_slice %arg4[%dma_wait3A, %dma_wait3A_9] : memref<4096x768xf32, #tpu.memory_space<hbm>> -> memref<4096x768xf32, #tpu.memory_space<hbm>>
    tpu.wait_indirect_dma semaphore(%arg8 : memref<!tpu.dma_semaphore, #tpu.memory_space<semaphore_mem>>) src(%arg5 : memref<64x768xf32, #tpu.memory_space<vmem>>) dst(%dma_wait3A_10 : memref<4096x768xf32, #tpu.memory_space<hbm>>)
    %dma_wait3A_11 = arith.constant 0 : i32
    %dma_wait3A_12 = arith.constant 0 : i32
    %dma_wait3A_13 = tpu.memref_slice %arg4[%dma_wait3A_11, %dma_wait3A_12] : memref<4096x768xf32, #tpu.memory_space<hbm>> -> memref<4096x768xf32, #tpu.memory_space<hbm>>
    tpu.wait_indirect_dma semaphore(%arg9 : memref<!tpu.dma_semaphore, #tpu.memory_space<semaphore_mem>>) src(%arg5 : memref<64x768xf32, #tpu.memory_space<vmem>>) dst(%dma_wait3A_13 : memref<4096x768xf32, #tpu.memory_space<hbm>>)
    return
  }
}

module attributes {stable_mosaic.version = 14 : i64} {
  func.func @_gmm_kernel(%arg0: i32, %arg1: memref<15xi32, #tpu.memory_space<smem>>, %arg2: memref<15xi32, #tpu.memory_space<smem>>, %arg3: memref<15xi32, #tpu.memory_space<smem>>, %arg4: memref<15xi32, #tpu.memory_space<smem>>, %arg5: memref<512x768xf32, #tpu.memory_space<vmem>>, %arg6: memref<1x1024x768xf32, #tpu.memory_space<vmem>>, %arg7: memref<1x1024x768xf32, #tpu.memory_space<vmem>>, %arg8: memref<1x768x1024xf32, #tpu.memory_space<vmem>>, %arg9: memref<512x768xf32, #tpu.memory_space<vmem>>, %arg10: memref<1024x768xbf16, #tpu.memory_space<vmem>>, %arg11: memref<1024x768xbf16, #tpu.memory_space<vmem>>, %arg12: memref<768x1024xbf16, #tpu.memory_space<vmem>>) attributes {dimension_semantics = [#tpu.dimension_semantics<arbitrary>], iteration_bounds = array<i64: 15>, scalar_prefetch = 4 : i64, scratch_operands = 3 : i64, tpu.core_type = #tpu.core_type<tc>, window_params = [{transform_indices = @transform_0, window_bounds = array<i64: 512, 768>}, {transform_indices = @transform_1, window_bounds = array<i64: 1, 1024, 768>}, {transform_indices = @transform_2, window_bounds = array<i64: 1, 1024, 768>}, {transform_indices = @transform_3, window_bounds = array<i64: 1, 768, 1024>}, {transform_indices = @transform_4, window_bounds = array<i64: 512, 768>}]} {
    %get3A = arith.index_cast %arg0 : i32 to index
    %get3A_0 = memref.load %arg3[%get3A] : memref<15xi32, #tpu.memory_space<smem>>
    %get3A_1 = arith.index_cast %arg0 : i32 to index
    %get3A_2 = memref.load %arg4[%get3A_1] : memref<15xi32, #tpu.memory_space<smem>>
    %get3A_3 = arith.index_cast %arg0 : i32 to index
    %get3A_4 = memref.load %arg1[%get3A_3] : memref<15xi32, #tpu.memory_space<smem>>
    %get3A_5 = arith.index_cast %arg0 : i32 to index
    %get3A_6 = memref.load %arg2[%get3A_5] : memref<15xi32, #tpu.memory_space<smem>>
    %sub3A = arith.constant 1 : i32
    %sub3A_7 = arith.subi %arg0, %sub3A : i32
    %max3A = arith.constant 0 : i32
    %max3A_8 = arith.maxsi %sub3A_7, %max3A : i32
    %get3A_9 = arith.index_cast %max3A_8 : i32 to index
    %get3A_10 = memref.load %arg2[%get3A_9] : memref<15xi32, #tpu.memory_space<smem>>
    %eq3A = arith.constant 0 : i32
    %eq3A_11 = arith.cmpi eq, %arg0, %eq3A : i32
    %ne3A = arith.cmpi ne, %get3A_6, %get3A_10 : i32
    %or3A = arith.ori %eq3A_11, %ne3A : i1
    %convert_element_type3A = arith.extui %or3A : i1 to i32
    %cond3A = arith.constant 0 : i32
    %cond3A_12 = arith.cmpi ne, %convert_element_type3A, %cond3A : i32
    scf.if %cond3A_12 {
      %get3A_90 = arith.constant 0 : index
      %get3A_91 = arith.constant 0 : index
      %get3A_92 = arith.constant 0 : index
      %get3A_93 = vector.load %arg6[%get3A_90, %get3A_91, %get3A_92] : memref<1x1024x768xf32, #tpu.memory_space<vmem>>, vector<1x1024x768xf32>
      %get3A_94 = vector.shape_cast %get3A_93 : vector<1x1024x768xf32> to vector<1024x768xf32>
      %convert_element_type3A_95 = arith.truncf %get3A_94 : vector<1024x768xf32> to vector<1024x768xbf16>
      %swap3A = arith.constant 0 : index
      %swap3A_96 = arith.constant 0 : index
      %swap3A_97 = vector.load %arg10[%swap3A, %swap3A_96] : memref<1024x768xbf16, #tpu.memory_space<vmem>>, vector<1024x768xbf16>
      tpu.vector_store %arg10[%swap3A, %swap3A_96], %convert_element_type3A_95 {strides = array<i32>} : memref<1024x768xbf16, #tpu.memory_space<vmem>>, vector<1024x768xbf16>,
      %get3A_98 = arith.constant 0 : index
      %get3A_99 = arith.constant 0 : index
      %get3A_100 = arith.constant 0 : index
      %get3A_101 = vector.load %arg7[%get3A_98, %get3A_99, %get3A_100] : memref<1x1024x768xf32, #tpu.memory_space<vmem>>, vector<1x1024x768xf32>
      %get3A_102 = vector.shape_cast %get3A_101 : vector<1x1024x768xf32> to vector<1024x768xf32>
      %convert_element_type3A_103 = arith.truncf %get3A_102 : vector<1024x768xf32> to vector<1024x768xbf16>
      %swap3A_104 = arith.constant 0 : index
      %swap3A_105 = arith.constant 0 : index
      %swap3A_106 = vector.load %arg11[%swap3A_104, %swap3A_105] : memref<1024x768xbf16, #tpu.memory_space<vmem>>, vector<1024x768xbf16>
      tpu.vector_store %arg11[%swap3A_104, %swap3A_105], %convert_element_type3A_103 {strides = array<i32>} : memref<1024x768xbf16, #tpu.memory_space<vmem>>, vector<1024x768xbf16>,
      %get3A_107 = arith.constant 0 : index
      %get3A_108 = arith.constant 0 : index
      %get3A_109 = arith.constant 0 : index
      %get3A_110 = vector.load %arg8[%get3A_107, %get3A_108, %get3A_109] : memref<1x768x1024xf32, #tpu.memory_space<vmem>>, vector<1x768x1024xf32>
      %get3A_111 = vector.shape_cast %get3A_110 : vector<1x768x1024xf32> to vector<768x1024xf32>
      %convert_element_type3A_112 = arith.truncf %get3A_111 : vector<768x1024xf32> to vector<768x1024xbf16>
      %swap3A_113 = arith.constant 0 : index
      %swap3A_114 = arith.constant 0 : index
      %swap3A_115 = vector.load %arg12[%swap3A_113, %swap3A_114] : memref<768x1024xbf16, #tpu.memory_space<vmem>>, vector<768x1024xbf16>
      tpu.vector_store %arg12[%swap3A_113, %swap3A_114], %convert_element_type3A_112 {strides = array<i32>} : memref<768x1024xbf16, #tpu.memory_space<vmem>>, vector<768x1024xbf16>,
    } else {
    }
    %get3A_13 = arith.constant 0 : index
    %get3A_14 = arith.constant 0 : index
    %get3A_15 = vector.load %arg5[%get3A_13, %get3A_14] : memref<512x768xf32, #tpu.memory_space<vmem>>, vector<512x768xf32>
    %convert_element_type3A_16 = arith.truncf %get3A_15 : vector<512x768xf32> to vector<512x768xbf16>
    %get3A_17 = arith.constant 0 : index
    %get3A_18 = arith.constant 0 : index
    %get3A_19 = vector.load %arg10[%get3A_17, %get3A_18] : memref<1024x768xbf16, #tpu.memory_space<vmem>>, vector<1024x768xbf16>
    %dot_general3A = arith.constant dense<0.000000e+00> : vector<512x1024xf32>
    %dot_general3A_20 = tpu.matmul %convert_element_type3A_16, %get3A_19, %dot_general3A {dimension_numbers = #tpu.dot_dimension_numbers<[1], [1], [0], [0], [0, 0, 1, 0], [], []>, transpose_lhs_hint = false} : vector<512x768xbf16>, vector<1024x768xbf16>, vector<512x1024xf32> -> vector<512x1024xf32>
    %get3A_21 = arith.constant 0 : index
    %get3A_22 = arith.constant 0 : index
    %get3A_23 = vector.load %arg11[%get3A_21, %get3A_22] : memref<1024x768xbf16, #tpu.memory_space<vmem>>, vector<1024x768xbf16>
    %dot_general3A_24 = arith.constant dense<0.000000e+00> : vector<512x1024xf32>
    %dot_general3A_25 = tpu.matmul %convert_element_type3A_16, %get3A_23, %dot_general3A_24 {dimension_numbers = #tpu.dot_dimension_numbers<[1], [1], [0], [0], [0, 0, 1, 0], [], []>, transpose_lhs_hint = false} : vector<512x768xbf16>, vector<1024x768xbf16>, vector<512x1024xf32> -> vector<512x1024xf32>
    %logistic3A = arith.negf %dot_general3A_20 : vector<512x1024xf32>
    %logistic3A_26 = math.exp %logistic3A : vector<512x1024xf32>
    %logistic3A_27 = arith.constant 1.000000e+00 : f32
    %logistic3A_28 = vector.broadcast %logistic3A_27 : f32 to vector<512x1024xf32>
    %logistic3A_29 = arith.addf %logistic3A_28, %logistic3A_26 : vector<512x1024xf32>
    %logistic3A_30 = arith.divf %logistic3A_28, %logistic3A_29 : vector<512x1024xf32>
    %mul3A = arith.mulf %dot_general3A_20, %logistic3A_30 : vector<512x1024xf32>
    %mul3A_31 = arith.mulf %mul3A, %dot_general3A_25 : vector<512x1024xf32>
    %convert_element_type3A_32 = arith.truncf %mul3A_31 : vector<512x1024xf32> to vector<512x1024xbf16>
    %get3A_33 = arith.constant 0 : index
    %get3A_34 = arith.constant 0 : index
    %get3A_35 = vector.load %arg12[%get3A_33, %get3A_34] : memref<768x1024xbf16, #tpu.memory_space<vmem>>, vector<768x1024xbf16>
    %dot_general3A_36 = arith.constant dense<0.000000e+00> : vector<512x768xf32>
    %dot_general3A_37 = tpu.matmul %convert_element_type3A_32, %get3A_35, %dot_general3A_36 {dimension_numbers = #tpu.dot_dimension_numbers<[1], [1], [0], [0], [0, 0, 1, 0], [], []>, transpose_lhs_hint = false} : vector<512x1024xbf16>, vector<768x1024xbf16>, vector<512x768xf32> -> vector<512x768xf32>
    %mul3A_38 = arith.constant 512 : i32
    %mul3A_39 = arith.muli %get3A_4, %mul3A_38 : i32
    %iota3A = tpu.iota {dimensions = array<i32: 0>} : vector<512x1xi32>
    %add3A = vector.broadcast %mul3A_39 : i32 to vector<512x1xi32>
    %add3A_40 = arith.addi %add3A, %iota3A : vector<512x1xi32>
    %ge3A = vector.broadcast %get3A_0 : i32 to vector<512x1xi32>
    %ge3A_41 = arith.cmpi sge, %add3A_40, %ge3A : vector<512x1xi32>
    %lt3A = vector.broadcast %get3A_2 : i32 to vector<512x1xi32>
    %lt3A_42 = arith.cmpi slt, %add3A_40, %lt3A : vector<512x1xi32>
    %and3A = arith.andi %ge3A_41, %lt3A_42 : vector<512x1xi1>
    %jit3A = arith.constant 0.000000e+00 : f32
    %broadcast_in_dim3A = vector.shape_cast %and3A : vector<512x1xi1> to vector<512x1xi1>
    %broadcast_in_dim3A_43 = vector.broadcast %broadcast_in_dim3A : vector<512x1xi1> to vector<512x768xi1>
    %broadcast_in_dim3A_44 = vector.broadcast %jit3A : f32 to vector<512x768xf32>
    %select_n3A = arith.select %broadcast_in_dim3A_43, %dot_general3A_37, %broadcast_in_dim3A_44 : vector<512x768xi1>, vector<512x768xf32>
    %lt3A_45 = arith.cmpi slt, %get3A_0, %get3A_2 : i32
    %jit3A_46 = arith.constant 512 : i32
    %eq3A_47 = arith.constant 0 : i32
    %eq3A_48 = arith.cmpi eq, %jit3A_46, %eq3A_47 : i32
    %jit3A_49 = arith.constant 1 : i32
    %select_n3A_50 = arith.select %eq3A_48, %jit3A_49, %jit3A_46 : i32
    %rem3A = arith.remsi %get3A_0, %select_n3A_50 : i32
    %ne3A_51 = arith.constant 0 : i32
    %ne3A_52 = arith.cmpi ne, %rem3A, %ne3A_51 : i32
    %lt3A_53 = arith.constant 0 : i32
    %lt3A_54 = arith.cmpi slt, %rem3A, %lt3A_53 : i32
    %lt3A_55 = arith.constant 0 : i32
    %lt3A_56 = arith.cmpi slt, %select_n3A_50, %lt3A_55 : i32
    %ne3A_57 = arith.xori %lt3A_54, %lt3A_56 : i1
    %and3A_58 = arith.andi %ne3A_57, %ne3A_52 : i1
    %add3A_59 = arith.addi %rem3A, %select_n3A_50 : i32
    %select_n3A_60 = arith.select %and3A_58, %add3A_59, %rem3A : i32
    %eq3A_61 = arith.constant 0 : i32
    %eq3A_62 = arith.cmpi eq, %select_n3A_60, %eq3A_61 : i32
    %and3A_63 = arith.andi %lt3A_45, %eq3A_62 : i1
    %convert_element_type3A_64 = arith.extui %and3A_63 : i1 to i32
    %cond3A_65 = arith.constant 0 : i32
    %cond3A_66 = arith.cmpi ne, %convert_element_type3A_64, %cond3A_65 : i32
    scf.if %cond3A_66 {
      %swap3A = arith.constant 0 : index
      %swap3A_90 = arith.constant 0 : index
      %swap3A_91 = vector.load %arg9[%swap3A, %swap3A_90] : memref<512x768xf32, #tpu.memory_space<vmem>>, vector<512x768xf32>
      tpu.vector_store %arg9[%swap3A, %swap3A_90], %select_n3A {strides = array<i32>} : memref<512x768xf32, #tpu.memory_space<vmem>>, vector<512x768xf32>,
    } else {
    }
    %lt3A_67 = arith.cmpi slt, %get3A_0, %get3A_2 : i32
    %jit3A_68 = arith.constant 512 : i32
    %eq3A_69 = arith.constant 0 : i32
    %eq3A_70 = arith.cmpi eq, %jit3A_68, %eq3A_69 : i32
    %jit3A_71 = arith.constant 1 : i32
    %select_n3A_72 = arith.select %eq3A_70, %jit3A_71, %jit3A_68 : i32
    %rem3A_73 = arith.remsi %get3A_0, %select_n3A_72 : i32
    %ne3A_74 = arith.constant 0 : i32
    %ne3A_75 = arith.cmpi ne, %rem3A_73, %ne3A_74 : i32
    %lt3A_76 = arith.constant 0 : i32
    %lt3A_77 = arith.cmpi slt, %rem3A_73, %lt3A_76 : i32
    %lt3A_78 = arith.constant 0 : i32
    %lt3A_79 = arith.cmpi slt, %select_n3A_72, %lt3A_78 : i32
    %ne3A_80 = arith.xori %lt3A_77, %lt3A_79 : i1
    %and3A_81 = arith.andi %ne3A_80, %ne3A_75 : i1
    %add3A_82 = arith.addi %rem3A_73, %select_n3A_72 : i32
    %select_n3A_83 = arith.select %and3A_81, %add3A_82, %rem3A_73 : i32
    %ne3A_84 = arith.constant 0 : i32
    %ne3A_85 = arith.cmpi ne, %select_n3A_83, %ne3A_84 : i32
    %and3A_86 = arith.andi %lt3A_67, %ne3A_85 : i1
    %convert_element_type3A_87 = arith.extui %and3A_86 : i1 to i32
    %cond3A_88 = arith.constant 0 : i32
    %cond3A_89 = arith.cmpi ne, %convert_element_type3A_87, %cond3A_88 : i32
    scf.if %cond3A_89 {
      %get3A_90 = arith.constant 0 : index
      %get3A_91 = arith.constant 0 : index
      %get3A_92 = vector.load %arg9[%get3A_90, %get3A_91] : memref<512x768xf32, #tpu.memory_space<vmem>>, vector<512x768xf32>
      %add3A_93 = arith.addf %get3A_92, %select_n3A : vector<512x768xf32>
      %swap3A = arith.constant 0 : index
      %swap3A_94 = arith.constant 0 : index
      %swap3A_95 = vector.load %arg9[%swap3A, %swap3A_94] : memref<512x768xf32, #tpu.memory_space<vmem>>, vector<512x768xf32>
      tpu.vector_store %arg9[%swap3A, %swap3A_94], %add3A_93 {strides = array<i32>} : memref<512x768xf32, #tpu.memory_space<vmem>>, vector<512x768xf32>,
    } else {
    }
    return
  }
  func.func @transform_0(%arg0: i32, %arg1: memref<15xi32, #tpu.memory_space<smem>>, %arg2: memref<15xi32, #tpu.memory_space<smem>>, %arg3: memref<15xi32, #tpu.memory_space<smem>>, %arg4: memref<15xi32, #tpu.memory_space<smem>>) -> (i32, i32) {
    %get3A = arith.index_cast %arg0 : i32 to index
    %get3A_0 = memref.load %arg1[%get3A] : memref<15xi32, #tpu.memory_space<smem>>
    %c0_i32 = arith.constant 0 : i32
    %c0_i32_1 = arith.constant 0 : i32
    return %get3A_0, %c0_i32 : i32, i32
  }
  func.func @transform_1(%arg0: i32, %arg1: memref<15xi32, #tpu.memory_space<smem>>, %arg2: memref<15xi32, #tpu.memory_space<smem>>, %arg3: memref<15xi32, #tpu.memory_space<smem>>, %arg4: memref<15xi32, #tpu.memory_space<smem>>) -> (i32, i32, i32) {
    %get3A = arith.index_cast %arg0 : i32 to index
    %get3A_0 = memref.load %arg2[%get3A] : memref<15xi32, #tpu.memory_space<smem>>
    %c0_i32 = arith.constant 0 : i32
    %c0_i32_1 = arith.constant 0 : i32
    %c0_i32_2 = arith.constant 0 : i32
    return %get3A_0, %c0_i32, %c0_i32_1 : i32, i32, i32
  }
  func.func @transform_2(%arg0: i32, %arg1: memref<15xi32, #tpu.memory_space<smem>>, %arg2: memref<15xi32, #tpu.memory_space<smem>>, %arg3: memref<15xi32, #tpu.memory_space<smem>>, %arg4: memref<15xi32, #tpu.memory_space<smem>>) -> (i32, i32, i32) {
    %get3A = arith.index_cast %arg0 : i32 to index
    %get3A_0 = memref.load %arg2[%get3A] : memref<15xi32, #tpu.memory_space<smem>>
    %c0_i32 = arith.constant 0 : i32
    %c0_i32_1 = arith.constant 0 : i32
    %c0_i32_2 = arith.constant 0 : i32
    return %get3A_0, %c0_i32, %c0_i32_1 : i32, i32, i32
  }
  func.func @transform_3(%arg0: i32, %arg1: memref<15xi32, #tpu.memory_space<smem>>, %arg2: memref<15xi32, #tpu.memory_space<smem>>, %arg3: memref<15xi32, #tpu.memory_space<smem>>, %arg4: memref<15xi32, #tpu.memory_space<smem>>) -> (i32, i32, i32) {
    %get3A = arith.index_cast %arg0 : i32 to index
    %get3A_0 = memref.load %arg2[%get3A] : memref<15xi32, #tpu.memory_space<smem>>
    %c0_i32 = arith.constant 0 : i32
    %c0_i32_1 = arith.constant 0 : i32
    %c0_i32_2 = arith.constant 0 : i32
    return %get3A_0, %c0_i32, %c0_i32_1 : i32, i32, i32
  }
  func.func @transform_4(%arg0: i32, %arg1: memref<15xi32, #tpu.memory_space<smem>>, %arg2: memref<15xi32, #tpu.memory_space<smem>>, %arg3: memref<15xi32, #tpu.memory_space<smem>>, %arg4: memref<15xi32, #tpu.memory_space<smem>>) -> (i32, i32) {
    %get3A = arith.index_cast %arg0 : i32 to index
    %get3A_0 = memref.load %arg1[%get3A] : memref<15xi32, #tpu.memory_space<smem>>
    %c0_i32 = arith.constant 0 : i32
    %c0_i32_1 = arith.constant 0 : i32
    return %get3A_0, %c0_i32 : i32, i32
  }
}

module attributes {stable_mosaic.version = 14 : i64} {
  func.func @_route_kernel(%arg0: memref<128x32xi32, #tpu.memory_space<vmem>>, %arg1: memref<128x32xi32, #tpu.memory_space<vmem>>, %arg2: memref<1x15xi32, #tpu.memory_space<vmem>>, %arg3: memref<1x15xi32, #tpu.memory_space<vmem>>, %arg4: memref<1x15xi32, #tpu.memory_space<vmem>>, %arg5: memref<1x15xi32, #tpu.memory_space<vmem>>) attributes {dimension_semantics = [], scalar_prefetch = 0 : i64, scratch_operands = 0 : i64, tpu.core_type = #tpu.core_type<tc>} {
    %get3A = arith.constant 0 : index
    %get3A_0 = arith.constant 0 : index
    %get3A_1 = vector.load %arg0[%get3A, %get3A_0] : memref<128x32xi32, #tpu.memory_space<vmem>>, vector<128x32xi32>
    %iota3A = tpu.iota {dimensions = array<i32: 0>} : vector<128x128xi32>
    %iota3A_2 = tpu.iota {dimensions = array<i32: 1>} : vector<128x128xi32>
    %ge3A = arith.cmpi sge, %iota3A, %iota3A_2 : vector<128x128xi32>
    %convert_element_type3A = arith.extui %ge3A : vector<128x128xi1> to vector<128x128xi32>
    %convert_element_type3A_3 = arith.sitofp %convert_element_type3A : vector<128x128xi32> to vector<128x128xf32>
    %iota3A_4 = tpu.iota {dimensions = array<i32: 0>} : vector<32x32xi32>
    %iota3A_5 = tpu.iota {dimensions = array<i32: 1>} : vector<32x32xi32>
    %lt3A = arith.cmpi slt, %iota3A_4, %iota3A_5 : vector<32x32xi32>
    %convert_element_type3A_6 = arith.extui %lt3A : vector<32x32xi1> to vector<32x32xi32>
    %convert_element_type3A_7 = arith.sitofp %convert_element_type3A_6 : vector<32x32xi32> to vector<32x32xf32>
    %broadcast_in_dim3A = arith.constant 0.000000e+00 : f32
    %broadcast_in_dim3A_8 = vector.broadcast %broadcast_in_dim3A : f32 to vector<128x32xf32>
    %eq3A = arith.constant 0 : i32
    %eq3A_9 = vector.broadcast %eq3A : i32 to vector<128x32xi32>
    %eq3A_10 = arith.cmpi eq, %get3A_1, %eq3A_9 : vector<128x32xi32>
    %convert_element_type3A_11 = arith.extui %eq3A_10 : vector<128x32xi1> to vector<128x32xi32>
    %convert_element_type3A_12 = arith.sitofp %convert_element_type3A_11 : vector<128x32xi32> to vector<128x32xf32>
    %dot_general3A = arith.constant dense<0.000000e+00> : vector<128x32xf32>
    %dot_general3A_13 = tpu.matmul %convert_element_type3A_3, %convert_element_type3A_12, %dot_general3A {dimension_numbers = #tpu.dot_dimension_numbers<[1], [0], [0], [1], [0, 0, 1, 1], [], []>, transpose_lhs_hint = false} : vector<128x128xf32>, vector<128x32xf32>, vector<128x32xf32> -> vector<128x32xf32>
    %slice3A = vector.extract_strided_slice %dot_general3A_13 {offsets = [127, 0], sizes = [1, 32], strides = [1, 1]} : vector<128x32xf32> to vector<1x32xf32>
    %dot_general3A_14 = arith.constant dense<0.000000e+00> : vector<1x32xf32>
    %dot_general3A_15 = tpu.matmul %slice3A, %convert_element_type3A_7, %dot_general3A_14 {dimension_numbers = #tpu.dot_dimension_numbers<[1], [0], [0], [1], [0, 0, 1, 1], [], []>, transpose_lhs_hint = false} : vector<1x32xf32>, vector<32x32xf32>, vector<1x32xf32> -> vector<1x32xf32>
    %add3A = arith.constant 0.000000e+00 : f32
    %add3A_16 = vector.broadcast %add3A : f32 to vector<1x32xf32>
    %add3A_17 = arith.addf %add3A_16, %dot_general3A_15 : vector<1x32xf32>
    %add3A_18 = vector.broadcast %add3A_17 : vector<1x32xf32> to vector<128x32xf32>
    %add3A_19 = arith.addf %add3A_18, %dot_general3A_13 : vector<128x32xf32>
    %sub3A = arith.constant 1.000000e+00 : f32
    %sub3A_20 = vector.broadcast %sub3A : f32 to vector<128x32xf32>
    %sub3A_21 = arith.subf %add3A_19, %sub3A_20 : vector<128x32xf32>
    %mul3A = arith.mulf %convert_element_type3A_12, %sub3A_21 : vector<128x32xf32>
    %add3A_22 = arith.addf %broadcast_in_dim3A_8, %mul3A : vector<128x32xf32>
    %reduce_sum3A = vector.shape_cast %slice3A : vector<1x32xf32> to vector<1x1x32xf32>
    %reduce_sum3A_23 = arith.constant dense<0.000000e+00> : vector<1xf32>
    %reduce_sum3A_24 = vector.multi_reduction <add>, %reduce_sum3A, %reduce_sum3A_23 [1, 2] : vector<1x1x32xf32> to vector<1xf32>
    %reduce_sum3A_25 = vector.shape_cast %reduce_sum3A_24 : vector<1xf32> to vector<1x1x1xf32>
    %reduce_sum3A_26 = vector.extract %reduce_sum3A_25[0, 0, 0] : f32 from vector<1x1x1xf32>
    %add3A_27 = arith.constant 0.000000e+00 : f32
    %add3A_28 = arith.addf %add3A_27, %reduce_sum3A_26 : f32
    %eq3A_29 = arith.constant 1 : i32
    %eq3A_30 = vector.broadcast %eq3A_29 : i32 to vector<128x32xi32>
    %eq3A_31 = arith.cmpi eq, %get3A_1, %eq3A_30 : vector<128x32xi32>
    %convert_element_type3A_32 = arith.extui %eq3A_31 : vector<128x32xi1> to vector<128x32xi32>
    %convert_element_type3A_33 = arith.sitofp %convert_element_type3A_32 : vector<128x32xi32> to vector<128x32xf32>
    %dot_general3A_34 = arith.constant dense<0.000000e+00> : vector<128x32xf32>
    %dot_general3A_35 = tpu.matmul %convert_element_type3A_3, %convert_element_type3A_33, %dot_general3A_34 {dimension_numbers = #tpu.dot_dimension_numbers<[1], [0], [0], [1], [0, 0, 1, 1], [], []>, transpose_lhs_hint = false} : vector<128x128xf32>, vector<128x32xf32>, vector<128x32xf32> -> vector<128x32xf32>
    %slice3A_36 = vector.extract_strided_slice %dot_general3A_35 {offsets = [127, 0], sizes = [1, 32], strides = [1, 1]} : vector<128x32xf32> to vector<1x32xf32>
    %dot_general3A_37 = arith.constant dense<0.000000e+00> : vector<1x32xf32>
    %dot_general3A_38 = tpu.matmul %slice3A_36, %convert_element_type3A_7, %dot_general3A_37 {dimension_numbers = #tpu.dot_dimension_numbers<[1], [0], [0], [1], [0, 0, 1, 1], [], []>, transpose_lhs_hint = false} : vector<1x32xf32>, vector<32x32xf32>, vector<1x32xf32> -> vector<1x32xf32>
    %add3A_39 = vector.broadcast %add3A_28 : f32 to vector<1x32xf32>
    %add3A_40 = arith.addf %add3A_39, %dot_general3A_38 : vector<1x32xf32>
    %add3A_41 = vector.broadcast %add3A_40 : vector<1x32xf32> to vector<128x32xf32>
    %add3A_42 = arith.addf %add3A_41, %dot_general3A_35 : vector<128x32xf32>
    %sub3A_43 = arith.constant 1.000000e+00 : f32
    %sub3A_44 = vector.broadcast %sub3A_43 : f32 to vector<128x32xf32>
    %sub3A_45 = arith.subf %add3A_42, %sub3A_44 : vector<128x32xf32>
    %mul3A_46 = arith.mulf %convert_element_type3A_33, %sub3A_45 : vector<128x32xf32>
    %add3A_47 = arith.addf %add3A_22, %mul3A_46 : vector<128x32xf32>
    %reduce_sum3A_48 = vector.shape_cast %slice3A_36 : vector<1x32xf32> to vector<1x1x32xf32>
    %reduce_sum3A_49 = arith.constant dense<0.000000e+00> : vector<1xf32>
    %reduce_sum3A_50 = vector.multi_reduction <add>, %reduce_sum3A_48, %reduce_sum3A_49 [1, 2] : vector<1x1x32xf32> to vector<1xf32>
    %reduce_sum3A_51 = vector.shape_cast %reduce_sum3A_50 : vector<1xf32> to vector<1x1x1xf32>
    %reduce_sum3A_52 = vector.extract %reduce_sum3A_51[0, 0, 0] : f32 from vector<1x1x1xf32>
    %add3A_53 = arith.addf %add3A_28, %reduce_sum3A_52 : f32
    %eq3A_54 = arith.constant 2 : i32
    %eq3A_55 = vector.broadcast %eq3A_54 : i32 to vector<128x32xi32>
    %eq3A_56 = arith.cmpi eq, %get3A_1, %eq3A_55 : vector<128x32xi32>
    %convert_element_type3A_57 = arith.extui %eq3A_56 : vector<128x32xi1> to vector<128x32xi32>
    %convert_element_type3A_58 = arith.sitofp %convert_element_type3A_57 : vector<128x32xi32> to vector<128x32xf32>
    %dot_general3A_59 = arith.constant dense<0.000000e+00> : vector<128x32xf32>
    %dot_general3A_60 = tpu.matmul %convert_element_type3A_3, %convert_element_type3A_58, %dot_general3A_59 {dimension_numbers = #tpu.dot_dimension_numbers<[1], [0], [0], [1], [0, 0, 1, 1], [], []>, transpose_lhs_hint = false} : vector<128x128xf32>, vector<128x32xf32>, vector<128x32xf32> -> vector<128x32xf32>
    %slice3A_61 = vector.extract_strided_slice %dot_general3A_60 {offsets = [127, 0], sizes = [1, 32], strides = [1, 1]} : vector<128x32xf32> to vector<1x32xf32>
    %dot_general3A_62 = arith.constant dense<0.000000e+00> : vector<1x32xf32>
    %dot_general3A_63 = tpu.matmul %slice3A_61, %convert_element_type3A_7, %dot_general3A_62 {dimension_numbers = #tpu.dot_dimension_numbers<[1], [0], [0], [1], [0, 0, 1, 1], [], []>, transpose_lhs_hint = false} : vector<1x32xf32>, vector<32x32xf32>, vector<1x32xf32> -> vector<1x32xf32>
    %add3A_64 = vector.broadcast %add3A_53 : f32 to vector<1x32xf32>
    %add3A_65 = arith.addf %add3A_64, %dot_general3A_63 : vector<1x32xf32>
    %add3A_66 = vector.broadcast %add3A_65 : vector<1x32xf32> to vector<128x32xf32>
    %add3A_67 = arith.addf %add3A_66, %dot_general3A_60 : vector<128x32xf32>
    %sub3A_68 = arith.constant 1.000000e+00 : f32
    %sub3A_69 = vector.broadcast %sub3A_68 : f32 to vector<128x32xf32>
    %sub3A_70 = arith.subf %add3A_67, %sub3A_69 : vector<128x32xf32>
    %mul3A_71 = arith.mulf %convert_element_type3A_58, %sub3A_70 : vector<128x32xf32>
    %add3A_72 = arith.addf %add3A_47, %mul3A_71 : vector<128x32xf32>
    %reduce_sum3A_73 = vector.shape_cast %slice3A_61 : vector<1x32xf32> to vector<1x1x32xf32>
    %reduce_sum3A_74 = arith.constant dense<0.000000e+00> : vector<1xf32>
    %reduce_sum3A_75 = vector.multi_reduction <add>, %reduce_sum3A_73, %reduce_sum3A_74 [1, 2] : vector<1x1x32xf32> to vector<1xf32>
    %reduce_sum3A_76 = vector.shape_cast %reduce_sum3A_75 : vector<1xf32> to vector<1x1x1xf32>
    %reduce_sum3A_77 = vector.extract %reduce_sum3A_76[0, 0, 0] : f32 from vector<1x1x1xf32>
    %add3A_78 = arith.addf %add3A_53, %reduce_sum3A_77 : f32
    %eq3A_79 = arith.constant 3 : i32
    %eq3A_80 = vector.broadcast %eq3A_79 : i32 to vector<128x32xi32>
    %eq3A_81 = arith.cmpi eq, %get3A_1, %eq3A_80 : vector<128x32xi32>
    %convert_element_type3A_82 = arith.extui %eq3A_81 : vector<128x32xi1> to vector<128x32xi32>
    %convert_element_type3A_83 = arith.sitofp %convert_element_type3A_82 : vector<128x32xi32> to vector<128x32xf32>
    %dot_general3A_84 = arith.constant dense<0.000000e+00> : vector<128x32xf32>
    %dot_general3A_85 = tpu.matmul %convert_element_type3A_3, %convert_element_type3A_83, %dot_general3A_84 {dimension_numbers = #tpu.dot_dimension_numbers<[1], [0], [0], [1], [0, 0, 1, 1], [], []>, transpose_lhs_hint = false} : vector<128x128xf32>, vector<128x32xf32>, vector<128x32xf32> -> vector<128x32xf32>
    %slice3A_86 = vector.extract_strided_slice %dot_general3A_85 {offsets = [127, 0], sizes = [1, 32], strides = [1, 1]} : vector<128x32xf32> to vector<1x32xf32>
    %dot_general3A_87 = arith.constant dense<0.000000e+00> : vector<1x32xf32>
    %dot_general3A_88 = tpu.matmul %slice3A_86, %convert_element_type3A_7, %dot_general3A_87 {dimension_numbers = #tpu.dot_dimension_numbers<[1], [0], [0], [1], [0, 0, 1, 1], [], []>, transpose_lhs_hint = false} : vector<1x32xf32>, vector<32x32xf32>, vector<1x32xf32> -> vector<1x32xf32>
    %add3A_89 = vector.broadcast %add3A_78 : f32 to vector<1x32xf32>
    %add3A_90 = arith.addf %add3A_89, %dot_general3A_88 : vector<1x32xf32>
    %add3A_91 = vector.broadcast %add3A_90 : vector<1x32xf32> to vector<128x32xf32>
    %add3A_92 = arith.addf %add3A_91, %dot_general3A_85 : vector<128x32xf32>
    %sub3A_93 = arith.constant 1.000000e+00 : f32
    %sub3A_94 = vector.broadcast %sub3A_93 : f32 to vector<128x32xf32>
    %sub3A_95 = arith.subf %add3A_92, %sub3A_94 : vector<128x32xf32>
    %mul3A_96 = arith.mulf %convert_element_type3A_83, %sub3A_95 : vector<128x32xf32>
    %add3A_97 = arith.addf %add3A_72, %mul3A_96 : vector<128x32xf32>
    %reduce_sum3A_98 = vector.shape_cast %slice3A_86 : vector<1x32xf32> to vector<1x1x32xf32>
    %reduce_sum3A_99 = arith.constant dense<0.000000e+00> : vector<1xf32>
    %reduce_sum3A_100 = vector.multi_reduction <add>, %reduce_sum3A_98, %reduce_sum3A_99 [1, 2] : vector<1x1x32xf32> to vector<1xf32>
    %reduce_sum3A_101 = vector.shape_cast %reduce_sum3A_100 : vector<1xf32> to vector<1x1x1xf32>
    %reduce_sum3A_102 = vector.extract %reduce_sum3A_101[0, 0, 0] : f32 from vector<1x1x1xf32>
    %add3A_103 = arith.addf %add3A_78, %reduce_sum3A_102 : f32
    %eq3A_104 = arith.constant 4 : i32
    %eq3A_105 = vector.broadcast %eq3A_104 : i32 to vector<128x32xi32>
    %eq3A_106 = arith.cmpi eq, %get3A_1, %eq3A_105 : vector<128x32xi32>
    %convert_element_type3A_107 = arith.extui %eq3A_106 : vector<128x32xi1> to vector<128x32xi32>
    %convert_element_type3A_108 = arith.sitofp %convert_element_type3A_107 : vector<128x32xi32> to vector<128x32xf32>
    %dot_general3A_109 = arith.constant dense<0.000000e+00> : vector<128x32xf32>
    %dot_general3A_110 = tpu.matmul %convert_element_type3A_3, %convert_element_type3A_108, %dot_general3A_109 {dimension_numbers = #tpu.dot_dimension_numbers<[1], [0], [0], [1], [0, 0, 1, 1], [], []>, transpose_lhs_hint = false} : vector<128x128xf32>, vector<128x32xf32>, vector<128x32xf32> -> vector<128x32xf32>
    %slice3A_111 = vector.extract_strided_slice %dot_general3A_110 {offsets = [127, 0], sizes = [1, 32], strides = [1, 1]} : vector<128x32xf32> to vector<1x32xf32>
    %dot_general3A_112 = arith.constant dense<0.000000e+00> : vector<1x32xf32>
    %dot_general3A_113 = tpu.matmul %slice3A_111, %convert_element_type3A_7, %dot_general3A_112 {dimension_numbers = #tpu.dot_dimension_numbers<[1], [0], [0], [1], [0, 0, 1, 1], [], []>, transpose_lhs_hint = false} : vector<1x32xf32>, vector<32x32xf32>, vector<1x32xf32> -> vector<1x32xf32>
    %add3A_114 = vector.broadcast %add3A_103 : f32 to vector<1x32xf32>
    %add3A_115 = arith.addf %add3A_114, %dot_general3A_113 : vector<1x32xf32>
    %add3A_116 = vector.broadcast %add3A_115 : vector<1x32xf32> to vector<128x32xf32>
    %add3A_117 = arith.addf %add3A_116, %dot_general3A_110 : vector<128x32xf32>
    %sub3A_118 = arith.constant 1.000000e+00 : f32
    %sub3A_119 = vector.broadcast %sub3A_118 : f32 to vector<128x32xf32>
    %sub3A_120 = arith.subf %add3A_117, %sub3A_119 : vector<128x32xf32>
    %mul3A_121 = arith.mulf %convert_element_type3A_108, %sub3A_120 : vector<128x32xf32>
    %add3A_122 = arith.addf %add3A_97, %mul3A_121 : vector<128x32xf32>
    %reduce_sum3A_123 = vector.shape_cast %slice3A_111 : vector<1x32xf32> to vector<1x1x32xf32>
    %reduce_sum3A_124 = arith.constant dense<0.000000e+00> : vector<1xf32>
    %reduce_sum3A_125 = vector.multi_reduction <add>, %reduce_sum3A_123, %reduce_sum3A_124 [1, 2] : vector<1x1x32xf32> to vector<1xf32>
    %reduce_sum3A_126 = vector.shape_cast %reduce_sum3A_125 : vector<1xf32> to vector<1x1x1xf32>
    %reduce_sum3A_127 = vector.extract %reduce_sum3A_126[0, 0, 0] : f32 from vector<1x1x1xf32>
    %add3A_128 = arith.addf %add3A_103, %reduce_sum3A_127 : f32
    %eq3A_129 = arith.constant 5 : i32
    %eq3A_130 = vector.broadcast %eq3A_129 : i32 to vector<128x32xi32>
    %eq3A_131 = arith.cmpi eq, %get3A_1, %eq3A_130 : vector<128x32xi32>
    %convert_element_type3A_132 = arith.extui %eq3A_131 : vector<128x32xi1> to vector<128x32xi32>
    %convert_element_type3A_133 = arith.sitofp %convert_element_type3A_132 : vector<128x32xi32> to vector<128x32xf32>
    %dot_general3A_134 = arith.constant dense<0.000000e+00> : vector<128x32xf32>
    %dot_general3A_135 = tpu.matmul %convert_element_type3A_3, %convert_element_type3A_133, %dot_general3A_134 {dimension_numbers = #tpu.dot_dimension_numbers<[1], [0], [0], [1], [0, 0, 1, 1], [], []>, transpose_lhs_hint = false} : vector<128x128xf32>, vector<128x32xf32>, vector<128x32xf32> -> vector<128x32xf32>
    %slice3A_136 = vector.extract_strided_slice %dot_general3A_135 {offsets = [127, 0], sizes = [1, 32], strides = [1, 1]} : vector<128x32xf32> to vector<1x32xf32>
    %dot_general3A_137 = arith.constant dense<0.000000e+00> : vector<1x32xf32>
    %dot_general3A_138 = tpu.matmul %slice3A_136, %convert_element_type3A_7, %dot_general3A_137 {dimension_numbers = #tpu.dot_dimension_numbers<[1], [0], [0], [1], [0, 0, 1, 1], [], []>, transpose_lhs_hint = false} : vector<1x32xf32>, vector<32x32xf32>, vector<1x32xf32> -> vector<1x32xf32>
    %add3A_139 = vector.broadcast %add3A_128 : f32 to vector<1x32xf32>
    %add3A_140 = arith.addf %add3A_139, %dot_general3A_138 : vector<1x32xf32>
    %add3A_141 = vector.broadcast %add3A_140 : vector<1x32xf32> to vector<128x32xf32>
    %add3A_142 = arith.addf %add3A_141, %dot_general3A_135 : vector<128x32xf32>
    %sub3A_143 = arith.constant 1.000000e+00 : f32
    %sub3A_144 = vector.broadcast %sub3A_143 : f32 to vector<128x32xf32>
    %sub3A_145 = arith.subf %add3A_142, %sub3A_144 : vector<128x32xf32>
    %mul3A_146 = arith.mulf %convert_element_type3A_133, %sub3A_145 : vector<128x32xf32>
    %add3A_147 = arith.addf %add3A_122, %mul3A_146 : vector<128x32xf32>
    %reduce_sum3A_148 = vector.shape_cast %slice3A_136 : vector<1x32xf32> to vector<1x1x32xf32>
    %reduce_sum3A_149 = arith.constant dense<0.000000e+00> : vector<1xf32>
    %reduce_sum3A_150 = vector.multi_reduction <add>, %reduce_sum3A_148, %reduce_sum3A_149 [1, 2] : vector<1x1x32xf32> to vector<1xf32>
    %reduce_sum3A_151 = vector.shape_cast %reduce_sum3A_150 : vector<1xf32> to vector<1x1x1xf32>
    %reduce_sum3A_152 = vector.extract %reduce_sum3A_151[0, 0, 0] : f32 from vector<1x1x1xf32>
    %add3A_153 = arith.addf %add3A_128, %reduce_sum3A_152 : f32
    %eq3A_154 = arith.constant 6 : i32
    %eq3A_155 = vector.broadcast %eq3A_154 : i32 to vector<128x32xi32>
    %eq3A_156 = arith.cmpi eq, %get3A_1, %eq3A_155 : vector<128x32xi32>
    %convert_element_type3A_157 = arith.extui %eq3A_156 : vector<128x32xi1> to vector<128x32xi32>
    %convert_element_type3A_158 = arith.sitofp %convert_element_type3A_157 : vector<128x32xi32> to vector<128x32xf32>
    %dot_general3A_159 = arith.constant dense<0.000000e+00> : vector<128x32xf32>
    %dot_general3A_160 = tpu.matmul %convert_element_type3A_3, %convert_element_type3A_158, %dot_general3A_159 {dimension_numbers = #tpu.dot_dimension_numbers<[1], [0], [0], [1], [0, 0, 1, 1], [], []>, transpose_lhs_hint = false} : vector<128x128xf32>, vector<128x32xf32>, vector<128x32xf32> -> vector<128x32xf32>
    %slice3A_161 = vector.extract_strided_slice %dot_general3A_160 {offsets = [127, 0], sizes = [1, 32], strides = [1, 1]} : vector<128x32xf32> to vector<1x32xf32>
    %dot_general3A_162 = arith.constant dense<0.000000e+00> : vector<1x32xf32>
    %dot_general3A_163 = tpu.matmul %slice3A_161, %convert_element_type3A_7, %dot_general3A_162 {dimension_numbers = #tpu.dot_dimension_numbers<[1], [0], [0], [1], [0, 0, 1, 1], [], []>, transpose_lhs_hint = false} : vector<1x32xf32>, vector<32x32xf32>, vector<1x32xf32> -> vector<1x32xf32>
    %add3A_164 = vector.broadcast %add3A_153 : f32 to vector<1x32xf32>
    %add3A_165 = arith.addf %add3A_164, %dot_general3A_163 : vector<1x32xf32>
    %add3A_166 = vector.broadcast %add3A_165 : vector<1x32xf32> to vector<128x32xf32>
    %add3A_167 = arith.addf %add3A_166, %dot_general3A_160 : vector<128x32xf32>
    %sub3A_168 = arith.constant 1.000000e+00 : f32
    %sub3A_169 = vector.broadcast %sub3A_168 : f32 to vector<128x32xf32>
    %sub3A_170 = arith.subf %add3A_167, %sub3A_169 : vector<128x32xf32>
    %mul3A_171 = arith.mulf %convert_element_type3A_158, %sub3A_170 : vector<128x32xf32>
    %add3A_172 = arith.addf %add3A_147, %mul3A_171 : vector<128x32xf32>
    %reduce_sum3A_173 = vector.shape_cast %slice3A_161 : vector<1x32xf32> to vector<1x1x32xf32>
    %reduce_sum3A_174 = arith.constant dense<0.000000e+00> : vector<1xf32>
    %reduce_sum3A_175 = vector.multi_reduction <add>, %reduce_sum3A_173, %reduce_sum3A_174 [1, 2] : vector<1x1x32xf32> to vector<1xf32>
    %reduce_sum3A_176 = vector.shape_cast %reduce_sum3A_175 : vector<1xf32> to vector<1x1x1xf32>
    %reduce_sum3A_177 = vector.extract %reduce_sum3A_176[0, 0, 0] : f32 from vector<1x1x1xf32>
    %add3A_178 = arith.addf %add3A_153, %reduce_sum3A_177 : f32
    %eq3A_179 = arith.constant 7 : i32
    %eq3A_180 = vector.broadcast %eq3A_179 : i32 to vector<128x32xi32>
    %eq3A_181 = arith.cmpi eq, %get3A_1, %eq3A_180 : vector<128x32xi32>
    %convert_element_type3A_182 = arith.extui %eq3A_181 : vector<128x32xi1> to vector<128x32xi32>
    %convert_element_type3A_183 = arith.sitofp %convert_element_type3A_182 : vector<128x32xi32> to vector<128x32xf32>
    %dot_general3A_184 = arith.constant dense<0.000000e+00> : vector<128x32xf32>
    %dot_general3A_185 = tpu.matmul %convert_element_type3A_3, %convert_element_type3A_183, %dot_general3A_184 {dimension_numbers = #tpu.dot_dimension_numbers<[1], [0], [0], [1], [0, 0, 1, 1], [], []>, transpose_lhs_hint = false} : vector<128x128xf32>, vector<128x32xf32>, vector<128x32xf32> -> vector<128x32xf32>
    %slice3A_186 = vector.extract_strided_slice %dot_general3A_185 {offsets = [127, 0], sizes = [1, 32], strides = [1, 1]} : vector<128x32xf32> to vector<1x32xf32>
    %dot_general3A_187 = arith.constant dense<0.000000e+00> : vector<1x32xf32>
    %dot_general3A_188 = tpu.matmul %slice3A_186, %convert_element_type3A_7, %dot_general3A_187 {dimension_numbers = #tpu.dot_dimension_numbers<[1], [0], [0], [1], [0, 0, 1, 1], [], []>, transpose_lhs_hint = false} : vector<1x32xf32>, vector<32x32xf32>, vector<1x32xf32> -> vector<1x32xf32>
    %add3A_189 = vector.broadcast %add3A_178 : f32 to vector<1x32xf32>
    %add3A_190 = arith.addf %add3A_189, %dot_general3A_188 : vector<1x32xf32>
    %add3A_191 = vector.broadcast %add3A_190 : vector<1x32xf32> to vector<128x32xf32>
    %add3A_192 = arith.addf %add3A_191, %dot_general3A_185 : vector<128x32xf32>
    %sub3A_193 = arith.constant 1.000000e+00 : f32
    %sub3A_194 = vector.broadcast %sub3A_193 : f32 to vector<128x32xf32>
    %sub3A_195 = arith.subf %add3A_192, %sub3A_194 : vector<128x32xf32>
    %mul3A_196 = arith.mulf %convert_element_type3A_183, %sub3A_195 : vector<128x32xf32>
    %add3A_197 = arith.addf %add3A_172, %mul3A_196 : vector<128x32xf32>
    %convert_element_type3A_198 = arith.fptosi %add3A_197 : vector<128x32xf32> to vector<128x32xi32>
    %swap3A = arith.constant 0 : index
    %swap3A_199 = arith.constant 0 : index
    %swap3A_200 = vector.load %arg1[%swap3A, %swap3A_199] : memref<128x32xi32, #tpu.memory_space<vmem>>, vector<128x32xi32>
    tpu.vector_store %arg1[%swap3A, %swap3A_199], %convert_element_type3A_198 {strides = array<i32>} : memref<128x32xi32, #tpu.memory_space<vmem>>, vector<128x32xi32>,
    %iota3A_201 = tpu.iota {dimensions = array<i32: 0>} : vector<7x1xi32>
    %convert_element_type3A_202 = arith.sitofp %iota3A_201 : vector<7x1xi32> to vector<7x1xf32>
    %add3A_203 = arith.constant 1.000000e+00 : f32
    %add3A_204 = vector.broadcast %add3A_203 : f32 to vector<7x1xf32>
    %add3A_205 = arith.addf %convert_element_type3A_202, %add3A_204 : vector<7x1xf32>
    %mul3A_206 = arith.constant 5.120000e+02 : f32
    %mul3A_207 = vector.broadcast %mul3A_206 : f32 to vector<7x1xf32>
    %mul3A_208 = arith.mulf %add3A_205, %mul3A_207 : vector<7x1xf32>
    %broadcast_in_dim3A_209 = vector.broadcast %add3A_28 : f32 to vector<1x1xf32>
    %broadcast_in_dim3A_210 = vector.broadcast %add3A_53 : f32 to vector<1x1xf32>
    %broadcast_in_dim3A_211 = vector.broadcast %add3A_78 : f32 to vector<1x1xf32>
    %broadcast_in_dim3A_212 = vector.broadcast %add3A_103 : f32 to vector<1x1xf32>
    %broadcast_in_dim3A_213 = vector.broadcast %add3A_128 : f32 to vector<1x1xf32>
    %broadcast_in_dim3A_214 = vector.broadcast %add3A_153 : f32 to vector<1x1xf32>
    %broadcast_in_dim3A_215 = vector.broadcast %add3A_178 : f32 to vector<1x1xf32>
    %concatenate3A = tpu.concatenate %broadcast_in_dim3A_209, %broadcast_in_dim3A_210, %broadcast_in_dim3A_211, %broadcast_in_dim3A_212, %broadcast_in_dim3A_213, %broadcast_in_dim3A_214, %broadcast_in_dim3A_215 in 0 : vector<1x1xf32>, vector<1x1xf32>, vector<1x1xf32>, vector<1x1xf32>, vector<1x1xf32>, vector<1x1xf32>, vector<1x1xf32> -> vector<7x1xf32>
    %iota3A_216 = tpu.iota {dimensions = array<i32: 0>} : vector<7x1xi32>
    %convert_element_type3A_217 = arith.sitofp %iota3A_216 : vector<7x1xi32> to vector<7x1xf32>
    %squeeze3A = vector.shape_cast %concatenate3A : vector<7x1xf32> to vector<7xf32>
    %broadcast_in_dim3A_218 = vector.shape_cast %squeeze3A : vector<7xf32> to vector<1x7xf32>
    %le3A = vector.broadcast %broadcast_in_dim3A_218 : vector<1x7xf32> to vector<7x7xf32>
    %le3A_219 = vector.broadcast %mul3A_208 : vector<7x1xf32> to vector<7x7xf32>
    %le3A_220 = arith.cmpf ole, %le3A, %le3A_219 : vector<7x7xf32>
    %convert_element_type3A_221 = arith.extui %le3A_220 : vector<7x7xi1> to vector<7x7xi32>
    %convert_element_type3A_222 = arith.sitofp %convert_element_type3A_221 : vector<7x7xi32> to vector<7x7xf32>
    %reduce_sum3A_223 = arith.constant dense<0.000000e+00> : vector<7xf32>
    %reduce_sum3A_224 = vector.multi_reduction <add>, %convert_element_type3A_222, %reduce_sum3A_223 [1] : vector<7x7xf32> to vector<7xf32>
    %broadcast_in_dim3A_225 = vector.shape_cast %reduce_sum3A_224 : vector<7xf32> to vector<7x1xf32>
    %add3A_226 = arith.addf %convert_element_type3A_217, %broadcast_in_dim3A_225 : vector<7x1xf32>
    %iota3A_227 = tpu.iota {dimensions = array<i32: 0>} : vector<7x1xi32>
    %convert_element_type3A_228 = arith.sitofp %iota3A_227 : vector<7x1xi32> to vector<7x1xf32>
    %squeeze3A_229 = vector.shape_cast %mul3A_208 : vector<7x1xf32> to vector<7xf32>
    %broadcast_in_dim3A_230 = vector.shape_cast %squeeze3A_229 : vector<7xf32> to vector<1x7xf32>
    %lt3A_231 = vector.broadcast %broadcast_in_dim3A_230 : vector<1x7xf32> to vector<7x7xf32>
    %lt3A_232 = vector.broadcast %concatenate3A : vector<7x1xf32> to vector<7x7xf32>
    %lt3A_233 = arith.cmpf olt, %lt3A_231, %lt3A_232 : vector<7x7xf32>
    %convert_element_type3A_234 = arith.extui %lt3A_233 : vector<7x7xi1> to vector<7x7xi32>
    %convert_element_type3A_235 = arith.sitofp %convert_element_type3A_234 : vector<7x7xi32> to vector<7x7xf32>
    %reduce_sum3A_236 = arith.constant dense<0.000000e+00> : vector<7xf32>
    %reduce_sum3A_237 = vector.multi_reduction <add>, %convert_element_type3A_235, %reduce_sum3A_236 [1] : vector<7x7xf32> to vector<7xf32>
    %broadcast_in_dim3A_238 = vector.shape_cast %reduce_sum3A_237 : vector<7xf32> to vector<7x1xf32>
    %add3A_239 = arith.addf %convert_element_type3A_228, %broadcast_in_dim3A_238 : vector<7x1xf32>
    %iota3A_240 = tpu.iota {dimensions = array<i32: 1>} : vector<1x14xi32>
    %convert_element_type3A_241 = arith.sitofp %iota3A_240 : vector<1x14xi32> to vector<1x14xf32>
    %eq3A_242 = vector.broadcast %add3A_226 : vector<7x1xf32> to vector<7x14xf32>
    %eq3A_243 = vector.broadcast %convert_element_type3A_241 : vector<1x14xf32> to vector<7x14xf32>
    %eq3A_244 = arith.cmpf oeq, %eq3A_242, %eq3A_243 : vector<7x14xf32>
    %convert_element_type3A_245 = arith.extui %eq3A_244 : vector<7x14xi1> to vector<7x14xi32>
    %convert_element_type3A_246 = arith.sitofp %convert_element_type3A_245 : vector<7x14xi32> to vector<7x14xf32>
    %mul3A_247 = vector.broadcast %mul3A_208 : vector<7x1xf32> to vector<7x14xf32>
    %mul3A_248 = arith.mulf %mul3A_247, %convert_element_type3A_246 : vector<7x14xf32>
    %reduce_sum3A_249 = arith.constant dense<0.000000e+00> : vector<14xf32>
    %reduce_sum3A_250 = vector.multi_reduction <add>, %mul3A_248, %reduce_sum3A_249 [0] : vector<7x14xf32> to vector<14xf32>
    %broadcast_in_dim3A_251 = vector.shape_cast %reduce_sum3A_250 : vector<14xf32> to vector<1x14xf32>
    %eq3A_252 = vector.broadcast %add3A_239 : vector<7x1xf32> to vector<7x14xf32>
    %eq3A_253 = vector.broadcast %convert_element_type3A_241 : vector<1x14xf32> to vector<7x14xf32>
    %eq3A_254 = arith.cmpf oeq, %eq3A_252, %eq3A_253 : vector<7x14xf32>
    %convert_element_type3A_255 = arith.extui %eq3A_254 : vector<7x14xi1> to vector<7x14xi32>
    %convert_element_type3A_256 = arith.sitofp %convert_element_type3A_255 : vector<7x14xi32> to vector<7x14xf32>
    %mul3A_257 = vector.broadcast %concatenate3A : vector<7x1xf32> to vector<7x14xf32>
    %mul3A_258 = arith.mulf %mul3A_257, %convert_element_type3A_256 : vector<7x14xf32>
    %reduce_sum3A_259 = arith.constant dense<0.000000e+00> : vector<14xf32>
    %reduce_sum3A_260 = vector.multi_reduction <add>, %mul3A_258, %reduce_sum3A_259 [0] : vector<7x14xf32> to vector<14xf32>
    %broadcast_in_dim3A_261 = vector.shape_cast %reduce_sum3A_260 : vector<14xf32> to vector<1x14xf32>
    %add3A_262 = arith.addf %broadcast_in_dim3A_251, %broadcast_in_dim3A_261 : vector<1x14xf32>
    %broadcast_in_dim3A_263 = arith.constant 0.000000e+00 : f32
    %broadcast_in_dim3A_264 = vector.broadcast %broadcast_in_dim3A_263 : f32 to vector<1x1xf32>
    %concatenate3A_265 = tpu.concatenate %broadcast_in_dim3A_264, %add3A_262 in 1 : vector<1x1xf32>, vector<1x14xf32> -> vector<1x15xf32>
    %broadcast_in_dim3A_266 = arith.constant 4.096000e+03 : f32
    %broadcast_in_dim3A_267 = vector.broadcast %broadcast_in_dim3A_266 : f32 to vector<1x1xf32>
    %concatenate3A_268 = tpu.concatenate %add3A_262, %broadcast_in_dim3A_267 in 1 : vector<1x14xf32>, vector<1x1xf32> -> vector<1x15xf32>
    %div3A = arith.constant 5.120000e+02 : f32
    %div3A_269 = vector.broadcast %div3A : f32 to vector<1x15xf32>
    %div3A_270 = arith.divf %concatenate3A_265, %div3A_269 : vector<1x15xf32>
    %floor3A = math.floor %div3A_270 : vector<1x15xf32>
    %jit3A = arith.constant 0 : i32
    %jit3A_271 = arith.constant 7 : i32
    %convert_element_type3A_272 = arith.sitofp %jit3A : i32 to f32
    %max3A = vector.broadcast %convert_element_type3A_272 : f32 to vector<1x15xf32>
    %max3A_273 = arith.maximumf %max3A, %floor3A : vector<1x15xf32>
    %convert_element_type3A_274 = arith.sitofp %jit3A_271 : i32 to f32
    %min3A = vector.broadcast %convert_element_type3A_274 : f32 to vector<1x15xf32>
    %min3A_275 = arith.minimumf %min3A, %max3A_273 : vector<1x15xf32>
    %broadcast_in_dim3A_276 = arith.constant 0.000000e+00 : f32
    %broadcast_in_dim3A_277 = vector.broadcast %broadcast_in_dim3A_276 : f32 to vector<1x15xf32>
    %broadcast_in_dim3A_278 = vector.broadcast %add3A_28 : f32 to vector<1x15xf32>
    %le3A_279 = arith.cmpf ole, %broadcast_in_dim3A_278, %concatenate3A_265 : vector<1x15xf32>
    %convert_element_type3A_280 = arith.extui %le3A_279 : vector<1x15xi1> to vector<1x15xi32>
    %convert_element_type3A_281 = arith.sitofp %convert_element_type3A_280 : vector<1x15xi32> to vector<1x15xf32>
    %add3A_282 = arith.addf %broadcast_in_dim3A_277, %convert_element_type3A_281 : vector<1x15xf32>
    %broadcast_in_dim3A_283 = vector.broadcast %add3A_53 : f32 to vector<1x15xf32>
    %le3A_284 = arith.cmpf ole, %broadcast_in_dim3A_283, %concatenate3A_265 : vector<1x15xf32>
    %convert_element_type3A_285 = arith.extui %le3A_284 : vector<1x15xi1> to vector<1x15xi32>
    %convert_element_type3A_286 = arith.sitofp %convert_element_type3A_285 : vector<1x15xi32> to vector<1x15xf32>
    %add3A_287 = arith.addf %add3A_282, %convert_element_type3A_286 : vector<1x15xf32>
    %broadcast_in_dim3A_288 = vector.broadcast %add3A_78 : f32 to vector<1x15xf32>
    %le3A_289 = arith.cmpf ole, %broadcast_in_dim3A_288, %concatenate3A_265 : vector<1x15xf32>
    %convert_element_type3A_290 = arith.extui %le3A_289 : vector<1x15xi1> to vector<1x15xi32>
    %convert_element_type3A_291 = arith.sitofp %convert_element_type3A_290 : vector<1x15xi32> to vector<1x15xf32>
    %add3A_292 = arith.addf %add3A_287, %convert_element_type3A_291 : vector<1x15xf32>
    %broadcast_in_dim3A_293 = vector.broadcast %add3A_103 : f32 to vector<1x15xf32>
    %le3A_294 = arith.cmpf ole, %broadcast_in_dim3A_293, %concatenate3A_265 : vector<1x15xf32>
    %convert_element_type3A_295 = arith.extui %le3A_294 : vector<1x15xi1> to vector<1x15xi32>
    %convert_element_type3A_296 = arith.sitofp %convert_element_type3A_295 : vector<1x15xi32> to vector<1x15xf32>
    %add3A_297 = arith.addf %add3A_292, %convert_element_type3A_296 : vector<1x15xf32>
    %broadcast_in_dim3A_298 = vector.broadcast %add3A_128 : f32 to vector<1x15xf32>
    %le3A_299 = arith.cmpf ole, %broadcast_in_dim3A_298, %concatenate3A_265 : vector<1x15xf32>
    %convert_element_type3A_300 = arith.extui %le3A_299 : vector<1x15xi1> to vector<1x15xi32>
    %convert_element_type3A_301 = arith.sitofp %convert_element_type3A_300 : vector<1x15xi32> to vector<1x15xf32>
    %add3A_302 = arith.addf %add3A_297, %convert_element_type3A_301 : vector<1x15xf32>
    %broadcast_in_dim3A_303 = vector.broadcast %add3A_153 : f32 to vector<1x15xf32>
    %le3A_304 = arith.cmpf ole, %broadcast_in_dim3A_303, %concatenate3A_265 : vector<1x15xf32>
    %convert_element_type3A_305 = arith.extui %le3A_304 : vector<1x15xi1> to vector<1x15xi32>
    %convert_element_type3A_306 = arith.sitofp %convert_element_type3A_305 : vector<1x15xi32> to vector<1x15xf32>
    %add3A_307 = arith.addf %add3A_302, %convert_element_type3A_306 : vector<1x15xf32>
    %broadcast_in_dim3A_308 = vector.broadcast %add3A_178 : f32 to vector<1x15xf32>
    %le3A_309 = arith.cmpf ole, %broadcast_in_dim3A_308, %concatenate3A_265 : vector<1x15xf32>
    %convert_element_type3A_310 = arith.extui %le3A_309 : vector<1x15xi1> to vector<1x15xi32>
    %convert_element_type3A_311 = arith.sitofp %convert_element_type3A_310 : vector<1x15xi32> to vector<1x15xf32>
    %add3A_312 = arith.addf %add3A_307, %convert_element_type3A_311 : vector<1x15xf32>
    %jit3A_313 = arith.constant 0 : i32
    %jit3A_314 = arith.constant 7 : i32
    %convert_element_type3A_315 = arith.sitofp %jit3A_313 : i32 to f32
    %max3A_316 = vector.broadcast %convert_element_type3A_315 : f32 to vector<1x15xf32>
    %max3A_317 = arith.maximumf %max3A_316, %add3A_312 : vector<1x15xf32>
    %convert_element_type3A_318 = arith.sitofp %jit3A_314 : i32 to f32
    %min3A_319 = vector.broadcast %convert_element_type3A_318 : f32 to vector<1x15xf32>
    %min3A_320 = arith.minimumf %min3A_319, %max3A_317 : vector<1x15xf32>
    %convert_element_type3A_321 = arith.fptosi %min3A_275 : vector<1x15xf32> to vector<1x15xi32>
    %swap3A_322 = arith.constant 0 : index
    %swap3A_323 = arith.constant 0 : index
    %swap3A_324 = vector.load %arg2[%swap3A_322, %swap3A_323] : memref<1x15xi32, #tpu.memory_space<vmem>>, vector<1x15xi32>
    tpu.vector_store %arg2[%swap3A_322, %swap3A_323], %convert_element_type3A_321 {strides = array<i32>} : memref<1x15xi32, #tpu.memory_space<vmem>>, vector<1x15xi32>,
    %convert_element_type3A_325 = arith.fptosi %min3A_320 : vector<1x15xf32> to vector<1x15xi32>
    %swap3A_326 = arith.constant 0 : index
    %swap3A_327 = arith.constant 0 : index
    %swap3A_328 = vector.load %arg3[%swap3A_326, %swap3A_327] : memref<1x15xi32, #tpu.memory_space<vmem>>, vector<1x15xi32>
    tpu.vector_store %arg3[%swap3A_326, %swap3A_327], %convert_element_type3A_325 {strides = array<i32>} : memref<1x15xi32, #tpu.memory_space<vmem>>, vector<1x15xi32>,
    %convert_element_type3A_329 = arith.fptosi %concatenate3A_265 : vector<1x15xf32> to vector<1x15xi32>
    %swap3A_330 = arith.constant 0 : index
    %swap3A_331 = arith.constant 0 : index
    %swap3A_332 = vector.load %arg4[%swap3A_330, %swap3A_331] : memref<1x15xi32, #tpu.memory_space<vmem>>, vector<1x15xi32>
    tpu.vector_store %arg4[%swap3A_330, %swap3A_331], %convert_element_type3A_329 {strides = array<i32>} : memref<1x15xi32, #tpu.memory_space<vmem>>, vector<1x15xi32>,
    %convert_element_type3A_333 = arith.fptosi %concatenate3A_268 : vector<1x15xf32> to vector<1x15xi32>
    %swap3A_334 = arith.constant 0 : index
    %swap3A_335 = arith.constant 0 : index
    %swap3A_336 = vector.load %arg5[%swap3A_334, %swap3A_335] : memref<1x15xi32, #tpu.memory_space<vmem>>, vector<1x15xi32>
    tpu.vector_store %arg5[%swap3A_334, %swap3A_335], %convert_element_type3A_333 {strides = array<i32>} : memref<1x15xi32, #tpu.memory_space<vmem>>, vector<1x15xi32>,
    return
  }
}

</mosaic_0001>

<sc_bundles>
// kernel: kernel.6.cloned.1.call-start
scs
__scs_entry_jumppad:
0x0: {  	(pc) =	sbr.rel $0x88, $3  }
0x1: {  	(tag) =	ssettag $0x0;
	lr =	simm.s32 $0x1  }
0x2: {  	[smem:$0x3F9B] =	sst lr;
	_ =	strace $0xD0000000  }
0x3: {  	_ = 	snop  }
0x4: {  	_ = 	snop  }
0x5: {  	_ = 	snop  }
0x6: {  	_ = 	snop  }
0x7: {  	_ = 	snop  }
__scs_overlays_trampoline_lowered:
0x8: {  	[smem:$0x3FAA] =	sst s0  }
0x9: {  	[smem:$0x3FAB] =	sst s1  }
0xa: {  	[smem:$0x3FAC] =	sst s2  }
0xb: {  	[smem:$0x3FAD] =	sst s3  }
0xc: {  	[smem:$0x3FAE] =	sst s4  }
0xd: {  	[smem:$0x3FAF] =	sst s5  }
0xe: {  	[smem:$0x3FB0] =	sst s6  }
0xf: {  	[smem:$0x3FB1] =	sst s7  }
0x10: {  	[smem:$0x3FB2] =	sst s8  }
0x11: {  	[smem:$0x3FB3] =	sst s9;
	s0 =	simm.s32 @!p0 $0x0  }
0x12: {  	s1 =	sld [smem:$0x3F99];
	s0 =	simm.s32 @p0 $0x1  }
0x13: {  	[smem:$0x3FB4] =	sst s0;
	s0 =	simm.s32 @!p1 $0x0  }
0x14: {  	s2 =	sld [smem:$0x3F98];
	s0 =	simm.s32 @p1 $0x1  }
0x15: {  	[smem:$0x3FB5] =	sst s0;
	s0 =	simm.s32 @!p2 $0x0  }
0x16: {  	s3 =	sld [smem:$0x3FDB];
	s0 =	simm.s32 @p2 $0x1  }
0x17: {  	s4 =	simm.s32 $0x1BF5;
	[smem:$0x3FB7] =	sst s0  }
0x18: {  	s0 =	sld [smem:$0x3F9A];
	_ =	swait.ge [sflag:s4], $0x0  }
0x19: {  	s7 =	sld [smem:$0x3F9B]  }
0x1a: {  	s8 =	sadd.s32 $0xFFFFE003, lr  }
0x1b: {  	s9 =	sadd.s32 $0xFFFFFEF7, lr;
	s5 =	simm.s32 $0xFFFFFFFF;
	p2 =	slt.u32 s8, $0xFFFFF086  }
0x1c: {  	p1 =	slt.u32 s9, $0xF7A;
	s5 =	simm.s32 @!p2 $0x0  }
0x1d: {  	s5 =	simm.s32 @p1 $0x1;
	p0 =	seq.s32 s7, s2  }
0x1e: {  	s7 =	smul.u32 @!p0 $0xF7A, s2;
	p2 =	seq.s32 @!p0 s5, $0x0  }
0x1f: {  	s9 =	smul.u32 $0xF7A, s1;
	s8 =	simm.s32 @!p0 $0x1BF5;
	p2 =	por !p2, p0  }
0x20: {  	[sflag:s8] =	ssyncset.s32 @!p0 $0xFFFFF086;
	s6 =	sadd.s32 @!p0 s3, s7;
	s7 =	simm.s32 @!p0 $0x108  }
0x21: {  	s3 =	sadd.s32 s3, s9;
	s6 =	sadd.s32 @!p0 $0x88, s6;
	s7 =	simm.s32 @p2 $0x1082  }
0x22: {  	[simem:s7], [sflag:s8] =	dma.local @!p0 [hbm:s6], $0xF7A  }
0x23: {  	s9 =	sor.u32 $0xD0000000, s2;
	s6 =	simm.s32 $0x108;
	_ =	swait.ge @!p0 [sflag:s8], $0x0  }
0x24: {  	s3 =	sadd.s32 $0x88, s3;
	s6 =	simm.s32 @!p1 $0x1082;
	[sflag:s4] =	ssyncset.s32 $0xFFFFF086  }
0x25: {  	[simem:s6], [sflag:s4] =	dma.local [hbm:s3], $0xF7A  }
0x26: {  	[smem:$0x3F9B] =	sst s1;
	(tag) =	ssettag s2;
	_ =	strace s9  }
0x27: {  	s1 =	sld [smem:$0x3FAB]  }
0x28: {  	s2 =	sld [smem:$0x3FAC]  }
0x29: {  	s4 =	sld [smem:$0x3FAE]  }
0x2a: {  	p0 =	seq.s32 s5, $0x0;
	s5 =	sld [smem:$0x3FAF]  }
0x2b: {  	s6 =	sld [smem:$0x3FB0]  }
0x2c: {  	s7 =	sld [smem:$0x3FB1]  }
0x2d: {  	s3 =	simm.s32 $0x108;
	s8 =	sld [smem:$0x3FB2]  }
0x2e: {  	s3 =	simm.s32 @!p0 $0x1082;
	s9 =	sld [smem:$0x3FB3]  }
0x2f: {  	lr =	sadd.s32 s0, s3;
	s0 =	sld [smem:$0x3FAA]  }
0x30: {  	s3 =	sld [smem:$0x3FAD]  }
0x31: {  	[smem:$0x3FB6] =	sst s10  }
0x32: {  	s10 =	sld [smem:$0x3FB4];
	_ =	sdelay $0x3  }
0x33: {  	p0 =	seq.s32 s10, $0x1;
	s10 =	sld [smem:$0x3FB6];
	_ =	sdelay $0x3  }
0x34: {  	[smem:$0x3FB6] =	sst s10  }
0x35: {  	s10 =	sld [smem:$0x3FB5];
	_ =	sdelay $0x3  }
0x36: {  	p1 =	seq.s32 s10, $0x1;
	s10 =	sld [smem:$0x3FB6];
	_ =	sdelay $0x3  }
0x37: {  	[smem:$0x3FB6] =	sst s10  }
0x38: {  	s10 =	sld [smem:$0x3FB7]  }
0x39: {  	_ = 	snop;
	(pc) =	sbr.ind lr, $3  }
0x3a: {  	_ = 	snop  }
0x3b: {  	_ = 	snop  }
0x3c: {  	p2 =	seq.s32 s10, $0x1;
	s10 =	sld [smem:$0x3FB6]  }
0x3d: {  	_ =	shalt  }
0x3e: {  	_ =	shalt  }
0x3f: {  	_ =	shalt  }
0x40: {  	_ =	shalt  }
0x41: {  	_ =	shalt  }
0x42: {  	_ =	shalt  }
0x43: {  	_ =	shalt  }
0x44: {  	_ =	shalt  }
0x45: {  	_ =	shalt  }
0x46: {  	_ =	shalt  }
0x47: {  	_ =	shalt  }
0x48: {  	_ =	shalt  }
0x49: {  	_ =	shalt  }
0x4a: {  	_ =	shalt  }
0x4b: {  	_ =	shalt  }
0x4c: {  	_ =	shalt  }
0x4d: {  	_ =	shalt  }
0x4e: {  	_ =	shalt  }
0x4f: {  	_ =	shalt  }
0x50: {  	_ =	shalt  }
0x51: {  	_ =	shalt  }
0x52: {  	_ =	shalt  }
0x53: {  	_ =	shalt  }
0x54: {  	_ =	shalt  }
0x55: {  	_ =	shalt  }
0x56: {  	_ =	shalt  }
0x57: {  	_ =	shalt  }
0x58: {  	_ =	shalt  }
0x59: {  	_ =	shalt  }
0x5a: {  	_ =	shalt  }
0x5b: {  	_ =	shalt  }
0x5c: {  	_ =	shalt  }
0x5d: {  	_ =	shalt  }
0x5e: {  	_ =	shalt  }
0x5f: {  	_ =	shalt  }
0x60: {  	_ =	shalt  }
0x61: {  	_ =	shalt  }
0x62: {  	_ =	shalt  }
0x63: {  	_ =	shalt  }
0x64: {  	_ =	shalt  }
0x65: {  	_ =	shalt  }
0x66: {  	_ =	shalt  }
0x67: {  	_ =	shalt  }
0x68: {  	_ =	shalt  }
0x69: {  	_ =	shalt  }
0x6a: {  	_ =	shalt  }
0x6b: {  	_ =	shalt  }
0x6c: {  	_ =	shalt  }
0x6d: {  	_ =	shalt  }
0x6e: {  	_ =	shalt  }
0x6f: {  	_ =	shalt  }
0x70: {  	_ =	shalt  }
0x71: {  	_ =	shalt  }
0x72: {  	_ =	shalt  }
0x73: {  	_ =	shalt  }
0x74: {  	_ =	shalt  }
0x75: {  	_ =	shalt  }
0x76: {  	_ =	shalt  }
0x77: {  	_ =	shalt  }
0x78: {  	_ =	shalt  }
0x79: {  	_ =	shalt  }
0x7a: {  	_ =	shalt  }
0x7b: {  	_ =	shalt  }
0x7c: {  	_ =	shalt  }
0x7d: {  	_ =	shalt  }
0x7e: {  	_ =	shalt  }
0x7f: {  	_ =	shalt  }
0x80: {  	_ =	shalt  }
0x81: {  	_ =	shalt  }
0x82: {  	_ =	shalt  }
0x83: {  	_ =	shalt  }
0x84: {  	_ =	shalt  }
0x85: {  	_ =	shalt  }
0x86: {  	_ =	shalt  }
0x87: {  	_ =	shalt  }
.Lfunc_end0:
.L_simem_size_0:
called_computation_lowered:
.L_overlay_start_0:
0x88: {  	s2 =	sld [smem:$0x3FD9]  }
0x89: {  	s3 =	sld [smem:$0x3FFE];
	_ =	sdelay $0x1  }
0x8a: {  	s1 =	srdreg.scid  }
0x8b: {  	s0 =	sand.u32 $0x1, s1  }
0x8c: {  	s17 =	sshll.u32 s0, $0xA;
	s2 =	sadd.s32 s3, s2  }
0x8d: {  	s2 =	sadd.s32 s2, s17  }
0x8e: {  	[smem:$0x3FC2] =	sst s2  }
0x8f: {  	_ = 	snop  }
0x90: {  	s2 =	sld [smem:$0x3FC9];
	(tm) =	ssettm $0x1  }
0x91: {  	s18 =	sld [smem:$0x3FFB];
	_ =	sdelay $0x3  }
0x92: {  	_ =	strace s18  }
0x93: {  	s3 =	sld [smem:$0x3FFC];
	_ =	sdelay $0x3  }
0x94: {  	_ =	strace s3  }
0x95: {  	s3 =	sld [smem:$0x3FFD];
	_ =	sdelay $0x3  }
0x96: {  	_ =	strace s3  }
0x97: {  	_ =	strace $0x8FFFFFFF  }
0x98: {  	s19 =	sld [smem:$0x3FDB];
	_ =	sdelay $0x1  }
0x99: {  	s4 =	simm.s32 $_scs_section_size  }
0x9a: {  	s5 =	simm.s32 $_size__tile_overlayer_lowered;
	s6 =	simm.s32 $_tile_overlayer_lowered  }
0x9b: {  	s22 =	simm.s32 $0x1BFF;
	s21 =	sshll.u32 s6, $0x1;
	s3 =	sadd.s32 s4, s19  }
0x9c: {  	s7 =	simm.s32 $0x0;
	s20 =	sshll.u32 s5, $0x1;
	s5 =	sadd.s32 s21, s3  }
0x9d: {  	[timem:s7], [sflag:s22] =	dma.local [hbm:s5], s20  }
0x9e: {  	_ =	swait.ge [sflag:s22], s20  }
0x9f: {  	s4 =	ssub.s32 $0x0, s20;
	[sflag:s22] =	ssyncset.done $0x0  }
0xa0: {  	[sflag:s22] =	ssyncadd.s32 s4;
	_ =	sdelay $0x1  }
0xa1: {  	s23 =	simm.s32 $0x1B8B  }
0xa2: {  	_ =	swait.ge [sflag:s23], $0x1  }
0xa3: {  	[sflag:s23] =	ssyncset.done $0x0  }
0xa4: {  	s25 =	simm.s32 $0x1B8E;
	s24 =	sld [smem:$0x3FFE];
	[sflag:s23] =	ssyncadd.s32 $0xFFFFFFFF  }
0xa5: {  	s26 =	simm.s32 $execute0_lowered;
	[smem:$0x3FD2] =	sst s25  }
0xa6: {  	s5 =	sshll.u32 s26, $0x1;
	_ =	strace $0x80000046;
	[dreg:$0x1] =	wrdreg $0xFFFFFFFF  }
0xa7: {  	s28 =	simm.s32 $_size_execute0_lowered;
	s3 =	sadd.s32 s3, s5;
	[dreg:$0x0] =	wrdreg $0x0  }
0xa8: {  	s5 =	sshll.u32 s28, $0x1;
	[dreg:$0x2] =	wrdreg s3  }
0xa9: {  	[dreg:$0x3] =	wrdreg s5  }
0xaa: {  	[dreg:$0x4] =	wrdreg $0xC0  }
0xab: {  	_ =	task [dreg:s7], $0x5FFFF  }
0xac: {  	[dreg:$0x1] =	wrdreg $0xFFFFFFFF  }
0xad: {  	[dreg:$0x0] =	wrdreg $0x60  }
0xae: {  	[dreg:$0x2] =	wrdreg s2  }
0xaf: {  	[dreg:$0x3] =	wrdreg s24  }
0xb0: {  	[dreg:$0x4] =	wrdreg $0x9  }
0xb1: {  	_ =	task.clear_ibuf [dreg:s7], $0x5FFFF;
	_ =	strace $0x90000046  }
0xb2: {  	s29 =	simm.s32 $0x9;
	_ =	strace $0x80000048  }
0xb3: {  	_ =	swait.ge [sflag:s29], $0x1  }
0xb4: {  	[sflag:s29] =	ssyncadd.s32 $0xFFFFFFFF  }
0xb5: {  	_ =	strace $0x90000048  }
0xb6: {  	_ =	sfence  }
0xb7: {  	s30 =	sld [smem:$0x0];
	_ =	sdelay $0x2  }
0xb8: {  	s31 =	sshll.u32 s1, $0xD;
	s1 =	sshrl.u32 s1, $0x2  }
0xb9: {  	s3 =	sand.u32 $0x4000, s31;
	s1 =	sadd.s32 s1, s30  }
0xba: {  	s0 =	sor.u32 s3, s0;
	s1 =	sshll.u32 s1, $0x11  }
0xbb: {  	s0 =	sor.u32 s1, s0  }
0xbc: {  	s0 =	sadd.s32 $0x8F2B, s0  }
0xbd: {  	[sflag:s0] =	ssyncadd.remote.s32 $0x1  }
0xbe: {  	_ =	sfence.sel $0xFFFF  }
0xbf: {  	[dreg:$0x0] =	wrdreg $0xFFFFFFFF;
	(pc) =	sbr.abs _section_cstart, $3  }
0xc0: {  	[dreg:$0x1] =	wrdreg $0xFFFFFFFF  }
0xc1: {  	_ =	task.clear_ibuf [dreg:s7], $0x2FFFF;
	_ =	strace $0x9FFFFFFF  }
0xc2: {  	(tm) =	ssettm $0x7FFFFFFF  }
0xc3: {  	_ =	shalt  }
tec
execute0_lowered:
.L_overlay_start_1:
0x0: {  	(tag) =	ssettag $0x1  }
0x1: {  	s0 =	rddreg [dreg:$0x0]  }
0x2: {  	s1 =	rddreg [dreg:$0x1]  }
0x3: {  	s2 =	srdreg.scid;
	s4 =	stileid.u32;
	s25 =	simm.s32 $0xC000  }
0x4: {  	s26 =	simm.s32 $0xC080;
	s10 =	simm.s32 $0x1800;
	s11 =	simm.s32 $0x2000  }
0x5: {  	s12 =	simm.s32 $0x2800;
	s13 =	simm.s32 $0x3000;
	s14 =	simm.s32 $0x3800  }
0x6: {  	s15 =	simm.s32 $0x4000;
	s16 =	simm.s32 $0x4800;
	s17 =	simm.s32 $0x5000  }
0x7: {  	s18 =	simm.s32 $0x5800;
	s28 =	simm.s32 $0xA000;
	s29 =	simm.s32 $0xA800  }
0x8: {  	s30 =	simm.s32 $0xB000;
	s31 =	simm.s32 $0xB800;
	s3 =	sand.u32 $0x1, s2  }
0x9: {  	s2 =	simm.s32 $0x0;
	s4 =	sshll.u32 s4, $0x7;
	s7 =	sadd.s32 $0xC00, s1  }
0xa: {  	s5 =	sshll.u32 s3, $0x6;
	[smem:$0x7FF] =	sst s2;
	s9 =	ssub.s32 $0x2, s3  }
0xb: {  	s4 =	sor.u32 s5, s4;
	_ =	strace $0x80000047;
	[dreg:$0x6] =	wrdreg s25  }
0xc: {  	s22 =	sshrl.u32 s9, $0x1;
	[dreg:$0x7] =	wrdreg s26;
	s25 =	simm.s32 $0x9000  }
0xd: {  	s26 =	simm.s32 $0x9800;
	s6 =	sshrl.u32 s4, $0x3;
	s4 =	sshll.u32 s4, $0x1  }
0xe: {  	s24 =	ssub.s32 s9, s22;
	s6 =	smul.u32 $0x300, s6;
	s8 =	sand.u32 $0xF00, s4  }
0xf: {  	s22 =	simm.s32 $0x7800;
	s4 =	sor.u32 s5, s4;
	s19 =	sor.u32 s5, s8  }
0x10: {  	s4 =	sshrl.u32 s4, $0x3;
	s5 =	sadd.s32 $0x1000, s1;
	s0 =	sadd.s32 s0, s6  }
0x11: {  	s3 =	sshrl.u32 s19, $0x3;
	s21 =	sor.u32 $0x10, s4;
	s4 =	sadd.s32 $0xF00, s1  }
0x12: {  	s6 =	smax.u32 s24, $0x1;
	s19 =	simm.s32 $0x6000;
	s24 =	simm.s32 $0x8800  }
0x13: {  	[dreg:$0x3] =	wrdreg s0;
	s20 =	sadd.s32 s7, s3;
	s23 =	sadd.s32 s7, s21  }
0x14: {  	v2 =	vlaneseq.u32;
	s3 =	sadd.s32 $0xE00, s1;
	s7 =	simm.s32 $0x3;
	s21 =	simm.s32 $0x7000  }
0x15: {  	vm0 =	vmmov $0xffff;
	v1 =	vshrl.u32 v2, $0x3;
	s0 =	simm.s32 $0x1;
	s1 =	simm.s32 $0x2;
	[dreg:$0x4] =	wrdreg s20  }
0x16: {  	v0 =	vand.u32 $0x7, v2;
	v2 =	vor.u32 $0x8, v2;
	v1 =	vmul.u32 $0x8, v1;
	[dreg:$0x5] =	wrdreg s23;
	s20 =	simm.s32 $0x6800;
	s23 =	simm.s32 $0x8000  }
.LBB2_1:
0x17: {  	s8 =	rddreg [dreg:$0x3]  }
0x18: {  	[tilespmem:s2], [sflag:$0x3] =	stream.linear.gather [hbm4b:s8+s2], $0xC000, $0x38;
	[tilespmem:$0xC100] =	vst v63  }
0x19: {  	_ =	swait.ge [sflag:s7], $0xC000  }
0x1a: {  	s8 =	rddreg [dreg:$0x4];
	[sflag:s7] =	ssyncset.done $0x0  }
0x1b: {  	s9 =	rddreg [dreg:$0x6];
	[sflag:s7] =	ssyncadd.s32 $0xFFFF4000  }
0x1c: {  	[tilespmem:s9], [sflag:$0x3] =	stream.linear.gather [hbm4b:s8+s2], $0x40, $0x38;
	[tilespmem:$0xC100] =	vst v63  }
0x1d: {  	_ =	swait.ge [sflag:s7], $0x40  }
0x1e: {  	s8 =	rddreg [dreg:$0x5];
	[sflag:s7] =	ssyncset.done $0x0  }
0x1f: {  	s9 =	rddreg [dreg:$0x7];
	[sflag:s7] =	ssyncadd.s32 $0xFFFFFFC0  }
0x20: {  	[tilespmem:s9], [sflag:$0x3] =	stream.linear.gather [hbm4b:s8+s2], $0x40, $0x38;
	[tilespmem:$0xC100] =	vst v63  }
0x21: {  	_ =	swait.ge [sflag:s7], $0x40  }
0x22: {  	[sflag:s7] =	ssyncset.done $0x0  }
0x23: {  	[sflag:s7] =	ssyncadd.s32 $0xFFFFFFC0  }
0x24: {  	v3 =	vld [tilespmem:$0xC000];
	_ =	sdelay $0x4  }
0x25: {  	v4 =	vshrl.u32 v3, $0x3  }
0x26: {  	v4 =	vmul.u32 $0x30, v4  }
0x27: {  	v3 =	vand.u32 $0x7, v3  }
0x28: {  	v3 =	vor.u32 v3, v4  }
0x29: {  	v4 =	vperm.xlane v3, v0;
	_ =	sdelay $0x1  }
0x2a: {  	v4 =	vadd.s32 v1, v4;
	_ =	sdelay $0x3  }
0x2b: {  	v3 =	vperm.xlane v3, v2  }
0x2c: {  	[hbm4b:s3+s2] =	stream.indirect_vreg.scatter [tilespmem:s2], [sflag:$0x1], $0x80, v4, vm0, $0xb8;
	[tilespmem:$0xC100] =	vst v63  }
0x2d: {  	s8 =	simm.s32 $0x800;
	v3 =	vadd.s32 v1, v3  }
0x2e: {  	[hbm4b:s4+s2] =	stream.indirect_vreg.scatter [tilespmem:s8], [sflag:$0x1], $0x80, v4, vm0, $0xb8;
	[tilespmem:$0xC100] =	vst v63  }
0x2f: {  	s9 =	simm.s32 $0x1000  }
0x30: {  	[hbm4b:s5+s2] =	stream.indirect_vreg.scatter [tilespmem:s9], [sflag:$0x1], $0x80, v4, vm0, $0xb8;
	[tilespmem:$0xC100] =	vst v63  }
0x31: {  	_ = 	snop  }
0x32: {  	[hbm4b:s3+s2] =	stream.indirect_vreg.scatter [tilespmem:s10], [sflag:$0x1], $0x80, v3, vm0, $0xb8;
	[tilespmem:$0xC100] =	vst v63  }
0x33: {  	_ = 	snop  }
0x34: {  	[hbm4b:s4+s2] =	stream.indirect_vreg.scatter [tilespmem:s11], [sflag:$0x1], $0x80, v3, vm0, $0xb8;
	[tilespmem:$0xC100] =	vst v63  }
0x35: {  	_ = 	snop  }
0x36: {  	[hbm4b:s5+s2] =	stream.indirect_vreg.scatter [tilespmem:s12], [sflag:$0x1], $0x80, v3, vm0, $0xb8;
	[tilespmem:$0xC100] =	vst v63  }
0x37: {  	v3 =	vld [tilespmem:$0xC010];
	_ =	sdelay $0x4  }
0x38: {  	v57 =	vshrl.u32 v3, $0x3  }
0x39: {  	v4 =	vmul.u32 $0x30, v57  }
0x3a: {  	v3 =	vand.u32 $0x7, v3  }
0x3b: {  	v3 =	vor.u32 v3, v4  }
0x3c: {  	v4 =	vperm.xlane v3, v0;
	_ =	sdelay $0x1  }
0x3d: {  	v4 =	vadd.s32 v1, v4;
	_ =	sdelay $0x3  }
0x3e: {  	v3 =	vperm.xlane v3, v2  }
0x3f: {  	[hbm4b:s3+s2] =	stream.indirect_vreg.scatter [tilespmem:s13], [sflag:$0x1], $0x80, v4, vm0, $0xb8;
	[tilespmem:$0xC100] =	vst v63  }
0x40: {  	v3 =	vadd.s32 v1, v3  }
0x41: {  	[hbm4b:s4+s2] =	stream.indirect_vreg.scatter [tilespmem:s14], [sflag:$0x1], $0x80, v4, vm0, $0xb8;
	[tilespmem:$0xC100] =	vst v63  }
0x42: {  	_ = 	snop  }
0x43: {  	[hbm4b:s5+s2] =	stream.indirect_vreg.scatter [tilespmem:s15], [sflag:$0x1], $0x80, v4, vm0, $0xb8;
	[tilespmem:$0xC100] =	vst v63  }
0x44: {  	_ = 	snop  }
0x45: {  	[hbm4b:s3+s2] =	stream.indirect_vreg.scatter [tilespmem:s16], [sflag:$0x1], $0x80, v3, vm0, $0xb8;
	[tilespmem:$0xC100] =	vst v63  }
0x46: {  	_ = 	snop  }
0x47: {  	[hbm4b:s4+s2] =	stream.indirect_vreg.scatter [tilespmem:s17], [sflag:$0x1], $0x80, v3, vm0, $0xb8;
	[tilespmem:$0xC100] =	vst v63  }
0x48: {  	_ = 	snop  }
0x49: {  	[hbm4b:s5+s2] =	stream.indirect_vreg.scatter [tilespmem:s18], [sflag:$0x1], $0x80, v3, vm0, $0xb8;
	[tilespmem:$0xC100] =	vst v63  }
0x4a: {  	v3 =	vld [tilespmem:$0xC020];
	_ =	sdelay $0x4  }
0x4b: {  	v58 =	vshrl.u32 v3, $0x3  }
0x4c: {  	v4 =	vmul.u32 $0x30, v58  }
0x4d: {  	v3 =	vand.u32 $0x7, v3  }
0x4e: {  	v3 =	vor.u32 v3, v4  }
0x4f: {  	v4 =	vperm.xlane v3, v0;
	_ =	sdelay $0x1  }
0x50: {  	v4 =	vadd.s32 v1, v4;
	_ =	sdelay $0x3  }
0x51: {  	v3 =	vperm.xlane v3, v2  }
0x52: {  	[hbm4b:s3+s2] =	stream.indirect_vreg.scatter [tilespmem:s19], [sflag:$0x1], $0x80, v4, vm0, $0xb8;
	[tilespmem:$0xC100] =	vst v63  }
0x53: {  	v3 =	vadd.s32 v1, v3  }
0x54: {  	[hbm4b:s4+s2] =	stream.indirect_vreg.scatter [tilespmem:s20], [sflag:$0x1], $0x80, v4, vm0, $0xb8;
	[tilespmem:$0xC100] =	vst v63  }
0x55: {  	_ = 	snop  }
0x56: {  	[hbm4b:s5+s2] =	stream.indirect_vreg.scatter [tilespmem:s21], [sflag:$0x1], $0x80, v4, vm0, $0xb8;
	[tilespmem:$0xC100] =	vst v63  }
0x57: {  	_ = 	snop  }
0x58: {  	[hbm4b:s3+s2] =	stream.indirect_vreg.scatter [tilespmem:s22], [sflag:$0x1], $0x80, v3, vm0, $0xb8;
	[tilespmem:$0xC100] =	vst v63  }
0x59: {  	_ = 	snop  }
0x5a: {  	[hbm4b:s4+s2] =	stream.indirect_vreg.scatter [tilespmem:s23], [sflag:$0x1], $0x80, v3, vm0, $0xb8;
	[tilespmem:$0xC100] =	vst v63  }
0x5b: {  	_ = 	snop  }
0x5c: {  	[hbm4b:s5+s2] =	stream.indirect_vreg.scatter [tilespmem:s24], [sflag:$0x1], $0x80, v3, vm0, $0xb8;
	[tilespmem:$0xC100] =	vst v63  }
0x5d: {  	v3 =	vld [tilespmem:$0xC030];
	_ =	sdelay $0x4  }
0x5e: {  	v59 =	vshrl.u32 v3, $0x3  }
0x5f: {  	v4 =	vmul.u32 $0x30, v59  }
0x60: {  	v3 =	vand.u32 $0x7, v3  }
0x61: {  	v3 =	vor.u32 v3, v4  }
0x62: {  	v4 =	vperm.xlane v3, v0;
	_ =	sdelay $0x1  }
0x63: {  	v4 =	vadd.s32 v1, v4;
	_ =	sdelay $0x3  }
0x64: {  	v3 =	vperm.xlane v3, v2  }
0x65: {  	[hbm4b:s3+s2] =	stream.indirect_vreg.scatter [tilespmem:s25], [sflag:$0x1], $0x80, v4, vm0, $0xb8;
	[tilespmem:$0xC100] =	vst v63  }
0x66: {  	v3 =	vadd.s32 v1, v3  }
0x67: {  	[hbm4b:s4+s2] =	stream.indirect_vreg.scatter [tilespmem:s26], [sflag:$0x1], $0x80, v4, vm0, $0xb8;
	[tilespmem:$0xC100] =	vst v63  }
0x68: {  	_ = 	snop  }
0x69: {  	[hbm4b:s5+s2] =	stream.indirect_vreg.scatter [tilespmem:s28], [sflag:$0x1], $0x80, v4, vm0, $0xb8;
	[tilespmem:$0xC100] =	vst v63  }
0x6a: {  	_ = 	snop  }
0x6b: {  	[hbm4b:s3+s2] =	stream.indirect_vreg.scatter [tilespmem:s29], [sflag:$0x1], $0x80, v3, vm0, $0xb8;
	[tilespmem:$0xC100] =	vst v63  }
0x6c: {  	_ = 	snop  }
0x6d: {  	[hbm4b:s4+s2] =	stream.indirect_vreg.scatter [tilespmem:s30], [sflag:$0x1], $0x80, v3, vm0, $0xb8;
	[tilespmem:$0xC100] =	vst v63  }
0x6e: {  	_ = 	snop  }
0x6f: {  	[hbm4b:s5+s2] =	stream.indirect_vreg.scatter [tilespmem:s31], [sflag:$0x1], $0x80, v3, vm0, $0xb8;
	[tilespmem:$0xC100] =	vst v63  }
0x70: {  	v3 =	vld [tilespmem:$0xC080];
	_ =	sdelay $0x4  }
0x71: {  	v60 =	vshrl.u32 v3, $0x3  }
0x72: {  	v4 =	vmul.u32 $0x30, v60  }
0x73: {  	v3 =	vand.u32 $0x7, v3  }
0x74: {  	v3 =	vor.u32 v3, v4  }
0x75: {  	v4 =	vperm.xlane v3, v0;
	_ =	sdelay $0x1  }
0x76: {  	v4 =	vadd.s32 v1, v4;
	_ =	sdelay $0x3  }
0x77: {  	v3 =	vperm.xlane v3, v2  }
0x78: {  	[hbm4b:s3+s2] =	stream.indirect_vreg.scatter [tilespmem:s2], [sflag:$0x2], $0x80, v4, vm0, $0xb8;
	[tilespmem:$0xC100] =	vst v63  }
0x79: {  	v3 =	vadd.s32 v1, v3  }
0x7a: {  	[hbm4b:s4+s2] =	stream.indirect_vreg.scatter [tilespmem:s8], [sflag:$0x2], $0x80, v4, vm0, $0xb8;
	[tilespmem:$0xC100] =	vst v63  }
0x7b: {  	_ = 	snop  }
0x7c: {  	[hbm4b:s5+s2] =	stream.indirect_vreg.scatter [tilespmem:s9], [sflag:$0x2], $0x80, v4, vm0, $0xb8;
	[tilespmem:$0xC100] =	vst v63  }
0x7d: {  	_ = 	snop  }
0x7e: {  	[hbm4b:s3+s2] =	stream.indirect_vreg.scatter [tilespmem:s10], [sflag:$0x2], $0x80, v3, vm0, $0xb8;
	[tilespmem:$0xC100] =	vst v63  }
0x7f: {  	_ = 	snop  }
0x80: {  	[hbm4b:s4+s2] =	stream.indirect_vreg.scatter [tilespmem:s11], [sflag:$0x2], $0x80, v3, vm0, $0xb8;
	[tilespmem:$0xC100] =	vst v63  }
0x81: {  	_ = 	snop  }
0x82: {  	[hbm4b:s5+s2] =	stream.indirect_vreg.scatter [tilespmem:s12], [sflag:$0x2], $0x80, v3, vm0, $0xb8;
	[tilespmem:$0xC100] =	vst v63  }
0x83: {  	v3 =	vld [tilespmem:$0xC090];
	_ =	sdelay $0x4  }
0x84: {  	v61 =	vshrl.u32 v3, $0x3  }
0x85: {  	v4 =	vmul.u32 $0x30, v61  }
0x86: {  	v3 =	vand.u32 $0x7, v3  }
0x87: {  	v3 =	vor.u32 v3, v4  }
0x88: {  	v4 =	vperm.xlane v3, v0;
	_ =	sdelay $0x1  }
0x89: {  	v4 =	vadd.s32 v1, v4;
	_ =	sdelay $0x3  }
0x8a: {  	v3 =	vperm.xlane v3, v2  }
0x8b: {  	[hbm4b:s3+s2] =	stream.indirect_vreg.scatter [tilespmem:s13], [sflag:$0x2], $0x80, v4, vm0, $0xb8;
	[tilespmem:$0xC100] =	vst v63  }
0x8c: {  	v3 =	vadd.s32 v1, v3  }
0x8d: {  	[hbm4b:s4+s2] =	stream.indirect_vreg.scatter [tilespmem:s14], [sflag:$0x2], $0x80, v4, vm0, $0xb8;
	[tilespmem:$0xC100] =	vst v63  }
0x8e: {  	_ = 	snop  }
0x8f: {  	[hbm4b:s5+s2] =	stream.indirect_vreg.scatter [tilespmem:s15], [sflag:$0x2], $0x80, v4, vm0, $0xb8;
	[tilespmem:$0xC100] =	vst v63  }
0x90: {  	_ = 	snop  }
0x91: {  	[hbm4b:s3+s2] =	stream.indirect_vreg.scatter [tilespmem:s16], [sflag:$0x2], $0x80, v3, vm0, $0xb8;
	[tilespmem:$0xC100] =	vst v63  }
0x92: {  	_ = 	snop  }
0x93: {  	[hbm4b:s4+s2] =	stream.indirect_vreg.scatter [tilespmem:s17], [sflag:$0x2], $0x80, v3, vm0, $0xb8;
	[tilespmem:$0xC100] =	vst v63  }
0x94: {  	_ = 	snop  }
0x95: {  	[hbm4b:s5+s2] =	stream.indirect_vreg.scatter [tilespmem:s18], [sflag:$0x2], $0x80, v3, vm0, $0xb8;
	[tilespmem:$0xC100] =	vst v63  }
0x96: {  	v3 =	vld [tilespmem:$0xC0A0];
	_ =	sdelay $0x4  }
0x97: {  	v62 =	vshrl.u32 v3, $0x3  }
0x98: {  	v4 =	vmul.u32 $0x30, v62  }
0x99: {  	v3 =	vand.u32 $0x7, v3  }
0x9a: {  	v3 =	vor.u32 v3, v4  }
0x9b: {  	v4 =	vperm.xlane v3, v0;
	_ =	sdelay $0x1  }
0x9c: {  	v4 =	vadd.s32 v1, v4;
	_ =	sdelay $0x3  }
0x9d: {  	v3 =	vperm.xlane v3, v2  }
0x9e: {  	[hbm4b:s3+s2] =	stream.indirect_vreg.scatter [tilespmem:s19], [sflag:$0x2], $0x80, v4, vm0, $0xb8;
	[tilespmem:$0xC100] =	vst v63  }
0x9f: {  	v3 =	vadd.s32 v1, v3  }
0xa0: {  	[hbm4b:s4+s2] =	stream.indirect_vreg.scatter [tilespmem:s20], [sflag:$0x2], $0x80, v4, vm0, $0xb8;
	[tilespmem:$0xC100] =	vst v63  }
0xa1: {  	_ = 	snop  }
0xa2: {  	[hbm4b:s5+s2] =	stream.indirect_vreg.scatter [tilespmem:s21], [sflag:$0x2], $0x80, v4, vm0, $0xb8;
	[tilespmem:$0xC100] =	vst v63  }
0xa3: {  	_ = 	snop  }
0xa4: {  	[hbm4b:s3+s2] =	stream.indirect_vreg.scatter [tilespmem:s22], [sflag:$0x2], $0x80, v3, vm0, $0xb8;
	[tilespmem:$0xC100] =	vst v63  }
0xa5: {  	_ = 	snop  }
0xa6: {  	[hbm4b:s4+s2] =	stream.indirect_vreg.scatter [tilespmem:s23], [sflag:$0x2], $0x80, v3, vm0, $0xb8;
	[tilespmem:$0xC100] =	vst v63  }
0xa7: {  	_ = 	snop  }
0xa8: {  	[hbm4b:s5+s2] =	stream.indirect_vreg.scatter [tilespmem:s24], [sflag:$0x2], $0x80, v3, vm0, $0xb8;
	[tilespmem:$0xC100] =	vst v63  }
0xa9: {  	v3 =	vld [tilespmem:$0xC0B0];
	_ =	sdelay $0x4  }
0xaa: {  	v63 =	vshrl.u32 v3, $0x3  }
0xab: {  	v4 =	vmul.u32 $0x30, v63  }
0xac: {  	v3 =	vand.u32 $0x7, v3  }
0xad: {  	v3 =	vor.u32 v3, v4  }
0xae: {  	v4 =	vperm.xlane v3, v0;
	_ =	sdelay $0x1  }
0xaf: {  	v4 =	vadd.s32 v1, v4;
	_ =	sdelay $0x3  }
0xb0: {  	v3 =	vperm.xlane v3, v2  }
0xb1: {  	[hbm4b:s3+s2] =	stream.indirect_vreg.scatter [tilespmem:s25], [sflag:$0x2], $0x80, v4, vm0, $0xb8;
	[tilespmem:$0xC100] =	vst v63  }
0xb2: {  	v3 =	vadd.s32 v1, v3  }
0xb3: {  	[hbm4b:s4+s2] =	stream.indirect_vreg.scatter [tilespmem:s26], [sflag:$0x2], $0x80, v4, vm0, $0xb8;
	[tilespmem:$0xC100] =	vst v63  }
0xb4: {  	_ = 	snop  }
0xb5: {  	[hbm4b:s5+s2] =	stream.indirect_vreg.scatter [tilespmem:s28], [sflag:$0x2], $0x80, v4, vm0, $0xb8;
	[tilespmem:$0xC100] =	vst v63  }
0xb6: {  	_ = 	snop  }
0xb7: {  	[hbm4b:s3+s2] =	stream.indirect_vreg.scatter [tilespmem:s29], [sflag:$0x2], $0x80, v3, vm0, $0xb8;
	[tilespmem:$0xC100] =	vst v63  }
0xb8: {  	_ = 	snop  }
0xb9: {  	[hbm4b:s4+s2] =	stream.indirect_vreg.scatter [tilespmem:s30], [sflag:$0x2], $0x80, v3, vm0, $0xb8;
	[tilespmem:$0xC100] =	vst v63  }
0xba: {  	_ = 	snop  }
0xbb: {  	[hbm4b:s5+s2] =	stream.indirect_vreg.scatter [tilespmem:s31], [sflag:$0x2], $0x80, v3, vm0, $0xb8;
	[tilespmem:$0xC100] =	vst v63  }
0xbc: {  	p0 =	sne.s32 s6, $0x1;
	_ =	swait.ge [sflag:s0], $0xC000  }
.Ltmp0:
0xbd: {  	[sflag:s0] =	ssyncset.done $0x0;
	(pc) =	sbr.rel @p0 .LBB2_1-.Ltmp0, $4  }
0xbe: {  	[sflag:s0] =	ssyncadd.s32 $0xFFFF4000  }
0xbf: {  	_ =	swait.ge [sflag:s1], $0xC000  }
0xc0: {  	[sflag:s1] =	ssyncset.done $0x0  }
0xc1: {  	s6 =	sadd.s32 $0xFFFFFFFF, s6;
	[sflag:s1] =	ssyncadd.s32 $0xFFFF4000  }
0xc2: {  	_ =	sfence.sel $0x180000  }
0xc3: {  	[bflag:$0x0] =	sbarrier.arrive $0xFFFF  }
0xc4: {  	_ =	strace $0x90000047  }
0xc5: {  	s0 =	stileid.u32;
	[bflag:$0x2] =	sbarrier.arrive $0xFFFF  }
0xc6: {  	p0 =	sne.s32 s0, $0x0;
	s0 =	rddreg [dreg:$0x2]  }
0xc7: {  	s0 =	sadd.s32 @!p0 $0x100000, s0  }
0xc8: {  	[sflag:s0] =	ssyncadd.tile.s32 @!p0 $0x1;
	_ =	shalt  }
.Lfunc_end2:
_tile_overlayer_lowered:
.L_overlay_start_2:
0xc9: {  	(tag) =	ssettag $0x2  }
0xca: {  	s0 =	rddreg [dreg:$0x0];
	s2 =	stileid.u32  }
0xcb: {  	s1 =	rddreg [dreg:$0x1];
	p0 =	sne.s32 s2, $0x0  }
0xcc: {  	s3 =	rddreg [dreg:$0x2];
	[bflag:$0x3] =	sbarrier.arrive $0xFFFF;
	s2 =	simm.s32 @!p0 $0x1C03  }
0xcd: {  	[timem:s3], [sflag:s2] =	dma.local @!p0 [hbm:s0], s1  }
0xce: {  	s0 =	simm.s32 @!p0 $0x3  }
0xcf: {  	_ =	swait.ge @!p0 [sflag:s0], s1  }
0xd0: {  	s1 =	ssub.s32 @!p0 $0x0, s1;
	[sflag:s0] =	ssyncset.done @!p0 $0x0  }
0xd1: {  	[sflag:s0] =	ssyncadd.s32 @!p0 s1  }
0xd2: {  	[bflag:$0x3] =	sbarrier.arrive $0xFFFF  }
0xd3: {  	_ =	shalt  }

// kernel: kernel.9.cloned.1.call-start
scs
__scs_entry_jumppad:
0x0: {  	(pc) =	sbr.rel $0x88, $3  }
0x1: {  	(tag) =	ssettag $0x0;
	lr =	simm.s32 $0x1  }
0x2: {  	[smem:$0x3F9B] =	sst lr;
	_ =	strace $0xD0000000  }
0x3: {  	_ = 	snop  }
0x4: {  	_ = 	snop  }
0x5: {  	_ = 	snop  }
0x6: {  	_ = 	snop  }
0x7: {  	_ = 	snop  }
__scs_overlays_trampoline_lowered:
0x8: {  	[smem:$0x3FAA] =	sst s0  }
0x9: {  	[smem:$0x3FAB] =	sst s1  }
0xa: {  	[smem:$0x3FAC] =	sst s2  }
0xb: {  	[smem:$0x3FAD] =	sst s3  }
0xc: {  	[smem:$0x3FAE] =	sst s4  }
0xd: {  	[smem:$0x3FAF] =	sst s5  }
0xe: {  	[smem:$0x3FB0] =	sst s6  }
0xf: {  	[smem:$0x3FB1] =	sst s7  }
0x10: {  	[smem:$0x3FB2] =	sst s8  }
0x11: {  	[smem:$0x3FB3] =	sst s9;
	s0 =	simm.s32 @!p0 $0x0  }
0x12: {  	s1 =	sld [smem:$0x3F99];
	s0 =	simm.s32 @p0 $0x1  }
0x13: {  	[smem:$0x3FB4] =	sst s0;
	s0 =	simm.s32 @!p1 $0x0  }
0x14: {  	s2 =	sld [smem:$0x3F98];
	s0 =	simm.s32 @p1 $0x1  }
0x15: {  	[smem:$0x3FB5] =	sst s0;
	s0 =	simm.s32 @!p2 $0x0  }
0x16: {  	s3 =	sld [smem:$0x3FDB];
	s0 =	simm.s32 @p2 $0x1  }
0x17: {  	s4 =	simm.s32 $0x1BF5;
	[smem:$0x3FB7] =	sst s0  }
0x18: {  	s0 =	sld [smem:$0x3F9A];
	_ =	swait.ge [sflag:s4], $0x0  }
0x19: {  	s7 =	sld [smem:$0x3F9B]  }
0x1a: {  	s8 =	sadd.s32 $0xFFFFE003, lr  }
0x1b: {  	s9 =	sadd.s32 $0xFFFFFEF7, lr;
	s5 =	simm.s32 $0xFFFFFFFF;
	p2 =	slt.u32 s8, $0xFFFFF086  }
0x1c: {  	p1 =	slt.u32 s9, $0xF7A;
	s5 =	simm.s32 @!p2 $0x0  }
0x1d: {  	s5 =	simm.s32 @p1 $0x1;
	p0 =	seq.s32 s7, s2  }
0x1e: {  	s7 =	smul.u32 @!p0 $0xF7A, s2;
	p2 =	seq.s32 @!p0 s5, $0x0  }
0x1f: {  	s9 =	smul.u32 $0xF7A, s1;
	s8 =	simm.s32 @!p0 $0x1BF5;
	p2 =	por !p2, p0  }
0x20: {  	[sflag:s8] =	ssyncset.s32 @!p0 $0xFFFFF086;
	s6 =	sadd.s32 @!p0 s3, s7;
	s7 =	simm.s32 @!p0 $0x108  }
0x21: {  	s3 =	sadd.s32 s3, s9;
	s6 =	sadd.s32 @!p0 $0x88, s6;
	s7 =	simm.s32 @p2 $0x1082  }
0x22: {  	[simem:s7], [sflag:s8] =	dma.local @!p0 [hbm:s6], $0xF7A  }
0x23: {  	s9 =	sor.u32 $0xD0000000, s2;
	s6 =	simm.s32 $0x108;
	_ =	swait.ge @!p0 [sflag:s8], $0x0  }
0x24: {  	s3 =	sadd.s32 $0x88, s3;
	s6 =	simm.s32 @!p1 $0x1082;
	[sflag:s4] =	ssyncset.s32 $0xFFFFF086  }
0x25: {  	[simem:s6], [sflag:s4] =	dma.local [hbm:s3], $0xF7A  }
0x26: {  	[smem:$0x3F9B] =	sst s1;
	(tag) =	ssettag s2;
	_ =	strace s9  }
0x27: {  	s1 =	sld [smem:$0x3FAB]  }
0x28: {  	s2 =	sld [smem:$0x3FAC]  }
0x29: {  	s4 =	sld [smem:$0x3FAE]  }
0x2a: {  	p0 =	seq.s32 s5, $0x0;
	s5 =	sld [smem:$0x3FAF]  }
0x2b: {  	s6 =	sld [smem:$0x3FB0]  }
0x2c: {  	s7 =	sld [smem:$0x3FB1]  }
0x2d: {  	s3 =	simm.s32 $0x108;
	s8 =	sld [smem:$0x3FB2]  }
0x2e: {  	s3 =	simm.s32 @!p0 $0x1082;
	s9 =	sld [smem:$0x3FB3]  }
0x2f: {  	lr =	sadd.s32 s0, s3;
	s0 =	sld [smem:$0x3FAA]  }
0x30: {  	s3 =	sld [smem:$0x3FAD]  }
0x31: {  	[smem:$0x3FB6] =	sst s10  }
0x32: {  	s10 =	sld [smem:$0x3FB4];
	_ =	sdelay $0x3  }
0x33: {  	p0 =	seq.s32 s10, $0x1;
	s10 =	sld [smem:$0x3FB6];
	_ =	sdelay $0x3  }
0x34: {  	[smem:$0x3FB6] =	sst s10  }
0x35: {  	s10 =	sld [smem:$0x3FB5];
	_ =	sdelay $0x3  }
0x36: {  	p1 =	seq.s32 s10, $0x1;
	s10 =	sld [smem:$0x3FB6];
	_ =	sdelay $0x3  }
0x37: {  	[smem:$0x3FB6] =	sst s10  }
0x38: {  	s10 =	sld [smem:$0x3FB7]  }
0x39: {  	_ = 	snop;
	(pc) =	sbr.ind lr, $3  }
0x3a: {  	_ = 	snop  }
0x3b: {  	_ = 	snop  }
0x3c: {  	p2 =	seq.s32 s10, $0x1;
	s10 =	sld [smem:$0x3FB6]  }
0x3d: {  	_ =	shalt  }
0x3e: {  	_ =	shalt  }
0x3f: {  	_ =	shalt  }
0x40: {  	_ =	shalt  }
0x41: {  	_ =	shalt  }
0x42: {  	_ =	shalt  }
0x43: {  	_ =	shalt  }
0x44: {  	_ =	shalt  }
0x45: {  	_ =	shalt  }
0x46: {  	_ =	shalt  }
0x47: {  	_ =	shalt  }
0x48: {  	_ =	shalt  }
0x49: {  	_ =	shalt  }
0x4a: {  	_ =	shalt  }
0x4b: {  	_ =	shalt  }
0x4c: {  	_ =	shalt  }
0x4d: {  	_ =	shalt  }
0x4e: {  	_ =	shalt  }
0x4f: {  	_ =	shalt  }
0x50: {  	_ =	shalt  }
0x51: {  	_ =	shalt  }
0x52: {  	_ =	shalt  }
0x53: {  	_ =	shalt  }
0x54: {  	_ =	shalt  }
0x55: {  	_ =	shalt  }
0x56: {  	_ =	shalt  }
0x57: {  	_ =	shalt  }
0x58: {  	_ =	shalt  }
0x59: {  	_ =	shalt  }
0x5a: {  	_ =	shalt  }
0x5b: {  	_ =	shalt  }
0x5c: {  	_ =	shalt  }
0x5d: {  	_ =	shalt  }
0x5e: {  	_ =	shalt  }
0x5f: {  	_ =	shalt  }
0x60: {  	_ =	shalt  }
0x61: {  	_ =	shalt  }
0x62: {  	_ =	shalt  }
0x63: {  	_ =	shalt  }
0x64: {  	_ =	shalt  }
0x65: {  	_ =	shalt  }
0x66: {  	_ =	shalt  }
0x67: {  	_ =	shalt  }
0x68: {  	_ =	shalt  }
0x69: {  	_ =	shalt  }
0x6a: {  	_ =	shalt  }
0x6b: {  	_ =	shalt  }
0x6c: {  	_ =	shalt  }
0x6d: {  	_ =	shalt  }
0x6e: {  	_ =	shalt  }
0x6f: {  	_ =	shalt  }
0x70: {  	_ =	shalt  }
0x71: {  	_ =	shalt  }
0x72: {  	_ =	shalt  }
0x73: {  	_ =	shalt  }
0x74: {  	_ =	shalt  }
0x75: {  	_ =	shalt  }
0x76: {  	_ =	shalt  }
0x77: {  	_ =	shalt  }
0x78: {  	_ =	shalt  }
0x79: {  	_ =	shalt  }
0x7a: {  	_ =	shalt  }
0x7b: {  	_ =	shalt  }
0x7c: {  	_ =	shalt  }
0x7d: {  	_ =	shalt  }
0x7e: {  	_ =	shalt  }
0x7f: {  	_ =	shalt  }
0x80: {  	_ =	shalt  }
0x81: {  	_ =	shalt  }
0x82: {  	_ =	shalt  }
0x83: {  	_ =	shalt  }
0x84: {  	_ =	shalt  }
0x85: {  	_ =	shalt  }
0x86: {  	_ =	shalt  }
0x87: {  	_ =	shalt  }
.Lfunc_end0:
.L_simem_size_0:
called_computation.1_lowered:
.L_overlay_start_0:
0x88: {  	s2 =	sld [smem:$0x3FD9]  }
0x89: {  	s3 =	sld [smem:$0x3FFE];
	_ =	sdelay $0x1  }
0x8a: {  	s1 =	srdreg.scid  }
0x8b: {  	s0 =	sand.u32 $0x1, s1  }
0x8c: {  	s17 =	sshll.u32 s0, $0xA;
	s2 =	sadd.s32 s3, s2  }
0x8d: {  	s2 =	sadd.s32 s2, s17  }
0x8e: {  	[smem:$0x3FC2] =	sst s2  }
0x8f: {  	_ = 	snop  }
0x90: {  	s2 =	sld [smem:$0x3FC8]  }
0x91: {  	s18 =	sld [smem:$0x3FD0];
	(tm) =	ssettm $0x1  }
0x92: {  	s4 =	sld [smem:$0x3FFB];
	_ =	sdelay $0x3  }
0x93: {  	_ =	strace s4  }
0x94: {  	s4 =	sld [smem:$0x3FFC];
	_ =	sdelay $0x3  }
0x95: {  	_ =	strace s4  }
0x96: {  	s4 =	sld [smem:$0x3FFD];
	_ =	sdelay $0x3  }
0x97: {  	_ =	strace s4  }
0x98: {  	_ =	strace $0x8FFFFFFF  }
0x99: {  	s19 =	sld [smem:$0x3FDB];
	_ =	sdelay $0x1  }
0x9a: {  	s5 =	simm.s32 $_scs_section_size  }
0x9b: {  	s6 =	simm.s32 $_size__tile_overlayer_lowered;
	s7 =	simm.s32 $_tile_overlayer_lowered  }
0x9c: {  	s22 =	simm.s32 $0x1BFF;
	s21 =	sshll.u32 s7, $0x1;
	s4 =	sadd.s32 s5, s19  }
0x9d: {  	s8 =	simm.s32 $0x0;
	s20 =	sshll.u32 s6, $0x1;
	s6 =	sadd.s32 s21, s4  }
0x9e: {  	[timem:s8], [sflag:s22] =	dma.local [hbm:s6], s20  }
0x9f: {  	_ =	swait.ge [sflag:s22], s20  }
0xa0: {  	s5 =	ssub.s32 $0x0, s20;
	[sflag:s22] =	ssyncset.done $0x0  }
0xa1: {  	[sflag:s22] =	ssyncadd.s32 s5;
	_ =	sdelay $0x1  }
0xa2: {  	s23 =	simm.s32 $0x1B8B  }
0xa3: {  	_ =	swait.ge [sflag:s23], $0x1  }
0xa4: {  	[sflag:s23] =	ssyncset.done $0x0  }
0xa5: {  	s25 =	simm.s32 $0x1B8E;
	s24 =	sld [smem:$0x3FFE];
	[sflag:s23] =	ssyncadd.s32 $0xFFFFFFFF  }
0xa6: {  	s26 =	simm.s32 $execute0_lowered;
	[smem:$0x3FD2] =	sst s25  }
0xa7: {  	s6 =	sshll.u32 s26, $0x1;
	_ =	strace $0x80000049;
	[dreg:$0x1] =	wrdreg $0xFFFFFFFF  }
0xa8: {  	s28 =	simm.s32 $_size_execute0_lowered;
	s4 =	sadd.s32 s4, s6;
	[dreg:$0x0] =	wrdreg $0x0  }
0xa9: {  	s6 =	sshll.u32 s28, $0x1;
	[dreg:$0x2] =	wrdreg s4  }
0xaa: {  	[dreg:$0x3] =	wrdreg s6  }
0xab: {  	[dreg:$0x4] =	wrdreg $0xC0  }
0xac: {  	_ =	task [dreg:s8], $0x5FFFF  }
0xad: {  	[dreg:$0x1] =	wrdreg $0xFFFFFFFF  }
0xae: {  	[dreg:$0x0] =	wrdreg $0x60  }
0xaf: {  	[dreg:$0x2] =	wrdreg s24  }
0xb0: {  	[dreg:$0x3] =	wrdreg s2  }
0xb1: {  	[dreg:$0x4] =	wrdreg s18  }
0xb2: {  	[dreg:$0x5] =	wrdreg $0x9  }
0xb3: {  	_ =	task.clear_ibuf [dreg:s8], $0x6FFFF;
	_ =	strace $0x90000049  }
0xb4: {  	s29 =	simm.s32 $0x9;
	_ =	strace $0x8000004B  }
0xb5: {  	_ =	swait.ge [sflag:s29], $0x1  }
0xb6: {  	[sflag:s29] =	ssyncadd.s32 $0xFFFFFFFF  }
0xb7: {  	_ =	strace $0x9000004B  }
0xb8: {  	_ =	sfence  }
0xb9: {  	s30 =	sld [smem:$0x0];
	_ =	sdelay $0x2  }
0xba: {  	s31 =	sshll.u32 s1, $0xD;
	s1 =	sshrl.u32 s1, $0x2  }
0xbb: {  	s3 =	sand.u32 $0x4000, s31;
	s1 =	sadd.s32 s1, s30  }
0xbc: {  	s0 =	sor.u32 s3, s0;
	s1 =	sshll.u32 s1, $0x11  }
0xbd: {  	s0 =	sor.u32 s1, s0  }
0xbe: {  	s0 =	sadd.s32 $0x8F2B, s0  }
0xbf: {  	[sflag:s0] =	ssyncadd.remote.s32 $0x1  }
0xc0: {  	_ =	sfence.sel $0xFFFF  }
0xc1: {  	[dreg:$0x0] =	wrdreg $0xFFFFFFFF;
	(pc) =	sbr.abs _section_cstart, $3  }
0xc2: {  	[dreg:$0x1] =	wrdreg $0xFFFFFFFF  }
0xc3: {  	_ =	task.clear_ibuf [dreg:s8], $0x2FFFF;
	_ =	strace $0x9FFFFFFF  }
0xc4: {  	(tm) =	ssettm $0x7FFFFFFF  }
0xc5: {  	_ =	shalt  }
tec
execute0_lowered:
.L_overlay_start_1:
0x0: {  	(tag) =	ssettag $0x1  }
0x1: {  	s0 =	rddreg [dreg:$0x0]  }
0x2: {  	s1 =	rddreg [dreg:$0x1]  }
0x3: {  	s10 =	rddreg [dreg:$0x2];
	s2 =	srdreg.scid  }
0x4: {  	s3 =	stileid.u32;
	s13 =	simm.s32 $0x3;
	s14 =	simm.s32 $0x13000  }
0x5: {  	s15 =	simm.s32 $0x13800;
	s16 =	simm.s32 $0x14000;
	s17 =	simm.s32 $0x14800  }
0x6: {  	s18 =	simm.s32 $0x15000;
	s19 =	simm.s32 $0x15800;
	s20 =	simm.s32 $0x16000  }
0x7: {  	s21 =	simm.s32 $0x16800;
	s22 =	simm.s32 $0x17000;
	s23 =	simm.s32 $0x17800  }
0x8: {  	s24 =	simm.s32 $0x1;
	s25 =	simm.s32 $0x2;
	s26 =	simm.s32 $0x0  }
0x9: {  	s4 =	sand.u32 $0x1, s2;
	s2 =	simm.s32 $0x0;
	s3 =	sshll.u32 s3, $0x7  }
0xa: {  	s8 =	sadd.s32 $0xC00, s0;
	s5 =	sshll.u32 s4, $0x6;
	[smem:$0x7FF] =	sst s2  }
0xb: {  	s4 =	ssub.s32 $0x2, s4;
	s6 =	sor.u32 s5, s3;
	_ =	strace $0x8000004A  }
0xc: {  	s3 =	sadd.s32 $0xE00, s0;
	s11 =	sshrl.u32 s4, $0x1;
	s7 =	sshll.u32 s6, $0x1  }
0xd: {  	s11 =	ssub.s32 s4, s11;
	s12 =	sshrl.u32 s6, $0x3;
	s9 =	sand.u32 $0xF00, s7  }
0xe: {  	s12 =	smul.u32 $0x300, s12;
	s9 =	sor.u32 s5, s9;
	s5 =	sor.u32 s5, s7  }
0xf: {  	s11 =	smax.u32 s11, $0x1;
	s30 =	sshrl.u32 s9, $0x3;
	s5 =	sshrl.u32 s5, $0x3  }
0x10: {  	v2 =	vlaneseq.u32;
	s9 =	sadd.s32 $0x1000, s0;
	s10 =	sadd.s32 s10, s12;
	s12 =	simm.s32 $0x12800  }
0x11: {  	vm0 =	vmmov $0xffff;
	v1 =	vshrl.u32 v2, $0x3;
	s4 =	sadd.s32 s8, s30;
	s31 =	sor.u32 $0x10, s5;
	s6 =	sadd.s32 s1, s30  }
0x12: {  	v0 =	vand.u32 $0x7, v2;
	v2 =	vor.u32 $0x8, v2;
	v1 =	vmul.u32 $0x8, v1;
	s5 =	sadd.s32 s8, s31;
	s7 =	sadd.s32 s1, s31;
	s8 =	sadd.s32 $0xF00, s0  }
.LBB2_1:
0x13: {  	s0 =	simm.s32 $0x18000  }
0x14: {  	[tilespmem:s0], [sflag:$0x3] =	stream.linear.gather [hbm4b:s4+s2], $0x40, $0x38;
	[tilespmem:$0x18200] =	vst v63  }
0x15: {  	_ =	swait.ge [sflag:s13], $0x40  }
0x16: {  	[sflag:s13] =	ssyncset.done $0x0  }
0x17: {  	s1 =	simm.s32 $0x18080;
	[sflag:s13] =	ssyncadd.s32 $0xFFFFFFC0  }
0x18: {  	[tilespmem:s1], [sflag:$0x3] =	stream.linear.gather [hbm4b:s5+s2], $0x40, $0x38;
	[tilespmem:$0x18200] =	vst v63  }
0x19: {  	_ =	swait.ge [sflag:s13], $0x40  }
0x1a: {  	[sflag:s13] =	ssyncset.done $0x0  }
0x1b: {  	s1 =	simm.s32 $0x18100;
	[sflag:s13] =	ssyncadd.s32 $0xFFFFFFC0  }
0x1c: {  	[tilespmem:s1], [sflag:$0x3] =	stream.linear.gather [hbm4b:s6+s2], $0x40, $0x38;
	[tilespmem:$0x18200] =	vst v63  }
0x1d: {  	_ =	swait.ge [sflag:s13], $0x40  }
0x1e: {  	[sflag:s13] =	ssyncset.done $0x0  }
0x1f: {  	s1 =	simm.s32 $0x18180;
	[sflag:s13] =	ssyncadd.s32 $0xFFFFFFC0  }
0x20: {  	[tilespmem:s1], [sflag:$0x3] =	stream.linear.gather [hbm4b:s7+s2], $0x40, $0x38;
	[tilespmem:$0x18200] =	vst v63  }
0x21: {  	_ =	swait.ge [sflag:s13], $0x40  }
0x22: {  	[sflag:s13] =	ssyncset.done $0x0  }
0x23: {  	[sflag:s13] =	ssyncadd.s32 $0xFFFFFFC0  }
0x24: {  	v3 =	vld [tilespmem:$0x18000];
	_ =	sdelay $0x4  }
0x25: {  	v4 =	vshrl.u32 v3, $0x3  }
0x26: {  	v4 =	vmul.u32 $0x30, v4  }
0x27: {  	v3 =	vand.u32 $0x7, v3  }
0x28: {  	v3 =	vor.u32 v3, v4  }
0x29: {  	v4 =	vperm.xlane v3, v0;
	_ =	sdelay $0x1  }
0x2a: {  	v4 =	vadd.s32 v1, v4;
	_ =	sdelay $0x3  }
0x2b: {  	v3 =	vperm.xlane v3, v2  }
0x2c: {  	[tilespmem:s2], [sflag:$0x1] =	stream.indirect_vreg.gather [hbm4b:s3+s2], $0x80, v4, vm0, $0xb8;
	[tilespmem:$0x18200] =	vst v63  }
0x2d: {  	s1 =	simm.s32 $0x800;
	v3 =	vadd.s32 v1, v3  }
0x2e: {  	[tilespmem:s1], [sflag:$0x1] =	stream.indirect_vreg.gather [hbm4b:s8+s2], $0x80, v4, vm0, $0xb8;
	[tilespmem:$0x18200] =	vst v63  }
0x2f: {  	s1 =	simm.s32 $0x1000  }
0x30: {  	[tilespmem:s1], [sflag:$0x1] =	stream.indirect_vreg.gather [hbm4b:s9+s2], $0x80, v4, vm0, $0xb8;
	[tilespmem:$0x18200] =	vst v63  }
0x31: {  	s1 =	simm.s32 $0x1800  }
0x32: {  	[tilespmem:s1], [sflag:$0x1] =	stream.indirect_vreg.gather [hbm4b:s3+s2], $0x80, v3, vm0, $0xb8;
	[tilespmem:$0x18200] =	vst v63  }
0x33: {  	s1 =	simm.s32 $0x2000  }
0x34: {  	[tilespmem:s1], [sflag:$0x1] =	stream.indirect_vreg.gather [hbm4b:s8+s2], $0x80, v3, vm0, $0xb8;
	[tilespmem:$0x18200] =	vst v63  }
0x35: {  	s1 =	simm.s32 $0x2800  }
0x36: {  	[tilespmem:s1], [sflag:$0x1] =	stream.indirect_vreg.gather [hbm4b:s9+s2], $0x80, v3, vm0, $0xb8;
	[tilespmem:$0x18200] =	vst v63  }
0x37: {  	v3 =	vld [tilespmem:$0x18010];
	_ =	sdelay $0x4  }
0x38: {  	v4 =	vshrl.u32 v3, $0x3  }
0x39: {  	v4 =	vmul.u32 $0x30, v4  }
0x3a: {  	v3 =	vand.u32 $0x7, v3  }
0x3b: {  	v3 =	vor.u32 v3, v4  }
0x3c: {  	v4 =	vperm.xlane v3, v0;
	_ =	sdelay $0x1  }
0x3d: {  	v4 =	vadd.s32 v1, v4;
	_ =	sdelay $0x3  }
0x3e: {  	s1 =	simm.s32 $0x3000;
	v3 =	vperm.xlane v3, v2  }
0x3f: {  	[tilespmem:s1], [sflag:$0x1] =	stream.indirect_vreg.gather [hbm4b:s3+s2], $0x80, v4, vm0, $0xb8;
	[tilespmem:$0x18200] =	vst v63  }
0x40: {  	v3 =	vadd.s32 v1, v3;
	s1 =	simm.s32 $0x3800  }
0x41: {  	[tilespmem:s1], [sflag:$0x1] =	stream.indirect_vreg.gather [hbm4b:s8+s2], $0x80, v4, vm0, $0xb8;
	[tilespmem:$0x18200] =	vst v63  }
0x42: {  	s1 =	simm.s32 $0x4000  }
0x43: {  	[tilespmem:s1], [sflag:$0x1] =	stream.indirect_vreg.gather [hbm4b:s9+s2], $0x80, v4, vm0, $0xb8;
	[tilespmem:$0x18200] =	vst v63  }
0x44: {  	s1 =	simm.s32 $0x4800  }
0x45: {  	[tilespmem:s1], [sflag:$0x1] =	stream.indirect_vreg.gather [hbm4b:s3+s2], $0x80, v3, vm0, $0xb8;
	[tilespmem:$0x18200] =	vst v63  }
0x46: {  	s1 =	simm.s32 $0x5000  }
0x47: {  	[tilespmem:s1], [sflag:$0x1] =	stream.indirect_vreg.gather [hbm4b:s8+s2], $0x80, v3, vm0, $0xb8;
	[tilespmem:$0x18200] =	vst v63  }
0x48: {  	s1 =	simm.s32 $0x5800  }
0x49: {  	[tilespmem:s1], [sflag:$0x1] =	stream.indirect_vreg.gather [hbm4b:s9+s2], $0x80, v3, vm0, $0xb8;
	[tilespmem:$0x18200] =	vst v63  }
0x4a: {  	v3 =	vld [tilespmem:$0x18020];
	_ =	sdelay $0x4  }
0x4b: {  	v4 =	vshrl.u32 v3, $0x3  }
0x4c: {  	v4 =	vmul.u32 $0x30, v4  }
0x4d: {  	v3 =	vand.u32 $0x7, v3  }
0x4e: {  	v3 =	vor.u32 v3, v4  }
0x4f: {  	v4 =	vperm.xlane v3, v0;
	_ =	sdelay $0x1  }
0x50: {  	v4 =	vadd.s32 v1, v4;
	_ =	sdelay $0x3  }
0x51: {  	s1 =	simm.s32 $0x6000;
	v3 =	vperm.xlane v3, v2  }
0x52: {  	[tilespmem:s1], [sflag:$0x1] =	stream.indirect_vreg.gather [hbm4b:s3+s2], $0x80, v4, vm0, $0xb8;
	[tilespmem:$0x18200] =	vst v63  }
0x53: {  	v3 =	vadd.s32 v1, v3;
	s1 =	simm.s32 $0x6800  }
0x54: {  	[tilespmem:s1], [sflag:$0x1] =	stream.indirect_vreg.gather [hbm4b:s8+s2], $0x80, v4, vm0, $0xb8;
	[tilespmem:$0x18200] =	vst v63  }
0x55: {  	s1 =	simm.s32 $0x7000  }
0x56: {  	[tilespmem:s1], [sflag:$0x1] =	stream.indirect_vreg.gather [hbm4b:s9+s2], $0x80, v4, vm0, $0xb8;
	[tilespmem:$0x18200] =	vst v63  }
0x57: {  	s1 =	simm.s32 $0x7800  }
0x58: {  	[tilespmem:s1], [sflag:$0x1] =	stream.indirect_vreg.gather [hbm4b:s3+s2], $0x80, v3, vm0, $0xb8;
	[tilespmem:$0x18200] =	vst v63  }
0x59: {  	s1 =	simm.s32 $0x8000  }
0x5a: {  	[tilespmem:s1], [sflag:$0x1] =	stream.indirect_vreg.gather [hbm4b:s8+s2], $0x80, v3, vm0, $0xb8;
	[tilespmem:$0x18200] =	vst v63  }
0x5b: {  	s1 =	simm.s32 $0x8800  }
0x5c: {  	[tilespmem:s1], [sflag:$0x1] =	stream.indirect_vreg.gather [hbm4b:s9+s2], $0x80, v3, vm0, $0xb8;
	[tilespmem:$0x18200] =	vst v63  }
0x5d: {  	v3 =	vld [tilespmem:$0x18030];
	_ =	sdelay $0x4  }
0x5e: {  	v4 =	vshrl.u32 v3, $0x3  }
0x5f: {  	v4 =	vmul.u32 $0x30, v4  }
0x60: {  	v3 =	vand.u32 $0x7, v3  }
0x61: {  	v3 =	vor.u32 v3, v4  }
0x62: {  	v4 =	vperm.xlane v3, v0;
	_ =	sdelay $0x1  }
0x63: {  	v4 =	vadd.s32 v1, v4;
	_ =	sdelay $0x3  }
0x64: {  	s1 =	simm.s32 $0x9000;
	v3 =	vperm.xlane v3, v2  }
0x65: {  	[tilespmem:s1], [sflag:$0x1] =	stream.indirect_vreg.gather [hbm4b:s3+s2], $0x80, v4, vm0, $0xb8;
	[tilespmem:$0x18200] =	vst v63  }
0x66: {  	v3 =	vadd.s32 v1, v3;
	s1 =	simm.s32 $0x9800  }
0x67: {  	[tilespmem:s1], [sflag:$0x1] =	stream.indirect_vreg.gather [hbm4b:s8+s2], $0x80, v4, vm0, $0xb8;
	[tilespmem:$0x18200] =	vst v63  }
0x68: {  	s1 =	simm.s32 $0xA000  }
0x69: {  	[tilespmem:s1], [sflag:$0x1] =	stream.indirect_vreg.gather [hbm4b:s9+s2], $0x80, v4, vm0, $0xb8;
	[tilespmem:$0x18200] =	vst v63  }
0x6a: {  	s1 =	simm.s32 $0xA800  }
0x6b: {  	[tilespmem:s1], [sflag:$0x1] =	stream.indirect_vreg.gather [hbm4b:s3+s2], $0x80, v3, vm0, $0xb8;
	[tilespmem:$0x18200] =	vst v63  }
0x6c: {  	s1 =	simm.s32 $0xB000  }
0x6d: {  	[tilespmem:s1], [sflag:$0x1] =	stream.indirect_vreg.gather [hbm4b:s8+s2], $0x80, v3, vm0, $0xb8;
	[tilespmem:$0x18200] =	vst v63  }
0x6e: {  	s1 =	simm.s32 $0xB800  }
0x6f: {  	[tilespmem:s1], [sflag:$0x1] =	stream.indirect_vreg.gather [hbm4b:s9+s2], $0x80, v3, vm0, $0xb8;
	[tilespmem:$0x18200] =	vst v63  }
0x70: {  	v3 =	vld [tilespmem:$0x18080];
	_ =	sdelay $0x4  }
0x71: {  	v4 =	vshrl.u32 v3, $0x3  }
0x72: {  	v4 =	vmul.u32 $0x30, v4  }
0x73: {  	v3 =	vand.u32 $0x7, v3  }
0x74: {  	v3 =	vor.u32 v3, v4  }
0x75: {  	v4 =	vperm.xlane v3, v0;
	_ =	sdelay $0x1  }
0x76: {  	v4 =	vadd.s32 v1, v4;
	_ =	sdelay $0x3  }
0x77: {  	s1 =	simm.s32 $0xC000;
	v3 =	vperm.xlane v3, v2  }
0x78: {  	[tilespmem:s1], [sflag:$0x2] =	stream.indirect_vreg.gather [hbm4b:s3+s2], $0x80, v4, vm0, $0xb8;
	[tilespmem:$0x18200] =	vst v63  }
0x79: {  	v3 =	vadd.s32 v1, v3;
	s1 =	simm.s32 $0xC800  }
0x7a: {  	[tilespmem:s1], [sflag:$0x2] =	stream.indirect_vreg.gather [hbm4b:s8+s2], $0x80, v4, vm0, $0xb8;
	[tilespmem:$0x18200] =	vst v63  }
0x7b: {  	s1 =	simm.s32 $0xD000  }
0x7c: {  	[tilespmem:s1], [sflag:$0x2] =	stream.indirect_vreg.gather [hbm4b:s9+s2], $0x80, v4, vm0, $0xb8;
	[tilespmem:$0x18200] =	vst v63  }
0x7d: {  	s1 =	simm.s32 $0xD800  }
0x7e: {  	[tilespmem:s1], [sflag:$0x2] =	stream.indirect_vreg.gather [hbm4b:s3+s2], $0x80, v3, vm0, $0xb8;
	[tilespmem:$0x18200] =	vst v63  }
0x7f: {  	s1 =	simm.s32 $0xE000  }
0x80: {  	[tilespmem:s1], [sflag:$0x2] =	stream.indirect_vreg.gather [hbm4b:s8+s2], $0x80, v3, vm0, $0xb8;
	[tilespmem:$0x18200] =	vst v63  }
0x81: {  	s1 =	simm.s32 $0xE800  }
0x82: {  	[tilespmem:s1], [sflag:$0x2] =	stream.indirect_vreg.gather [hbm4b:s9+s2], $0x80, v3, vm0, $0xb8;
	[tilespmem:$0x18200] =	vst v63  }
0x83: {  	v3 =	vld [tilespmem:$0x18090];
	_ =	sdelay $0x4  }
0x84: {  	v4 =	vshrl.u32 v3, $0x3  }
0x85: {  	v4 =	vmul.u32 $0x30, v4  }
0x86: {  	v3 =	vand.u32 $0x7, v3  }
0x87: {  	v3 =	vor.u32 v3, v4  }
0x88: {  	v4 =	vperm.xlane v3, v0;
	_ =	sdelay $0x1  }
0x89: {  	v4 =	vadd.s32 v1, v4;
	_ =	sdelay $0x3  }
0x8a: {  	s1 =	simm.s32 $0xF000;
	v3 =	vperm.xlane v3, v2  }
0x8b: {  	[tilespmem:s1], [sflag:$0x2] =	stream.indirect_vreg.gather [hbm4b:s3+s2], $0x80, v4, vm0, $0xb8;
	[tilespmem:$0x18200] =	vst v63  }
0x8c: {  	v3 =	vadd.s32 v1, v3;
	s1 =	simm.s32 $0xF800  }
0x8d: {  	[tilespmem:s1], [sflag:$0x2] =	stream.indirect_vreg.gather [hbm4b:s8+s2], $0x80, v4, vm0, $0xb8;
	[tilespmem:$0x18200] =	vst v63  }
0x8e: {  	s1 =	simm.s32 $0x10000  }
0x8f: {  	[tilespmem:s1], [sflag:$0x2] =	stream.indirect_vreg.gather [hbm4b:s9+s2], $0x80, v4, vm0, $0xb8;
	[tilespmem:$0x18200] =	vst v63  }
0x90: {  	s1 =	simm.s32 $0x10800  }
0x91: {  	[tilespmem:s1], [sflag:$0x2] =	stream.indirect_vreg.gather [hbm4b:s3+s2], $0x80, v3, vm0, $0xb8;
	[tilespmem:$0x18200] =	vst v63  }
0x92: {  	s1 =	simm.s32 $0x11000  }
0x93: {  	[tilespmem:s1], [sflag:$0x2] =	stream.indirect_vreg.gather [hbm4b:s8+s2], $0x80, v3, vm0, $0xb8;
	[tilespmem:$0x18200] =	vst v63  }
0x94: {  	s1 =	simm.s32 $0x11800  }
0x95: {  	[tilespmem:s1], [sflag:$0x2] =	stream.indirect_vreg.gather [hbm4b:s9+s2], $0x80, v3, vm0, $0xb8;
	[tilespmem:$0x18200] =	vst v63  }
0x96: {  	v3 =	vld [tilespmem:$0x180A0];
	_ =	sdelay $0x4  }
0x97: {  	v4 =	vshrl.u32 v3, $0x3  }
0x98: {  	v4 =	vmul.u32 $0x30, v4  }
0x99: {  	v3 =	vand.u32 $0x7, v3  }
0x9a: {  	v3 =	vor.u32 v3, v4  }
0x9b: {  	v4 =	vperm.xlane v3, v0;
	_ =	sdelay $0x1  }
0x9c: {  	v4 =	vadd.s32 v1, v4;
	_ =	sdelay $0x3  }
0x9d: {  	s1 =	simm.s32 $0x12000;
	v3 =	vperm.xlane v3, v2  }
0x9e: {  	[tilespmem:s1], [sflag:$0x2] =	stream.indirect_vreg.gather [hbm4b:s3+s2], $0x80, v4, vm0, $0xb8;
	[tilespmem:$0x18200] =	vst v63  }
0x9f: {  	v3 =	vadd.s32 v1, v3  }
0xa0: {  	[tilespmem:s12], [sflag:$0x2] =	stream.indirect_vreg.gather [hbm4b:s8+s2], $0x80, v4, vm0, $0xb8;
	[tilespmem:$0x18200] =	vst v63  }
0xa1: {  	_ = 	snop  }
0xa2: {  	[tilespmem:s14], [sflag:$0x2] =	stream.indirect_vreg.gather [hbm4b:s9+s2], $0x80, v4, vm0, $0xb8;
	[tilespmem:$0x18200] =	vst v63  }
0xa3: {  	_ = 	snop  }
0xa4: {  	[tilespmem:s15], [sflag:$0x2] =	stream.indirect_vreg.gather [hbm4b:s3+s2], $0x80, v3, vm0, $0xb8;
	[tilespmem:$0x18200] =	vst v63  }
0xa5: {  	_ = 	snop  }
0xa6: {  	[tilespmem:s16], [sflag:$0x2] =	stream.indirect_vreg.gather [hbm4b:s8+s2], $0x80, v3, vm0, $0xb8;
	[tilespmem:$0x18200] =	vst v63  }
0xa7: {  	_ = 	snop  }
0xa8: {  	[tilespmem:s17], [sflag:$0x2] =	stream.indirect_vreg.gather [hbm4b:s9+s2], $0x80, v3, vm0, $0xb8;
	[tilespmem:$0x18200] =	vst v63  }
0xa9: {  	v3 =	vld [tilespmem:$0x180B0];
	_ =	sdelay $0x4  }
0xaa: {  	v4 =	vshrl.u32 v3, $0x3  }
0xab: {  	v4 =	vmul.u32 $0x30, v4  }
0xac: {  	v3 =	vand.u32 $0x7, v3  }
0xad: {  	v3 =	vor.u32 v3, v4  }
0xae: {  	v4 =	vperm.xlane v3, v0;
	_ =	sdelay $0x1  }
0xaf: {  	v4 =	vadd.s32 v1, v4;
	_ =	sdelay $0x3  }
0xb0: {  	v3 =	vperm.xlane v3, v2  }
0xb1: {  	[tilespmem:s18], [sflag:$0x2] =	stream.indirect_vreg.gather [hbm4b:s3+s2], $0x80, v4, vm0, $0xb8;
	[tilespmem:$0x18200] =	vst v63  }
0xb2: {  	v3 =	vadd.s32 v1, v3  }
0xb3: {  	[tilespmem:s19], [sflag:$0x2] =	stream.indirect_vreg.gather [hbm4b:s8+s2], $0x80, v4, vm0, $0xb8;
	[tilespmem:$0x18200] =	vst v63  }
0xb4: {  	_ = 	snop  }
0xb5: {  	[tilespmem:s20], [sflag:$0x2] =	stream.indirect_vreg.gather [hbm4b:s9+s2], $0x80, v4, vm0, $0xb8;
	[tilespmem:$0x18200] =	vst v63  }
0xb6: {  	_ = 	snop  }
0xb7: {  	[tilespmem:s21], [sflag:$0x2] =	stream.indirect_vreg.gather [hbm4b:s3+s2], $0x80, v3, vm0, $0xb8;
	[tilespmem:$0x18200] =	vst v63  }
0xb8: {  	_ = 	snop  }
0xb9: {  	[tilespmem:s22], [sflag:$0x2] =	stream.indirect_vreg.gather [hbm4b:s8+s2], $0x80, v3, vm0, $0xb8;
	[tilespmem:$0x18200] =	vst v63  }
0xba: {  	_ = 	snop  }
0xbb: {  	[tilespmem:s23], [sflag:$0x2] =	stream.indirect_vreg.gather [hbm4b:s9+s2], $0x80, v3, vm0, $0xb8;
	[tilespmem:$0x18200] =	vst v63  }
0xbc: {  	_ =	swait.ge [sflag:s24], $0xC000  }
0xbd: {  	[sflag:s24] =	ssyncset.done $0x0  }
0xbe: {  	s1 =	simm.s32 $0x0;
	[sflag:s24] =	ssyncadd.s32 $0xFFFF4000  }
0xbf: {  	s0 =	smul.u32 $0x1800, s1;
	_ =	swait.ge [sflag:s25], $0xC000  }
0xc0: {  	s28 =	sand.u32 $0x380, s2;
	[sflag:s25] =	ssyncset.done $0x0  }
0xc1: {  	s28 =	sor.u32 s28, s0;
	[sflag:s25] =	ssyncadd.s32 $0xFFFF4000  }
0xc2: {  	v3 =	vld [tilespmem:s28+$0xC000]  }
0xc3: {  	v4 =	vld [tilespmem:s28+$0x10]  }
0xc4: {  	v5 =	vld [tilespmem:s28+$0xC010]  }
0xc5: {  	v6 =	vld [tilespmem:s28+$0x20]  }
0xc6: {  	v7 =	vld [tilespmem:s28+$0xC020]  }
0xc7: {  	v8 =	vld [tilespmem:s28+$0x30]  }
0xc8: {  	v9 =	vld [tilespmem:s28+$0xC030]  }
0xc9: {  	v10 =	vld [tilespmem:s28+$0x40]  }
0xca: {  	v11 =	vld [tilespmem:s28+$0xC040]  }
0xcb: {  	v12 =	vld [tilespmem:s28+$0x50]  }
0xcc: {  	v13 =	vld [tilespmem:s28+$0x60]  }
0xcd: {  	v14 =	vld [tilespmem:s28+$0x70]  }
0xce: {  	v15 =	vld [tilespmem:s28+$0x400]  }
0xcf: {  	v16 =	vld [tilespmem:s28+$0x410]  }
0xd0: {  	v17 =	vld [tilespmem:s28+$0x420]  }
0xd1: {  	v18 =	vld [tilespmem:s28+$0x430]  }
0xd2: {  	v19 =	vld [tilespmem:s28+$0x440]  }
0xd3: {  	v20 =	vld [tilespmem:s28+$0x450]  }
0xd4: {  	v21 =	vld [tilespmem:s28+$0x460]  }
0xd5: {  	v22 =	vld [tilespmem:s28+$0x470]  }
0xd6: {  	v23 =	vld [tilespmem:s28+$0x800]  }
0xd7: {  	v24 =	vld [tilespmem:s28+$0x810]  }
0xd8: {  	v25 =	vld [tilespmem:s28+$0x820]  }
0xd9: {  	v26 =	vld [tilespmem:s28+$0x830]  }
0xda: {  	v27 =	vld [tilespmem:s28+$0x840]  }
0xdb: {  	v28 =	vld [tilespmem:s28+$0x850]  }
0xdc: {  	v29 =	vld [tilespmem:s28+$0x860]  }
0xdd: {  	v30 =	vld [tilespmem:s28+$0x870]  }
0xde: {  	v31 =	vld [tilespmem:s28+$0xC00]  }
0xdf: {  	v32 =	vld [tilespmem:s28+$0xC10]  }
0xe0: {  	v35 =	vld [tilespmem:s28+$0xC20]  }
0xe1: {  	v36 =	vld [tilespmem:s28+$0xC30]  }
0xe2: {  	v37 =	vld [tilespmem:s28+$0xC40]  }
0xe3: {  	v38 =	vld [tilespmem:s28+$0xC50]  }
0xe4: {  	v39 =	vld [tilespmem:s28+$0xC60]  }
0xe5: {  	v40 =	vld [tilespmem:s28+$0xC70]  }
0xe6: {  	v41 =	vld [tilespmem:s28+$0x1000]  }
0xe7: {  	v42 =	vld [tilespmem:s28+$0x1010]  }
0xe8: {  	v43 =	vld [tilespmem:s28+$0x1020]  }
0xe9: {  	v44 =	vld [tilespmem:s28+$0x1030]  }
0xea: {  	v45 =	vld [tilespmem:s28+$0x1040]  }
0xeb: {  	v46 =	vld [tilespmem:s28+$0x1050]  }
0xec: {  	v47 =	vld [tilespmem:s28+$0x1060]  }
0xed: {  	v48 =	vld [tilespmem:s28+$0x1070]  }
0xee: {  	v49 =	vld [tilespmem:s28+$0x1400]  }
0xef: {  	s30 =	simm.s32 $0x1;
	v50 =	vld [tilespmem:s28+$0x1410]  }
0xf0: {  	s29 =	simm.s32 $0x0;
	s31 =	simm.s32 $0x0;
	s0 =	sand.u32 $0x30, s2;
	v51 =	vld [tilespmem:s28+$0xD420]  }
.LBB2_2:
0xf1: {  	p0 =	sne.s32 s30, $0x3F;
	v33 =	vld [tilespmem:s0+$0x18100]  }
0xf2: {  	v34 =	vld [tilespmem:s0+$0x18180]  }
0xf3: {  	v52 =	vld [tilespmem:s28+$0xD430]  }
0xf4: {  	v53 =	vld [tilespmem:s28+$0x1430]  }
0xf5: {  	s0 =	sand.u32 $0xF, s29;
	s29 =	smov.u32 s30;
	v54 =	vld [tilespmem:s28+$0x1420]  }
0xf6: {  	v55 =	vmov s0;
	v56 =	vld [tilespmem:s28+$0xD410]  }
0xf7: {  	v33 =	vperm.xlane v33, v55;
	v34 =	vperm.xlane v34, v55;
	v55 =	vld [tilespmem:s28+$0xD400]  }
0xf8: {  	v57 =	vld [tilespmem:s28+$0xD070]  }
0xf9: {  	v58 =	vld [tilespmem:s28+$0xD060];
	v53 =	vmul.f32 v53, v33;
	v52 =	vmul.f32 v52, v34  }
0xfa: {  	v51 =	vmul.f32 v51, v34;
	v59 =	vld [tilespmem:s28+$0xD050];
	v54 =	vmul.f32 v54, v33  }
0xfb: {  	v50 =	vmul.f32 v50, v33;
	v60 =	vld [tilespmem:s28+$0xD040];
	v56 =	vmul.f32 v56, v34;
	v52 =	vadd.f32 v52, v53  }
0xfc: {  	v49 =	vmul.f32 v49, v33;
	v53 =	vld [tilespmem:s28+$0xD030];
	v55 =	vmul.f32 v55, v34;
	v51 =	vadd.f32 v51, v54  }
0xfd: {  	v48 =	vmul.f32 v48, v33;
	v54 =	vld [tilespmem:s28+$0xD020];
	v57 =	vmul.f32 v57, v34;
	v50 =	vadd.f32 v56, v50;
	[tilespmem:s28+$0x1430] =	vst v52  }
0xfe: {  	v47 =	vmul.f32 v47, v33;
	v52 =	vld [tilespmem:s28+$0xD010];
	v56 =	vmul.f32 v58, v34;
	v49 =	vadd.f32 v55, v49;
	[tilespmem:s28+$0x1420] =	vst v51  }
0xff: {  	v46 =	vmul.f32 v46, v33;
	v51 =	vld [tilespmem:s28+$0xD000];
	v55 =	vmul.f32 v59, v34;
	v48 =	vadd.f32 v57, v48;
	[tilespmem:s28+$0x1410] =	vst v50  }
0x100: {  	v45 =	vmul.f32 v45, v33;
	v50 =	vld [tilespmem:s28+$0xCC70];
	v57 =	vmul.f32 v60, v34;
	v47 =	vadd.f32 v56, v47;
	[tilespmem:s28+$0x1400] =	vst v49  }
0x101: {  	v44 =	vmul.f32 v44, v33;
	v49 =	vld [tilespmem:s28+$0xCC60];
	v53 =	vmul.f32 v53, v34;
	v46 =	vadd.f32 v55, v46;
	[tilespmem:s28+$0x1070] =	vst v48  }
0x102: {  	v43 =	vmul.f32 v43, v33;
	v48 =	vld [tilespmem:s28+$0xCC50];
	v54 =	vmul.f32 v54, v34;
	v45 =	vadd.f32 v57, v45;
	[tilespmem:s28+$0x1060] =	vst v47  }
0x103: {  	v42 =	vmul.f32 v42, v33;
	v47 =	vld [tilespmem:s28+$0xCC40];
	v52 =	vmul.f32 v52, v34;
	v44 =	vadd.f32 v53, v44;
	[tilespmem:s28+$0x1050] =	vst v46  }
0x104: {  	v41 =	vmul.f32 v41, v33;
	v46 =	vld [tilespmem:s28+$0xCC30];
	v51 =	vmul.f32 v51, v34;
	v43 =	vadd.f32 v54, v43;
	[tilespmem:s28+$0x1040] =	vst v45  }
0x105: {  	v40 =	vmul.f32 v40, v33;
	v45 =	vld [tilespmem:s28+$0xCC20];
	v50 =	vmul.f32 v50, v34;
	v42 =	vadd.f32 v52, v42;
	[tilespmem:s28+$0x1030] =	vst v44  }
0x106: {  	v39 =	vmul.f32 v39, v33;
	v44 =	vld [tilespmem:s28+$0xCC10];
	v49 =	vmul.f32 v49, v34;
	v41 =	vadd.f32 v51, v41;
	[tilespmem:s28+$0x1020] =	vst v43  }
0x107: {  	v38 =	vmul.f32 v38, v33;
	v43 =	vld [tilespmem:s28+$0xCC00];
	v48 =	vmul.f32 v48, v34;
	v40 =	vadd.f32 v50, v40;
	[tilespmem:s28+$0x1010] =	vst v42  }
0x108: {  	v37 =	vmul.f32 v37, v33;
	v42 =	vld [tilespmem:s28+$0xC870];
	v47 =	vmul.f32 v47, v34;
	v39 =	vadd.f32 v49, v39;
	[tilespmem:s28+$0x1000] =	vst v41  }
0x109: {  	v36 =	vmul.f32 v36, v33;
	v41 =	vld [tilespmem:s28+$0xC860];
	v46 =	vmul.f32 v46, v34;
	v38 =	vadd.f32 v48, v38;
	[tilespmem:s28+$0xC70] =	vst v40  }
0x10a: {  	v35 =	vmul.f32 v35, v33;
	v40 =	vld [tilespmem:s28+$0xC850];
	v45 =	vmul.f32 v45, v34;
	v37 =	vadd.f32 v47, v37;
	[tilespmem:s28+$0xC60] =	vst v39  }
0x10b: {  	v32 =	vmul.f32 v32, v33;
	v39 =	vld [tilespmem:s28+$0xC840];
	v44 =	vmul.f32 v44, v34;
	v36 =	vadd.f32 v46, v36;
	[tilespmem:s28+$0xC50] =	vst v38  }
0x10c: {  	v31 =	vmul.f32 v31, v33;
	v38 =	vld [tilespmem:s28+$0xC830];
	v43 =	vmul.f32 v43, v34;
	v35 =	vadd.f32 v45, v35;
	[tilespmem:s28+$0xC40] =	vst v37  }
0x10d: {  	v30 =	vmul.f32 v30, v33;
	v37 =	vld [tilespmem:s28+$0xC820];
	v42 =	vmul.f32 v42, v34;
	v32 =	vadd.f32 v44, v32;
	[tilespmem:s28+$0xC30] =	vst v36  }
0x10e: {  	v29 =	vmul.f32 v29, v33;
	v36 =	vld [tilespmem:s28+$0xC810];
	v41 =	vmul.f32 v41, v34;
	v31 =	vadd.f32 v43, v31;
	[tilespmem:s28+$0xC20] =	vst v35  }
0x10f: {  	v28 =	vmul.f32 v28, v33;
	v35 =	vld [tilespmem:s28+$0xC800];
	v40 =	vmul.f32 v40, v34;
	v30 =	vadd.f32 v42, v30;
	[tilespmem:s28+$0xC10] =	vst v32  }
0x110: {  	v27 =	vmul.f32 v27, v33;
	v32 =	vld [tilespmem:s28+$0xC470];
	v39 =	vmul.f32 v39, v34;
	v29 =	vadd.f32 v41, v29;
	[tilespmem:s28+$0xC00] =	vst v31  }
0x111: {  	v26 =	vmul.f32 v26, v33;
	v31 =	vld [tilespmem:s28+$0xC460];
	v38 =	vmul.f32 v38, v34;
	v28 =	vadd.f32 v40, v28;
	[tilespmem:s28+$0x870] =	vst v30  }
0x112: {  	v25 =	vmul.f32 v25, v33;
	v30 =	vld [tilespmem:s28+$0xC450];
	v37 =	vmul.f32 v37, v34;
	v27 =	vadd.f32 v39, v27;
	[tilespmem:s28+$0x860] =	vst v29  }
0x113: {  	v24 =	vmul.f32 v24, v33;
	v29 =	vld [tilespmem:s28+$0xC440];
	v36 =	vmul.f32 v36, v34;
	v26 =	vadd.f32 v38, v26;
	[tilespmem:s28+$0x850] =	vst v28  }
0x114: {  	v23 =	vmul.f32 v23, v33;
	v28 =	vld [tilespmem:s28+$0xC430];
	v35 =	vmul.f32 v35, v34;
	v25 =	vadd.f32 v37, v25;
	[tilespmem:s28+$0x840] =	vst v27  }
0x115: {  	v22 =	vmul.f32 v22, v33;
	v27 =	vld [tilespmem:s28+$0xC420];
	v32 =	vmul.f32 v32, v34;
	v24 =	vadd.f32 v36, v24;
	[tilespmem:s28+$0x830] =	vst v26  }
0x116: {  	v21 =	vmul.f32 v21, v33;
	v26 =	vld [tilespmem:s28+$0xC410];
	v31 =	vmul.f32 v31, v34;
	v23 =	vadd.f32 v35, v23;
	[tilespmem:s28+$0x820] =	vst v25  }
0x117: {  	v20 =	vmul.f32 v20, v33;
	v25 =	vld [tilespmem:s28+$0xC400];
	v30 =	vmul.f32 v30, v34;
	v22 =	vadd.f32 v32, v22;
	[tilespmem:s28+$0x810] =	vst v24  }
0x118: {  	v19 =	vmul.f32 v19, v33;
	v24 =	vld [tilespmem:s28+$0xC070];
	v29 =	vmul.f32 v29, v34;
	v21 =	vadd.f32 v31, v21;
	[tilespmem:s28+$0x800] =	vst v23  }
0x119: {  	v18 =	vmul.f32 v18, v33;
	v23 =	vld [tilespmem:s28+$0xC060];
	v28 =	vmul.f32 v28, v34;
	v20 =	vadd.f32 v30, v20;
	[tilespmem:s28+$0x470] =	vst v22  }
0x11a: {  	v17 =	vmul.f32 v17, v33;
	v22 =	vld [tilespmem:s28+$0xC050];
	v27 =	vmul.f32 v27, v34;
	v19 =	vadd.f32 v29, v19;
	[tilespmem:s28+$0x460] =	vst v21  }
0x11b: {  	v16 =	vmul.f32 v16, v33;
	v21 =	vmul.f32 v26, v34;
	v18 =	vadd.f32 v28, v18;
	[tilespmem:s28+$0x450] =	vst v20;
	v20 =	vld [tilespmem:s28+$0xD440]  }
0x11c: {  	v15 =	vmul.f32 v15, v33;
	v25 =	vmul.f32 v25, v34;
	v17 =	vadd.f32 v27, v17;
	[tilespmem:s28+$0x440] =	vst v19;
	v19 =	vld [tilespmem:s28+$0xD450]  }
0x11d: {  	v14 =	vmul.f32 v14, v33;
	v24 =	vmul.f32 v24, v34;
	v16 =	vadd.f32 v21, v16;
	[tilespmem:s28+$0x430] =	vst v18;
	v18 =	vld [tilespmem:s28+$0xD460]  }
0x11e: {  	v13 =	vmul.f32 v13, v33;
	v21 =	vmul.f32 v23, v34;
	v15 =	vadd.f32 v25, v15;
	[tilespmem:s28+$0x420] =	vst v17;
	v17 =	vld [tilespmem:s28+$0xD470]  }
0x11f: {  	v12 =	vmul.f32 v12, v33;
	v22 =	vmul.f32 v22, v34;
	v14 =	vadd.f32 v24, v14;
	[tilespmem:s28+$0x410] =	vst v16;
	v16 =	vld [tilespmem:s28+$0x1440]  }
0x120: {  	v10 =	vmul.f32 v10, v33;
	v11 =	vmul.f32 v11, v34;
	v13 =	vadd.f32 v21, v13;
	[tilespmem:s28+$0x400] =	vst v15;
	v15 =	vld [tilespmem:s28+$0x1450]  }
0x121: {  	v8 =	vmul.f32 v8, v33;
	v9 =	vmul.f32 v9, v34;
	v12 =	vadd.f32 v22, v12;
	[tilespmem:s28+$0x70] =	vst v14;
	v14 =	vld [tilespmem:s28+$0x1460]  }
0x122: {  	v6 =	vmul.f32 v6, v33;
	v7 =	vmul.f32 v7, v34;
	v10 =	vadd.f32 v11, v10;
	[tilespmem:s28+$0x60] =	vst v13;
	v11 =	vld [tilespmem:s28+$0x1470]  }
0x123: {  	s0 =	sshrl.u32 s30, $0x3;
	v4 =	vmul.f32 v4, v33;
	v5 =	vmul.f32 v5, v34;
	v8 =	vadd.f32 v9, v8;
	v13 =	vld [tilespmem:s28+$0x0];
	[tilespmem:s28+$0x50] =	vst v12  }
0x124: {  	s31 =	sadd.s32 $0x80, s31;
	s0 =	smul.u32 $0x1800, s0;
	v6 =	vadd.f32 v7, v6;
	v9 =	vmul.f32 v20, v34;
	[tilespmem:s28+$0x40] =	vst v10;
	v7 =	vmul.f32 v16, v33  }
0x125: {  	s1 =	sand.u32 $0x380, s31;
	v4 =	vadd.f32 v5, v4;
	[tilespmem:s28+$0x30] =	vst v8;
	v5 =	vmul.f32 v15, v33;
	v8 =	vmul.f32 v19, v34  }
0x126: {  	s0 =	sor.u32 s1, s0;
	[tilespmem:s28+$0x20] =	vst v6;
	v6 =	vadd.f32 v9, v7;
	v7 =	vmul.f32 v14, v33;
	v9 =	vmul.f32 v18, v34  }
0x127: {  	v12 =	vmul.f32 v17, v34;
	v10 =	vld [tilespmem:s0+$0xC000];
	[tilespmem:s28+$0x10] =	vst v4;
	v8 =	vadd.f32 v8, v5;
	v11 =	vmul.f32 v11, v33  }
0x128: {  	v3 =	vmul.f32 v3, v34;
	v4 =	vld [tilespmem:s0+$0x10];
	v13 =	vmul.f32 v13, v33;
	[tilespmem:s28+$0x1440] =	vst v6;
	v7 =	vadd.f32 v9, v7  }
0x129: {  	v5 =	vld [tilespmem:s0+$0xC010];
	[tilespmem:s28+$0x1450] =	vst v8;
	v8 =	vadd.f32 v12, v11  }
0x12a: {  	v6 =	vld [tilespmem:s0+$0x20];
	v9 =	vadd.f32 v3, v13;
	[tilespmem:s28+$0x1460] =	vst v7  }
0x12b: {  	v7 =	vld [tilespmem:s0+$0xC020];
	[tilespmem:s28+$0x1470] =	vst v8  }
0x12c: {  	v8 =	vld [tilespmem:s0+$0x30];
	[tilespmem:s28+$0x0] =	vst v9;
	v3 =	vmov v10;
	s28 =	smov.u32 s0  }
0x12d: {  	v9 =	vld [tilespmem:s28+$0xC030]  }
0x12e: {  	v10 =	vld [tilespmem:s28+$0x40]  }
0x12f: {  	v11 =	vld [tilespmem:s28+$0xC040]  }
0x130: {  	v12 =	vld [tilespmem:s28+$0x50]  }
0x131: {  	v13 =	vld [tilespmem:s28+$0x60]  }
0x132: {  	v14 =	vld [tilespmem:s28+$0x70]  }
0x133: {  	v15 =	vld [tilespmem:s28+$0x400]  }
0x134: {  	v16 =	vld [tilespmem:s28+$0x410]  }
0x135: {  	v17 =	vld [tilespmem:s28+$0x420]  }
0x136: {  	v18 =	vld [tilespmem:s28+$0x430]  }
0x137: {  	v19 =	vld [tilespmem:s28+$0x440]  }
0x138: {  	v20 =	vld [tilespmem:s28+$0x450]  }
0x139: {  	v21 =	vld [tilespmem:s28+$0x460]  }
0x13a: {  	v22 =	vld [tilespmem:s28+$0x470]  }
0x13b: {  	v23 =	vld [tilespmem:s28+$0x800]  }
0x13c: {  	v24 =	vld [tilespmem:s28+$0x810]  }
0x13d: {  	v25 =	vld [tilespmem:s28+$0x820]  }
0x13e: {  	v26 =	vld [tilespmem:s28+$0x830]  }
0x13f: {  	v27 =	vld [tilespmem:s28+$0x840]  }
0x140: {  	v28 =	vld [tilespmem:s28+$0x850]  }
0x141: {  	v29 =	vld [tilespmem:s28+$0x860]  }
0x142: {  	v30 =	vld [tilespmem:s28+$0x870]  }
0x143: {  	v31 =	vld [tilespmem:s28+$0xC00]  }
0x144: {  	v32 =	vld [tilespmem:s28+$0xC10]  }
0x145: {  	v35 =	vld [tilespmem:s28+$0xC20]  }
0x146: {  	v36 =	vld [tilespmem:s28+$0xC30]  }
0x147: {  	v37 =	vld [tilespmem:s28+$0xC40]  }
0x148: {  	v38 =	vld [tilespmem:s28+$0xC50]  }
0x149: {  	v39 =	vld [tilespmem:s28+$0xC60]  }
0x14a: {  	v40 =	vld [tilespmem:s28+$0xC70]  }
0x14b: {  	v41 =	vld [tilespmem:s28+$0x1000]  }
0x14c: {  	v42 =	vld [tilespmem:s28+$0x1010]  }
0x14d: {  	v43 =	vld [tilespmem:s28+$0x1020]  }
0x14e: {  	v44 =	vld [tilespmem:s28+$0x1030]  }
0x14f: {  	v45 =	vld [tilespmem:s28+$0x1040]  }
0x150: {  	v46 =	vld [tilespmem:s28+$0x1050]  }
.Ltmp0:
0x151: {  	v47 =	vld [tilespmem:s28+$0x1060];
	(pc) =	sbr.rel @p0 .LBB2_2-.Ltmp0, $4  }
0x152: {  	v48 =	vld [tilespmem:s28+$0x1070]  }
0x153: {  	v49 =	vld [tilespmem:s28+$0x1400]  }
0x154: {  	v50 =	vld [tilespmem:s28+$0x1410]  }
0x155: {  	s30 =	sadd.s32 $0x1, s30;
	s0 =	sand.u32 $0x30, s29;
	v51 =	vld [tilespmem:s28+$0xD420]  }
0x156: {  	v33 =	vld [tilespmem:s0+$0x18100]  }
0x157: {  	v34 =	vld [tilespmem:s0+$0x18180]  }
0x158: {  	v52 =	vld [tilespmem:s28+$0xD430]  }
0x159: {  	v53 =	vld [tilespmem:s28+$0x1430]  }
0x15a: {  	v54 =	vld [tilespmem:s28+$0x1420];
	s31 =	sand.u32 $0xF, s29  }
0x15b: {  	v55 =	vld [tilespmem:s28+$0xD410];
	v56 =	vmov s31  }
0x15c: {  	v57 =	vld [tilespmem:s28+$0xD400];
	v33 =	vperm.xlane v33, v56;
	v34 =	vperm.xlane v34, v56;
	_ =	sdelay $0x1  }
0x15d: {  	v58 =	vld [tilespmem:s28+$0xD060];
	v53 =	vmul.f32 v53, v33;
	v52 =	vmul.f32 v52, v34  }
0x15e: {  	v54 =	vmul.f32 v54, v33;
	v51 =	vmul.f32 v51, v34  }
0x15f: {  	v59 =	vld [tilespmem:s28+$0xD050];
	v50 =	vmul.f32 v50, v33;
	v62 =	vmul.f32 v55, v34  }
0x160: {  	v60 =	vld [tilespmem:s28+$0xD040];
	v49 =	vmul.f32 v49, v33;
	v63 =	vmul.f32 v57, v34  }
0x161: {  	v61 =	vld [tilespmem:s28+$0xD020];
	v48 =	vmul.f32 v48, v33;
	v47 =	vmul.f32 v47, v33;
	v52 =	vadd.f32 v52, v53  }
0x162: {  	v56 =	vld [tilespmem:s28+$0xD070];
	v58 =	vmul.f32 v58, v34;
	v46 =	vmul.f32 v46, v33;
	v51 =	vadd.f32 v51, v54  }
0x163: {  	v55 =	vld [tilespmem:s28+$0xC450];
	v10 =	vmul.f32 v10, v33;
	v11 =	vmul.f32 v11, v34;
	v50 =	vadd.f32 v62, v50;
	[tilespmem:s28+$0x1430] =	vst v52  }
0x164: {  	v8 =	vmul.f32 v8, v33;
	v9 =	vmul.f32 v9, v34;
	v53 =	vld [tilespmem:s28+$0xD030];
	v49 =	vadd.f32 v63, v49;
	[tilespmem:s28+$0x1420] =	vst v51  }
0x165: {  	v6 =	vmul.f32 v6, v33;
	v7 =	vmul.f32 v7, v34;
	v47 =	vadd.f32 v58, v47;
	v58 =	vld [tilespmem:s28+$0xCC20];
	[tilespmem:s28+$0x1410] =	vst v50  }
0x166: {  	v4 =	vmul.f32 v4, v33;
	v62 =	vmul.f32 v59, v34;
	v59 =	vld [tilespmem:s28+$0xCC10];
	v10 =	vadd.f32 v11, v10;
	[tilespmem:s28+$0x1400] =	vst v49  }
0x167: {  	v5 =	vmul.f32 v5, v34;
	v63 =	vmul.f32 v60, v34;
	v60 =	vld [tilespmem:s28+$0xCC00];
	v8 =	vadd.f32 v9, v8;
	[tilespmem:s28+$0x1060] =	vst v47  }
0x168: {  	v45 =	vmul.f32 v45, v33;
	v44 =	vmul.f32 v44, v33;
	v54 =	vld [tilespmem:s28+$0xC460];
	v6 =	vadd.f32 v7, v6;
	[tilespmem:s28+$0x40] =	vst v10  }
0x169: {  	v43 =	vmul.f32 v43, v33;
	v4 =	vadd.f32 v5, v4;
	v57 =	vmul.f32 v56, v34;
	v52 =	vld [tilespmem:s28+$0xD010];
	[tilespmem:s28+$0x30] =	vst v8  }
0x16a: {  	v42 =	vmul.f32 v42, v33;
	v41 =	vmul.f32 v41, v33;
	v51 =	vld [tilespmem:s28+$0xD000];
	v46 =	vadd.f32 v62, v46;
	[tilespmem:s28+$0x20] =	vst v6  }
0x16b: {  	v50 =	vld [tilespmem:s28+$0xCC70];
	v45 =	vadd.f32 v63, v45;
	[tilespmem:s28+$0x10] =	vst v4;
	v48 =	vadd.f32 v57, v48;
	v57 =	vmul.f32 v61, v34  }
0x16c: {  	v40 =	vmul.f32 v40, v33;
	v49 =	vld [tilespmem:s28+$0xCC60];
	[tilespmem:s28+$0x1050] =	vst v46;
	v53 =	vmul.f32 v53, v34  }
0x16d: {  	v35 =	vmul.f32 v35, v33;
	v47 =	vld [tilespmem:s28+$0xCC40];
	[tilespmem:s28+$0x1040] =	vst v45;
	v43 =	vadd.f32 v57, v43;
	v45 =	vmul.f32 v58, v34  }
0x16e: {  	v39 =	vmul.f32 v39, v33;
	v56 =	vld [tilespmem:s28+$0xC440];
	[tilespmem:s28+$0x1070] =	vst v48;
	v44 =	vadd.f32 v53, v44;
	v52 =	vmul.f32 v52, v34  }
0x16f: {  	v38 =	vmul.f32 v38, v33;
	v46 =	vld [tilespmem:s28+$0xCC30];
	v51 =	vmul.f32 v51, v34;
	[tilespmem:s28+$0x1020] =	vst v43;
	v35 =	vadd.f32 v45, v35  }
0x170: {  	v37 =	vmul.f32 v37, v33;
	v62 =	vld [tilespmem:s28+$0xC860];
	v50 =	vmul.f32 v50, v34;
	[tilespmem:s28+$0x1030] =	vst v44;
	v42 =	vadd.f32 v52, v42  }
0x171: {  	v36 =	vmul.f32 v36, v33;
	v48 =	vld [tilespmem:s28+$0xCC50];
	v49 =	vmul.f32 v49, v34;
	v41 =	vadd.f32 v51, v41;
	[tilespmem:s28+$0xC20] =	vst v35  }
0x172: {  	v32 =	vmul.f32 v32, v33;
	v61 =	vld [tilespmem:s28+$0xC870];
	v47 =	vmul.f32 v47, v34;
	v40 =	vadd.f32 v50, v40;
	[tilespmem:s28+$0x1010] =	vst v42  }
0x173: {  	v31 =	vmul.f32 v31, v33;
	v63 =	vld [tilespmem:s28+$0xC850];
	v43 =	vmul.f32 v60, v34;
	v39 =	vadd.f32 v49, v39;
	[tilespmem:s28+$0x1000] =	vst v41  }
0x174: {  	v30 =	vmul.f32 v30, v33;
	v57 =	vld [tilespmem:s28+$0xC430];
	v46 =	vmul.f32 v46, v34;
	v37 =	vadd.f32 v47, v37;
	[tilespmem:s28+$0xC70] =	vst v40  }
0x175: {  	v29 =	vmul.f32 v29, v33;
	v58 =	vld [tilespmem:s28+$0xC420];
	v44 =	vmul.f32 v59, v34;
	v31 =	vadd.f32 v43, v31;
	[tilespmem:s28+$0xC60] =	vst v39  }
0x176: {  	v28 =	vmul.f32 v28, v33;
	v53 =	vld [tilespmem:s28+$0xC470];
	v48 =	vmul.f32 v48, v34;
	v36 =	vadd.f32 v46, v36;
	[tilespmem:s28+$0xC40] =	vst v37  }
0x177: {  	v27 =	vmul.f32 v27, v33;
	v60 =	vld [tilespmem:s28+$0xC400];
	v32 =	vadd.f32 v44, v32;
	v42 =	vmul.f32 v61, v34;
	[tilespmem:s28+$0xC00] =	vst v31  }
0x178: {  	v26 =	vmul.f32 v26, v33;
	v45 =	vld [tilespmem:s28+$0x1440];
	v41 =	vmul.f32 v62, v34;
	v38 =	vadd.f32 v48, v38;
	[tilespmem:s28+$0xC30] =	vst v36  }
0x179: {  	v25 =	vmul.f32 v25, v33;
	v49 =	vld [tilespmem:s28+$0xC830];
	v40 =	vmul.f32 v63, v34;
	[tilespmem:s28+$0xC10] =	vst v32;
	v30 =	vadd.f32 v42, v30  }
0x17a: {  	v21 =	vmul.f32 v21, v33;
	v50 =	vld [tilespmem:s28+$0xC820];
	v31 =	vmul.f32 v54, v34;
	v29 =	vadd.f32 v41, v29;
	[tilespmem:s28+$0xC50] =	vst v38  }
0x17b: {  	v20 =	vmul.f32 v20, v33;
	v51 =	vld [tilespmem:s28+$0xC810];
	v62 =	vmul.f32 v55, v34;
	v28 =	vadd.f32 v40, v28;
	[tilespmem:s28+$0x870] =	vst v30  }
0x17c: {  	v22 =	vmul.f32 v22, v33;
	v52 =	vld [tilespmem:s28+$0xC800];
	v32 =	vmul.f32 v53, v34;
	v21 =	vadd.f32 v31, v21;
	[tilespmem:s28+$0x860] =	vst v29  }
0x17d: {  	v19 =	vmul.f32 v19, v33;
	v59 =	vld [tilespmem:s28+$0xC410];
	v31 =	vmul.f32 v56, v34;
	v20 =	vadd.f32 v62, v20;
	[tilespmem:s28+$0x850] =	vst v28  }
0x17e: {  	v15 =	vmul.f32 v15, v33;
	v43 =	vld [tilespmem:s28+$0xD470];
	v40 =	vmul.f32 v60, v34;
	v22 =	vadd.f32 v32, v22;
	[tilespmem:s28+$0x460] =	vst v21  }
0x17f: {  	v24 =	vmul.f32 v24, v33;
	v61 =	vld [tilespmem:s28+$0xC070];
	v38 =	vmul.f32 v49, v34;
	v19 =	vadd.f32 v31, v19;
	[tilespmem:s28+$0x450] =	vst v20  }
0x180: {  	v23 =	vmul.f32 v23, v33;
	v63 =	vld [tilespmem:s28+$0xC060];
	v37 =	vmul.f32 v50, v34;
	v15 =	vadd.f32 v40, v15;
	[tilespmem:s28+$0x470] =	vst v22  }
0x181: {  	v48 =	vld [tilespmem:s28+$0xC840];
	v36 =	vmul.f32 v51, v34;
	v35 =	vmul.f32 v52, v34;
	v26 =	vadd.f32 v38, v26;
	[tilespmem:s28+$0x440] =	vst v19  }
0x182: {  	v18 =	vmul.f32 v18, v33;
	v17 =	vmul.f32 v17, v33;
	v46 =	vld [tilespmem:s28+$0x1450];
	v25 =	vadd.f32 v37, v25;
	[tilespmem:s28+$0x400] =	vst v15  }
0x183: {  	v41 =	vld [tilespmem:s28+$0xD460];
	v24 =	vadd.f32 v36, v24;
	v23 =	vadd.f32 v35, v23;
	v35 =	vmul.f32 v57, v34;
	[tilespmem:s28+$0x830] =	vst v26  }
0x184: {  	v14 =	vmul.f32 v14, v33;
	v49 =	vld [tilespmem:s28+$0x1470];
	v37 =	vmul.f32 v58, v34;
	[tilespmem:s28+$0x820] =	vst v25  }
0x185: {  	v13 =	vmul.f32 v13, v33;
	v50 =	vld [tilespmem:s28+$0x0];
	v42 =	vmul.f32 v61, v34;
	[tilespmem:s28+$0x810] =	vst v24;
	v18 =	vadd.f32 v35, v18  }
0x186: {  	v32 =	vld [tilespmem:s28+$0xC050];
	v44 =	vmul.f32 v63, v34;
	v39 =	vmul.f32 v48, v34;
	[tilespmem:s28+$0x800] =	vst v23;
	v17 =	vadd.f32 v37, v17  }
0x187: {  	v16 =	vmul.f32 v16, v33;
	v36 =	vld [tilespmem:s28+$0xD440];
	v14 =	vadd.f32 v42, v14;
	[tilespmem:s28+$0x430] =	vst v18  }
0x188: {  	v38 =	vld [tilespmem:s28+$0xD450];
	v13 =	vadd.f32 v44, v13;
	v27 =	vadd.f32 v39, v27;
	v39 =	vmul.f32 v59, v34;
	[tilespmem:s28+$0x420] =	vst v17  }
0x189: {  	v60 =	vmul.f32 v43, v34;
	v48 =	vld [tilespmem:s28+$0x1460];
	v59 =	vmul.f32 v49, v33;
	[tilespmem:s28+$0x70] =	vst v14  }
0x18a: {  	v3 =	vmul.f32 v3, v34;
	v61 =	vmul.f32 v50, v33;
	[tilespmem:s28+$0x60] =	vst v13;
	v16 =	vadd.f32 v39, v16  }
0x18b: {  	v12 =	vmul.f32 v12, v33;
	v47 =	vmul.f32 v32, v34;
	[tilespmem:s28+$0x840] =	vst v27;
	v63 =	vadd.f32 v60, v59  }
0x18c: {  	v51 =	vmul.f32 v45, v33;
	v52 =	vmul.f32 v36, v34;
	v3 =	vadd.f32 v3, v61;
	[tilespmem:s28+$0x410] =	vst v16  }
0x18d: {  	v53 =	vmul.f32 v46, v33;
	v54 =	vmul.f32 v38, v34;
	v12 =	vadd.f32 v47, v12;
	[tilespmem:s28+$0x1470] =	vst v63  }
0x18e: {  	v57 =	vmul.f32 v41, v34;
	v56 =	vmul.f32 v48, v33;
	v55 =	vadd.f32 v52, v51;
	[tilespmem:s28+$0x0] =	vst v3  }
0x18f: {  	v58 =	vadd.f32 v54, v53;
	[tilespmem:s28+$0x50] =	vst v12  }
0x190: {  	s26 =	sadd.s32 $0x1, s26;
	v62 =	vadd.f32 v57, v56;
	[tilespmem:s28+$0x1440] =	vst v55  }
0x191: {  	p0 =	sne.s32 s26, s11;
	[tilespmem:s28+$0x1450] =	vst v58  }
.Ltmp1:
0x192: {  	[tilespmem:s28+$0x1460] =	vst v62;
	(pc) =	sbr.rel @p0 .LBB2_1-.Ltmp1, $4  }
0x193: {  	[hbm4b:s10+s2] =	stream.linear.scatter [tilespmem:s2], [sflag:$0x3], $0xC000, $0x38;
	[tilespmem:$0x18200] =	vst v63  }
0x194: {  	_ =	swait.ge [sflag:s13], $0xC000  }
0x195: {  	[sflag:s13] =	ssyncset.done $0x0  }
0x196: {  	[sflag:s13] =	ssyncadd.s32 $0xFFFF4000  }
0x197: {  	_ =	sfence.sel $0x180000  }
0x198: {  	[bflag:$0x0] =	sbarrier.arrive $0xFFFF  }
0x199: {  	_ =	strace $0x9000004A  }
0x19a: {  	s0 =	stileid.u32;
	[bflag:$0x2] =	sbarrier.arrive $0xFFFF  }
0x19b: {  	p0 =	sne.s32 s0, $0x0;
	s0 =	rddreg [dreg:$0x3]  }
0x19c: {  	s0 =	sadd.s32 @!p0 $0x100000, s0  }
0x19d: {  	[sflag:s0] =	ssyncadd.tile.s32 @!p0 $0x1;
	_ =	shalt  }
.Lfunc_end2:
_tile_overlayer_lowered:
.L_overlay_start_2:
0x19e: {  	(tag) =	ssettag $0x2  }
0x19f: {  	s0 =	rddreg [dreg:$0x0];
	s2 =	stileid.u32  }
0x1a0: {  	s1 =	rddreg [dreg:$0x1];
	p0 =	sne.s32 s2, $0x0  }
0x1a1: {  	s3 =	rddreg [dreg:$0x2];
	[bflag:$0x3] =	sbarrier.arrive $0xFFFF;
	s2 =	simm.s32 @!p0 $0x1C03  }
0x1a2: {  	[timem:s3], [sflag:s2] =	dma.local @!p0 [hbm:s0], s1  }
0x1a3: {  	s0 =	simm.s32 @!p0 $0x3  }
0x1a4: {  	_ =	swait.ge @!p0 [sflag:s0], s1  }
0x1a5: {  	s1 =	ssub.s32 @!p0 $0x0, s1;
	[sflag:s0] =	ssyncset.done @!p0 $0x0  }
0x1a6: {  	[sflag:s0] =	ssyncadd.s32 @!p0 s1  }
0x1a7: {  	[bflag:$0x3] =	sbarrier.arrive $0xFFFF  }
0x1a8: {  	_ =	shalt  }

</sc_bundles>
